<compile_context>
chip_gen: v7x
topology: tpu7x:2x2x1
jax: 0.10.2.dev20260603
libtpu: 0.0.44.dev20260713+nightly
codegen_flags: <defaults>
</compile_context>

<pallas_src>
import functools

import jax
import jax.numpy as jnp
from jax import lax
from jax.experimental import pallas as pl
from jax.experimental.pallas import tpu as pltpu
from jax.experimental.pallas import tpu_sc as plsc

N_NODES = 10000
N_HE = 5000
NNZ = 320000
D = 128
TRAIN = 5000

NC = 2
NS = 16
NW = NC * NS
PW = NNZ // NS
EHALF = N_HE // 2
EACC = 2560
EGAP = EACC - EHALF
VHALF = N_NODES // 2
VACC = 5120
MOLPAD = 10240

_mesh = plsc.VectorSubcoreMesh(core_axis_name="c", subcore_axis_name="s")


def _zero_rows(ref, nrows, ncols):
    z = jnp.zeros((16,), jnp.float32)

    def row(r, _):
        for cc in range(ncols // 16):
            ref[r, pl.ds(cc * 16, 16)] = z
        return 0

    lax.fori_loop(0, nrows, row, 0)



def _make_pass(acc_rows, half, src_shift, with_counts, with_mol, k):
    rps = acc_rows // NS
    trash = acc_rows - 1
    iters = PW // k
    tail = PW - iters * k
    sch = 160
    nst = rps // sch

    out_ty = [jax.ShapeDtypeStruct((NC, acc_rows, D), jnp.float32)]
    if with_counts:
        out_ty.append(jax.ShapeDtypeStruct((NC, acc_rows, D), jnp.float32))
    if with_mol:
        out_ty.append(jax.ShapeDtypeStruct((MOLPAD, D), jnp.float32))
    scratch = [
        pltpu.VMEM((k,), jnp.int32),
        pltpu.VMEM((k,), jnp.int32),
        pltpu.VMEM((k, D), jnp.float32),
        pltpu.VMEM((sch, D), jnp.float32),
        pltpu.VMEM_SHARED((acc_rows, D), jnp.float32),
        pltpu.SemaphoreType.DMA,
    ]
    if with_mol:
        scratch += [pltpu.VMEM((sch,), jnp.int32)]

    @functools.partial(pl.kernel, mesh=_mesh, out_type=out_ty,
                       scratch_types=scratch)
    def _p(*args):
        it = iter(args)
        tab, sidx, didx = next(it), next(it), next(it)
        if with_mol:
            drug, molidx = next(it), next(it)
        acc_o = next(it)
        cnt_o = next(it) if with_counts else None
        mol_o = next(it) if with_mol else None
        sb0, db0, rows0, stage, acc, sem0 = (
            next(it), next(it), next(it), next(it), next(it), next(it))
        if with_mol:
            molb = next(it)
        sbs, dbs = (sb0, sb0), (db0, db0)

        c = lax.axis_index("c")
        s = lax.axis_index("s")
        lo = c * half
        tr = jnp.full((16,), trash, jnp.int32)

        def zero_acc():
            _zero_rows(stage, sch, D)
            for j in range(nst):
                pltpu.sync_copy(stage, acc.at[pl.ds(s * rps + j * sch, sch)])

        def load_idx(i, b):
            base = s * PW + i * k
            pltpu.sync_copy(sidx.at[pl.ds(base, k)], sbs[b])
            pltpu.sync_copy(didx.at[pl.ds(base, k)], dbs[b])

        far = jnp.full((16,), 1 << 20, jnp.int32)
        zi = jnp.zeros((16,), jnp.int32)

        def load_tail(b, dest_only=False):
            base = s * PW + iters * k
            if not dest_only:
                pltpu.sync_copy(sidx.at[pl.ds(base, tail)],
                                sbs[b].at[pl.ds(0, tail)])
            pltpu.sync_copy(didx.at[pl.ds(base, tail)],
                            dbs[b].at[pl.ds(0, tail)])
            for g in range(tail // 16, k // 16):
                if not dest_only:
                    sbs[b][pl.ds(g * 16, 16)] = zi
                dbs[b][pl.ds(g * 16, 16)] = far

        def remap(b, dest_only=False):
            dbr, sbr = dbs[b], sbs[b]

            def grp(g, __):
                d = dbr[pl.ds(g * 16, 16)]
                dl = d - lo
                ok = (dl >= 0) & (dl < half)
                dbr[pl.ds(g * 16, 16)] = jnp.where(ok, dl, tr)
                if src_shift and not dest_only:
                    x = sbr[pl.ds(g * 16, 16)]
                    sbr[pl.ds(g * 16, 16)] = jnp.where(
                        x >= src_shift[0], x + src_shift[1], x)
                return 0

            lax.fori_loop(0, k // 16, grp, 0)

        def stage_out(dst_o):
            for j in range(nst):
                pltpu.sync_copy(acc.at[pl.ds(s * rps + j * sch, sch)], stage)
                pltpu.sync_copy(stage,
                                dst_o.at[c, pl.ds(s * rps + j * sch, sch)])

        zero_acc()
        plsc.subcore_barrier()

        def body(i, _):
            load_idx(i, 0)
            remap(0)
            pltpu.async_copy(tab.at[sb0], rows0, sem0).wait()
            pltpu.sync_copy(rows0, acc.at[db0], add=True)
            return 0

        lax.fori_loop(0, iters, body, 0)

        if tail:
            load_tail(0)
            remap(0)
            pltpu.async_copy(tab.at[sb0], rows0, sem0).wait()
            pltpu.sync_copy(rows0, acc.at[db0], add=True)

        if with_mol:
            wid = s * NC + c
            mw = MOLPAD // NW
            for j in range(mw // sch):
                off = wid * mw + j * sch
                pltpu.sync_copy(molidx.at[pl.ds(off, sch)], molb)
                pltpu.async_copy(drug.at[molb], stage, sem0).wait()
                pltpu.sync_copy(stage, mol_o.at[pl.ds(off, sch)])

        plsc.subcore_barrier()
        stage_out(acc_o)

        if with_counts:
            plsc.subcore_barrier()
            zero_acc()
            one = jnp.ones((16,), jnp.float32)

            def orow(r, _):
                for cc in range(D // 16):
                    rows0[r, pl.ds(cc * 16, 16)] = one
                return 0

            lax.fori_loop(0, k, orow, 0)
            plsc.subcore_barrier()

            def body2(i, _):
                base = s * PW + i * k
                pltpu.sync_copy(didx.at[pl.ds(base, k)], db0)
                remap(0, dest_only=True)
                pltpu.sync_copy(rows0, acc.at[db0], add=True)
                return 0

            lax.fori_loop(0, iters, body2, 0)
            if tail:
                load_tail(0, dest_only=True)
                remap(0, dest_only=True)
                pltpu.sync_copy(rows0, acc.at[db0], add=True)
            plsc.subcore_barrier()
            stage_out(cnt_o)

    return _p


_p1 = _make_pass(EACC, EHALF, None, True, True, 400)
_p2 = _make_pass(VACC, VHALF, (EHALF, EGAP), True, False, 400)
_p3 = _make_pass(EACC, EHALF, None, False, False, 400)
_p4 = _make_pass(VACC, VHALF, (EHALF, EGAP), False, False, 400)



def _mm_relu_body(x_ref, w_ref, b_ref, o_ref):
    o_ref[...] = jax.nn.relu(
        jnp.dot(x_ref[...], w_ref[...], preferred_element_type=jnp.float32)
        + b_ref[...])


def _relu_mm(x, w, b):
    n = x.shape[0]
    bs = 1000
    return pl.pallas_call(
        _mm_relu_body,
        grid=(n // bs,),
        in_specs=[pl.BlockSpec((bs, D), lambda i: (i, 0)),
                  pl.BlockSpec((D, D), lambda i: (0, 0)),
                  pl.BlockSpec((1, D), lambda i: (0, 0))],
        out_specs=pl.BlockSpec((bs, D), lambda i: (i, 0)),
        out_shape=jax.ShapeDtypeStruct((n, D), jnp.float32),
    )(x, w, b.reshape(1, D))


def _cnt_col(c_ref):
    return jnp.maximum(c_ref[0, :, :1], 1.0)


def _div_e_body(s_ref, c_ref, o_ref):
    o_ref[...] = s_ref[0] / _cnt_col(c_ref)


def _div_e(esum, ecnt):
    return pl.pallas_call(
        _div_e_body,
        grid=(NC,),
        in_specs=[pl.BlockSpec((1, EACC, D), lambda i: (i, 0, 0)),
                  pl.BlockSpec((1, EACC, D), lambda i: (i, 0, 0))],
        out_specs=pl.BlockSpec((EACC, D), lambda i: (i, 0)),
        out_shape=jax.ShapeDtypeStruct((NC * EACC, D), jnp.float32),
    )(esum, ecnt)


def _xw_body(s_ref, c_ref, w_ref, b_ref, o_ref):
    x = jax.nn.relu(s_ref[0] / _cnt_col(c_ref))[:VHALF]
    o_ref[...] = jax.nn.relu(
        jnp.dot(x, w_ref[...], preferred_element_type=jnp.float32)
        + b_ref[...])


def _xw(vsum, vcnt, w, b):
    return pl.pallas_call(
        _xw_body,
        grid=(NC,),
        in_specs=[pl.BlockSpec((1, VACC, D), lambda i: (i, 0, 0)),
                  pl.BlockSpec((1, VACC, D), lambda i: (i, 0, 0)),
                  pl.BlockSpec((D, D), lambda i: (0, 0)),
                  pl.BlockSpec((1, D), lambda i: (0, 0))],
        out_specs=pl.BlockSpec((VHALF, D), lambda i: (i, 0)),
        out_shape=jax.ShapeDtypeStruct((N_NODES, D), jnp.float32),
    )(vsum, vcnt, w, b.reshape(1, D))


def _feat_body(s_ref, c_ref, m_ref, o_ref):
    o_ref[...] = (s_ref[0] / _cnt_col(c_ref))[:VHALF] + m_ref[...]


def _feat_comb(vsum, vcnt, mol):
    return pl.pallas_call(
        _feat_body,
        grid=(NC,),
        in_specs=[pl.BlockSpec((1, VACC, D), lambda i: (i, 0, 0)),
                  pl.BlockSpec((1, VACC, D), lambda i: (i, 0, 0)),
                  pl.BlockSpec((VHALF, D), lambda i: (i, 0))],
        out_specs=pl.BlockSpec((VHALF, D), lambda i: (i, 0)),
        out_shape=jax.ShapeDtypeStruct((N_NODES, D), jnp.float32),
    )(vsum, vcnt, mol)


def _tail_body(f_ref, yb_ref, wmua, wmub, bmu, wlva, wlvb, blv,
               w3, b3, g2, beta, wc, bc, wda, wdb, bd,
               mu_ref, lv_ref, lg_ref, rc_ref):
    f = f_ref[...]
    yb = yb_ref[...]
    dot = functools.partial(jnp.dot, preferred_element_type=jnp.float32)
    mu = dot(f, wmua[...]) + dot(yb, wmub[...]) + bmu[...]
    lv = dot(f, wlva[...]) + dot(yb, wlvb[...]) + blv[...]
    h = dot(mu, w3[...]) + b3[...]
    h = jax.nn.relu(g2[...] * h + beta[...])
    lg = dot(h, wc[...]) + bc[...]
    rc = dot(mu, wda[...]) + dot(yb, wdb[...]) + bd[...]
    mu_ref[...] = mu
    lv_ref[...] = lv
    lg_ref[...] = lg
    rc_ref[...] = rc


def _tail(feat, y_bin, Wmu, bmu, Wlv, blv, W3, b3, gamma, beta, Wc, bc,
          Wd, bd):
    bs = 1000
    n = N_NODES - TRAIN
    g2 = (gamma / jnp.sqrt(1.0 + 1e-5)).reshape(1, 64)
    full = lambda *s: pl.BlockSpec(s, lambda i: tuple(0 for _ in s))
    return pl.pallas_call(
        _tail_body,
        grid=(n // bs,),
        in_specs=[
            pl.BlockSpec((bs, D), lambda i: (i + TRAIN // bs, 0)),
            pl.BlockSpec((bs, 3), lambda i: (i, 0)),
            full(D, 64), full(3, 64), full(1, 64),
            full(D, 64), full(3, 64), full(1, 64),
            full(64, 64), full(1, 64),
            full(1, 64), full(1, 64),
            full(64, 3), full(1, 3),
            full(64, D), full(3, D), full(1, D),
        ],
        out_specs=[pl.BlockSpec((bs, 64), lambda i: (i, 0)),
                   pl.BlockSpec((bs, 64), lambda i: (i, 0)),
                   pl.BlockSpec((bs, 3), lambda i: (i, 0)),
                   pl.BlockSpec((bs, D), lambda i: (i, 0))],
        out_shape=[jax.ShapeDtypeStruct((n, 64), jnp.float32),
                   jax.ShapeDtypeStruct((n, 64), jnp.float32),
                   jax.ShapeDtypeStruct((n, 3), jnp.float32),
                   jax.ShapeDtypeStruct((n, D), jnp.float32)],
    )(feat, y_bin,
      Wmu[:D], Wmu[D:], bmu.reshape(1, 64),
      Wlv[:D], Wlv[D:], blv.reshape(1, 64),
      W3, b3.reshape(1, 64), g2, beta.reshape(1, 64),
      Wc, bc.reshape(1, 3), Wd[:64], Wd[64:], bd.reshape(1, D))



def kernel(feature, v_idx, e_idx, y_bin, y_target, drug_matrix, new_data_idx,
           W1, b1, W2, b2, Wmu, bmu, Wlv, blv, W3, b3, gamma, beta, Wc, bc,
           Wd, bd):
    vi = v_idx.astype(jnp.int32)
    ei = e_idx.astype(jnp.int32)
    molidx = jnp.concatenate(
        [new_data_idx.astype(jnp.int32),
         jnp.zeros((MOLPAD - N_NODES,), jnp.int32)])

    A1 = _relu_mm(feature, W1, b1)
    es1, ec, mol = _p1(A1, vi, ei, drug_matrix, molidx)
    E1 = _div_e(es1, ec)
    vs1, vc = _p2(E1, ei, vi)
    A2 = _xw(vs1, vc, W2, b2)
    es2, = _p3(A2, vi, ei)
    E2 = _div_e(es2, ec)
    vs2, = _p4(E2, ei, vi)
    feat = _feat_comb(vs2, vc, mol[:N_NODES])
    mu, lv, lg, rc = _tail(feat, y_bin, Wmu, bmu, Wlv, blv, W3, b3,
                           gamma, beta, Wc, bc, Wd, bd)
    return (mu, lv, mu, lg, rc, y_target, feat)

# --- scband reference (transcript-rebuilt; emitter-appended) ---
"""Pipeline reference for scband-hgnnp-11914239279533 (READ-ONLY COPY).

The authoritative reference and input builder live on the scoring server;
editing this copy changes nothing except your own understanding.
"""

import jax, jax.numpy as jnp
import numpy as np

N_NODES = 10000
N_HE = 5000
NNZ = 320000
D = 128
ZDIM = 64
NUM_LABEL = 3
N_DRUGS = 500
TRAIN = 5000


def _lin_init(key, fan_in, fan_out):
    kw, kb = jax.random.split(key)
    bound = 1.0 / np.sqrt(fan_in)
    W = jax.random.uniform(kw, (fan_in, fan_out), minval=-bound, maxval=bound, dtype=jnp.float32)
    b = jax.random.uniform(kb, (fan_out,), minval=-bound, maxval=bound, dtype=jnp.float32)
    return W, b


def setup_inputs(seed: int = 0):
    key = jax.random.key(seed)
    ks = jax.random.split(key, 16)
    feature = jax.random.normal(ks[0], (N_NODES, D), dtype=jnp.float32)
    v_idx = jax.random.randint(ks[1], (NNZ,), 0, N_NODES, dtype=jnp.int64 if jax.config.read('jax_enable_x64') else jnp.int32)
    e_idx = jax.random.randint(ks[2], (NNZ,), 0, N_HE, dtype=v_idx.dtype)
    y_bin = jax.random.uniform(ks[3], (N_NODES - TRAIN, NUM_LABEL), dtype=jnp.float32)
    y_target = jax.random.randint(ks[4], (N_NODES - TRAIN,), 0, NUM_LABEL, dtype=v_idx.dtype)
    drug_matrix = jax.random.normal(ks[5], (N_DRUGS, D), dtype=jnp.float32)
    new_data_idx = jax.random.randint(ks[6], (N_NODES,), 0, N_DRUGS, dtype=v_idx.dtype)
    W1, b1 = _lin_init(ks[7], D, D)
    W2, b2 = _lin_init(ks[8], D, D)
    Wmu, bmu = _lin_init(ks[9], D + NUM_LABEL, ZDIM)
    Wlv, blv = _lin_init(ks[10], D + NUM_LABEL, ZDIM)
    W3, b3 = _lin_init(ks[11], ZDIM, 64)
    gamma = jnp.ones((64,), dtype=jnp.float32)
    beta = jnp.zeros((64,), dtype=jnp.float32)
    Wc, bc = _lin_init(ks[12], 64, 3)
    Wd, bd = _lin_init(ks[13], ZDIM + NUM_LABEL, D)
    return {
        'feature': feature, 'v_idx': v_idx, 'e_idx': e_idx, 'y_bin': y_bin,
        'y_target': y_target, 'drug_matrix': drug_matrix, 'new_data_idx': new_data_idx,
        'W1': W1, 'b1': b1, 'W2': W2, 'b2': b2, 'Wmu': Wmu, 'bmu': bmu,
        'Wlv': Wlv, 'blv': blv, 'W3': W3, 'b3': b3, 'gamma': gamma, 'beta': beta,
        'Wc': Wc, 'bc': bc, 'Wd': Wd, 'bd': bd,
    }


def _v2v_mean(X, v_idx, e_idx):
    # HGNN+ two-stage message passing: vertex->hyperedge mean, hyperedge->vertex mean
    ones = jnp.ones((v_idx.shape[0], 1), dtype=X.dtype)
    e_sum = jax.ops.segment_sum(jnp.take(X, v_idx, axis=0), e_idx, num_segments=N_HE)
    e_cnt = jax.ops.segment_sum(ones, e_idx, num_segments=N_HE)
    e_feat = e_sum / jnp.clip(e_cnt, 1.0, None)
    v_sum = jax.ops.segment_sum(jnp.take(e_feat, e_idx, axis=0), v_idx, num_segments=N_NODES)
    v_cnt = jax.ops.segment_sum(ones, v_idx, num_segments=N_NODES)
    return v_sum / jnp.clip(v_cnt, 1.0, None)


def _hgnnp_conv(X, W, b, v_idx, e_idx, is_last):
    X = jax.nn.relu(X @ W + b)
    X = jax.lax.stop_gradient(X)  # .detach() in torch forward
    X = _v2v_mean(X, v_idx, e_idx)
    if not is_last:
        X = jax.nn.relu(X)  # dropout is identity in eval / drop_rate=0
    return X


def reference(feature, v_idx, e_idx, y_bin, y_target, drug_matrix, new_data_idx,
              W1, b1, W2, b2, Wmu, bmu, Wlv, blv, W3, b3, gamma, beta, Wc, bc, Wd, bd):
    X = _hgnnp_conv(feature, W1, b1, v_idx, e_idx, False)
    X = _hgnnp_conv(X, W2, b2, v_idx, e_idx, True)
    molecular_feats = jnp.take(drug_matrix, new_data_idx, axis=0)
    feat = X + molecular_feats
    features_test = feat[TRAIN:]
    x = jnp.concatenate([features_test, y_bin], axis=-1)  # generative=True
    mu = x @ Wmu + bmu
    logvar = x @ Wlv + blv
    z1 = mu  # reparameterize returns mu in eval (iftrain=False)
    h = z1 @ W3 + b3
    h = gamma * (h / jnp.sqrt(1.0 + 1e-5)) + beta  # BatchNorm1d eval, running mean 0 var 1
    h = jax.nn.relu(h)
    logits = h @ Wc + bc
    x_reconst = jnp.concatenate([z1, y_bin], axis=-1) @ Wd + bd
    return (mu, logvar, z1, logits, x_reconst, y_target, feat)

if __name__ == "__main__":
    import jax
    _d = setup_inputs()
    print(jax.jit(kernel)(*tuple(_d.values())))

</pallas_src>

<mosaic_0001>
#map = affine_map<(d0, d1) -> (0, 0)>
#map1 = affine_map<(d0, d1) -> (0)>
#map2 = affine_map<(d0, d1) -> (0, 0, 0)>
module attributes {stable_mosaic.version = 14 : i64} {
  func.func @_p(%arg0: i32, %arg1: i32, %arg2: memref<5120x128xf32, #tpu.memory_space<hbm>>, %arg3: memref<320000xi32, #tpu.memory_space<hbm>>, %arg4: memref<320000xi32, #tpu.memory_space<hbm>>, %arg5: memref<2x5120x128xf32, #tpu.memory_space<hbm>>, %arg6: memref<400xi32, #tpu.memory_space<vmem>>, %arg7: memref<400xi32, #tpu.memory_space<vmem>>, %arg8: memref<400x128xf32, #tpu.memory_space<vmem>>, %arg9: memref<160x128xf32, #tpu.memory_space<vmem>>, %arg10: memref<5120x128xf32, #tpu.memory_space<vmem_shared>>, %arg11: memref<!tpu.dma_semaphore, #tpu.memory_space<semaphore_mem>>) attributes {dimension_semantics = [#tpu.dimension_semantics<core_parallel>, #tpu.dimension_semantics<subcore_parallel>], iteration_bounds = array<i64: 2, 16>, scalar_prefetch = 0 : i64, scratch_operands = 6 : i64, tpu.core_type = #tpu.core_type<sc_vector_subcore>, window_params = [{transform_indices = #map}, {transform_indices = #map1}, {transform_indices = #map1}, {transform_indices = #map2}]} {
    %mul3A = arith.constant 5000 : i32
    %mul3A_0 = arith.muli %arg0, %mul3A : i32
    %broadcast_in_dim3A = arith.constant 5119 : i32
    %broadcast_in_dim3A_1 = vector.broadcast %broadcast_in_dim3A : i32 to vector<16xi32>
    %broadcast_in_dim3A_2 = arith.constant 1048576 : i32
    %broadcast_in_dim3A_3 = vector.broadcast %broadcast_in_dim3A_2 : i32 to vector<16xi32>
    %broadcast_in_dim3A_4 = arith.constant 0 : i32
    %broadcast_in_dim3A_5 = vector.broadcast %broadcast_in_dim3A_4 : i32 to vector<16xi32>
    %broadcast_in_dim3A_6 = arith.constant 0.000000e+00 : f32
    %broadcast_in_dim3A_7 = vector.broadcast %broadcast_in_dim3A_6 : f32 to vector<16xf32>
    %scan3A = arith.constant 0 : i32
    %scan3A_8 = arith.constant 0 : i32
    %scan3A_9 = arith.constant 160 : i32
    %scan3A_10 = arith.addi %scan3A_8, %scan3A_9 : i32
    %scan3A_11 = arith.constant 1 : i32
    %scan3A_12 = scf.for %scan3A_45 = %scan3A_8 to %scan3A_10 step %scan3A_11 iter_args(%scan3A_46 = %scan3A) -> (i32)  : i32 {
      %swap3A = arith.index_cast %scan3A_45 : i32 to index
      %swap3A_47 = arith.constant 0 : index
      %swap3A_48 = tpu.vector_load %arg9[%swap3A, %swap3A_47] {strides = array<i32>} : memref<160x128xf32, #tpu.memory_space<vmem>>, vector<1x16xf32>,
      %swap3A_49 = vector.shape_cast %swap3A_48 : vector<1x16xf32> to vector<16xf32>
      %swap3A_50 = vector.shape_cast %broadcast_in_dim3A_7 : vector<16xf32> to vector<1x16xf32>
      tpu.vector_store %arg9[%swap3A, %swap3A_47], %swap3A_50 {strides = array<i32>} : memref<160x128xf32, #tpu.memory_space<vmem>>, vector<1x16xf32>,
      %swap3A_51 = arith.index_cast %scan3A_45 : i32 to index
      %swap3A_52 = arith.constant 16 : index
      %swap3A_53 = tpu.vector_load %arg9[%swap3A_51, %swap3A_52] {strides = array<i32>} : memref<160x128xf32, #tpu.memory_space<vmem>>, vector<1x16xf32>,
      %swap3A_54 = vector.shape_cast %swap3A_53 : vector<1x16xf32> to vector<16xf32>
      %swap3A_55 = vector.shape_cast %broadcast_in_dim3A_7 : vector<16xf32> to vector<1x16xf32>
      tpu.vector_store %arg9[%swap3A_51, %swap3A_52], %swap3A_55 {strides = array<i32>} : memref<160x128xf32, #tpu.memory_space<vmem>>, vector<1x16xf32>,
      %swap3A_56 = arith.index_cast %scan3A_45 : i32 to index
      %swap3A_57 = arith.constant 32 : index
      %swap3A_58 = tpu.vector_load %arg9[%swap3A_56, %swap3A_57] {strides = array<i32>} : memref<160x128xf32, #tpu.memory_space<vmem>>, vector<1x16xf32>,
      %swap3A_59 = vector.shape_cast %swap3A_58 : vector<1x16xf32> to vector<16xf32>
      %swap3A_60 = vector.shape_cast %broadcast_in_dim3A_7 : vector<16xf32> to vector<1x16xf32>
      tpu.vector_store %arg9[%swap3A_56, %swap3A_57], %swap3A_60 {strides = array<i32>} : memref<160x128xf32, #tpu.memory_space<vmem>>, vector<1x16xf32>,
      %swap3A_61 = arith.index_cast %scan3A_45 : i32 to index
      %swap3A_62 = arith.constant 48 : index
      %swap3A_63 = tpu.vector_load %arg9[%swap3A_61, %swap3A_62] {strides = array<i32>} : memref<160x128xf32, #tpu.memory_space<vmem>>, vector<1x16xf32>,
      %swap3A_64 = vector.shape_cast %swap3A_63 : vector<1x16xf32> to vector<16xf32>
      %swap3A_65 = vector.shape_cast %broadcast_in_dim3A_7 : vector<16xf32> to vector<1x16xf32>
      tpu.vector_store %arg9[%swap3A_61, %swap3A_62], %swap3A_65 {strides = array<i32>} : memref<160x128xf32, #tpu.memory_space<vmem>>, vector<1x16xf32>,
      %swap3A_66 = arith.index_cast %scan3A_45 : i32 to index
      %swap3A_67 = arith.constant 64 : index
      %swap3A_68 = tpu.vector_load %arg9[%swap3A_66, %swap3A_67] {strides = array<i32>} : memref<160x128xf32, #tpu.memory_space<vmem>>, vector<1x16xf32>,
      %swap3A_69 = vector.shape_cast %swap3A_68 : vector<1x16xf32> to vector<16xf32>
      %swap3A_70 = vector.shape_cast %broadcast_in_dim3A_7 : vector<16xf32> to vector<1x16xf32>
      tpu.vector_store %arg9[%swap3A_66, %swap3A_67], %swap3A_70 {strides = array<i32>} : memref<160x128xf32, #tpu.memory_space<vmem>>, vector<1x16xf32>,
      %swap3A_71 = arith.index_cast %scan3A_45 : i32 to index
      %swap3A_72 = arith.constant 80 : index
      %swap3A_73 = tpu.vector_load %arg9[%swap3A_71, %swap3A_72] {strides = array<i32>} : memref<160x128xf32, #tpu.memory_space<vmem>>, vector<1x16xf32>,
      %swap3A_74 = vector.shape_cast %swap3A_73 : vector<1x16xf32> to vector<16xf32>
      %swap3A_75 = vector.shape_cast %broadcast_in_dim3A_7 : vector<16xf32> to vector<1x16xf32>
      tpu.vector_store %arg9[%swap3A_71, %swap3A_72], %swap3A_75 {strides = array<i32>} : memref<160x128xf32, #tpu.memory_space<vmem>>, vector<1x16xf32>,
      %swap3A_76 = arith.index_cast %scan3A_45 : i32 to index
      %swap3A_77 = arith.constant 96 : index
      %swap3A_78 = tpu.vector_load %arg9[%swap3A_76, %swap3A_77] {strides = array<i32>} : memref<160x128xf32, #tpu.memory_space<vmem>>, vector<1x16xf32>,
      %swap3A_79 = vector.shape_cast %swap3A_78 : vector<1x16xf32> to vector<16xf32>
      %swap3A_80 = vector.shape_cast %broadcast_in_dim3A_7 : vector<16xf32> to vector<1x16xf32>
      tpu.vector_store %arg9[%swap3A_76, %swap3A_77], %swap3A_80 {strides = array<i32>} : memref<160x128xf32, #tpu.memory_space<vmem>>, vector<1x16xf32>,
      %swap3A_81 = arith.index_cast %scan3A_45 : i32 to index
      %swap3A_82 = arith.constant 112 : index
      %swap3A_83 = tpu.vector_load %arg9[%swap3A_81, %swap3A_82] {strides = array<i32>} : memref<160x128xf32, #tpu.memory_space<vmem>>, vector<1x16xf32>,
      %swap3A_84 = vector.shape_cast %swap3A_83 : vector<1x16xf32> to vector<16xf32>
      %swap3A_85 = vector.shape_cast %broadcast_in_dim3A_7 : vector<16xf32> to vector<1x16xf32>
      tpu.vector_store %arg9[%swap3A_81, %swap3A_82], %swap3A_85 {strides = array<i32>} : memref<160x128xf32, #tpu.memory_space<vmem>>, vector<1x16xf32>,
      %scan3A_86 = arith.constant 0 : i32
      scf.yield %scan3A_86 : i32
    }
    %scan3A_13 = arith.constant 160 : i32
    %mul3A_14 = arith.constant 320 : i32
    %mul3A_15 = arith.muli %arg1, %mul3A_14 : i32
    %add3A = arith.constant 0 : i32
    %add3A_16 = arith.addi %mul3A_15, %add3A : i32
    "tpu.region"() ({
      %run_scoped3A = tpu.sem_alloc : memref<!tpu.dma_semaphore, #tpu.memory_space<semaphore_mem>>
      %dma_start3A = arith.constant 0 : i32
      %dma_start3A_45 = tpu.memref_slice %arg10[%add3A_16, %dma_start3A] : memref<5120x128xf32, #tpu.memory_space<vmem_shared>> -> memref<160x128xf32, #tpu.memory_space<vmem_shared>>
      %dma_start3A_46 = arith.constant 0 : i32
      %dma_start3A_47 = tpu.memref_slice %arg10[%add3A_16, %dma_start3A_46] : memref<5120x128xf32, #tpu.memory_space<vmem_shared>> -> memref<160x128xf32, #tpu.memory_space<vmem_shared>>
      tpu.enqueue_dma source(%arg9 : memref<160x128xf32, #tpu.memory_space<vmem>>) target(%dma_start3A_47 : memref<160x128xf32, #tpu.memory_space<vmem_shared>>) target_semaphore(%run_scoped3A : memref<!tpu.dma_semaphore, #tpu.memory_space<semaphore_mem>>)
      %dma_wait3A = arith.constant 0 : i32
      %dma_wait3A_48 = tpu.memref_slice %arg10[%add3A_16, %dma_wait3A] : memref<5120x128xf32, #tpu.memory_space<vmem_shared>> -> memref<160x128xf32, #tpu.memory_space<vmem_shared>>
      %dma_wait3A_49 = arith.constant 0 : i32
      %dma_wait3A_50 = tpu.memref_slice %arg10[%add3A_16, %dma_wait3A_49] : memref<5120x128xf32, #tpu.memory_space<vmem_shared>> -> memref<160x128xf32, #tpu.memory_space<vmem_shared>>
      tpu.wait_dma2 semaphore(%run_scoped3A : memref<!tpu.dma_semaphore, #tpu.memory_space<semaphore_mem>>) src(%arg9 : memref<160x128xf32, #tpu.memory_space<vmem>>) dst(%dma_wait3A_50 : memref<160x128xf32, #tpu.memory_space<vmem_shared>>)
      tpu.yield
    }) : () -> ()
    %mul3A_17 = arith.constant 320 : i32
    %mul3A_18 = arith.muli %arg1, %mul3A_17 : i32
    %add3A_19 = arith.constant 160 : i32
    %add3A_20 = arith.addi %mul3A_18, %add3A_19 : i32
    "tpu.region"() ({
      %run_scoped3A = tpu.sem_alloc : memref<!tpu.dma_semaphore, #tpu.memory_space<semaphore_mem>>
      %dma_start3A = arith.constant 0 : i32
      %dma_start3A_45 = tpu.memref_slice %arg10[%add3A_20, %dma_start3A] : memref<5120x128xf32, #tpu.memory_space<vmem_shared>> -> memref<160x128xf32, #tpu.memory_space<vmem_shared>>
      %dma_start3A_46 = arith.constant 0 : i32
      %dma_start3A_47 = tpu.memref_slice %arg10[%add3A_20, %dma_start3A_46] : memref<5120x128xf32, #tpu.memory_space<vmem_shared>> -> memref<160x128xf32, #tpu.memory_space<vmem_shared>>
      tpu.enqueue_dma source(%arg9 : memref<160x128xf32, #tpu.memory_space<vmem>>) target(%dma_start3A_47 : memref<160x128xf32, #tpu.memory_space<vmem_shared>>) target_semaphore(%run_scoped3A : memref<!tpu.dma_semaphore, #tpu.memory_space<semaphore_mem>>)
      %dma_wait3A = arith.constant 0 : i32
      %dma_wait3A_48 = tpu.memref_slice %arg10[%add3A_20, %dma_wait3A] : memref<5120x128xf32, #tpu.memory_space<vmem_shared>> -> memref<160x128xf32, #tpu.memory_space<vmem_shared>>
      %dma_wait3A_49 = arith.constant 0 : i32
      %dma_wait3A_50 = tpu.memref_slice %arg10[%add3A_20, %dma_wait3A_49] : memref<5120x128xf32, #tpu.memory_space<vmem_shared>> -> memref<160x128xf32, #tpu.memory_space<vmem_shared>>
      tpu.wait_dma2 semaphore(%run_scoped3A : memref<!tpu.dma_semaphore, #tpu.memory_space<semaphore_mem>>) src(%arg9 : memref<160x128xf32, #tpu.memory_space<vmem>>) dst(%dma_wait3A_50 : memref<160x128xf32, #tpu.memory_space<vmem_shared>>)
      tpu.yield
    }) : () -> ()
    %barrier3A = arith.constant 0 : index
    tpu.barrier barrier_id(%barrier3A)
    %scan3A_21 = arith.constant 0 : i32
    %scan3A_22 = arith.constant 0 : i32
    %scan3A_23 = arith.constant 50 : i32
    %scan3A_24 = arith.addi %scan3A_22, %scan3A_23 : i32
    %scan3A_25 = arith.constant 1 : i32
    %scan3A_26 = scf.for %scan3A_45 = %scan3A_22 to %scan3A_24 step %scan3A_25 iter_args(%scan3A_46 = %scan3A_21) -> (i32)  : i32 {
      %mul3A_47 = arith.constant 20000 : i32
      %mul3A_48 = arith.muli %arg1, %mul3A_47 : i32
      %mul3A_49 = arith.constant 400 : i32
      %mul3A_50 = arith.muli %scan3A_45, %mul3A_49 : i32
      %add3A_51 = arith.addi %mul3A_48, %mul3A_50 : i32
      "tpu.region"() ({
        %run_scoped3A = tpu.sem_alloc : memref<!tpu.dma_semaphore, #tpu.memory_space<semaphore_mem>>
        %dma_start3A_64 = tpu.memref_slice %arg3[%add3A_51] : memref<320000xi32, #tpu.memory_space<hbm>> -> memref<400xi32, #tpu.memory_space<hbm>>
        %dma_start3A_65 = tpu.memref_slice %arg3[%add3A_51] : memref<320000xi32, #tpu.memory_space<hbm>> -> memref<400xi32, #tpu.memory_space<hbm>>
        tpu.enqueue_dma source(%dma_start3A_65 : memref<400xi32, #tpu.memory_space<hbm>>) target(%arg6 : memref<400xi32, #tpu.memory_space<vmem>>) target_semaphore(%run_scoped3A : memref<!tpu.dma_semaphore, #tpu.memory_space<semaphore_mem>>)
        %dma_wait3A_66 = tpu.memref_slice %arg3[%add3A_51] : memref<320000xi32, #tpu.memory_space<hbm>> -> memref<400xi32, #tpu.memory_space<hbm>>
        %dma_wait3A_67 = tpu.memref_slice %arg3[%add3A_51] : memref<320000xi32, #tpu.memory_space<hbm>> -> memref<400xi32, #tpu.memory_space<hbm>>
        tpu.wait_dma2 semaphore(%run_scoped3A : memref<!tpu.dma_semaphore, #tpu.memory_space<semaphore_mem>>) src(%dma_wait3A_67 : memref<400xi32, #tpu.memory_space<hbm>>) dst(%arg6 : memref<400xi32, #tpu.memory_space<vmem>>)
        tpu.yield
      }) : () -> ()
      "tpu.region"() ({
        %run_scoped3A = tpu.sem_alloc : memref<!tpu.dma_semaphore, #tpu.memory_space<semaphore_mem>>
        %dma_start3A_64 = tpu.memref_slice %arg4[%add3A_51] : memref<320000xi32, #tpu.memory_space<hbm>> -> memref<400xi32, #tpu.memory_space<hbm>>
        %dma_start3A_65 = tpu.memref_slice %arg4[%add3A_51] : memref<320000xi32, #tpu.memory_space<hbm>> -> memref<400xi32, #tpu.memory_space<hbm>>
        tpu.enqueue_dma source(%dma_start3A_65 : memref<400xi32, #tpu.memory_space<hbm>>) target(%arg7 : memref<400xi32, #tpu.memory_space<vmem>>) target_semaphore(%run_scoped3A : memref<!tpu.dma_semaphore, #tpu.memory_space<semaphore_mem>>)
        %dma_wait3A_66 = tpu.memref_slice %arg4[%add3A_51] : memref<320000xi32, #tpu.memory_space<hbm>> -> memref<400xi32, #tpu.memory_space<hbm>>
        %dma_wait3A_67 = tpu.memref_slice %arg4[%add3A_51] : memref<320000xi32, #tpu.memory_space<hbm>> -> memref<400xi32, #tpu.memory_space<hbm>>
        tpu.wait_dma2 semaphore(%run_scoped3A : memref<!tpu.dma_semaphore, #tpu.memory_space<semaphore_mem>>) src(%dma_wait3A_67 : memref<400xi32, #tpu.memory_space<hbm>>) dst(%arg7 : memref<400xi32, #tpu.memory_space<vmem>>)
        tpu.yield
      }) : () -> ()
      %scan3A_52 = arith.constant 0 : i32
      %scan3A_53 = arith.constant 0 : i32
      %scan3A_54 = arith.constant 25 : i32
      %scan3A_55 = arith.addi %scan3A_53, %scan3A_54 : i32
      %scan3A_56 = arith.constant 1 : i32
      %scan3A_57 = scf.for %scan3A_64 = %scan3A_53 to %scan3A_55 step %scan3A_56 iter_args(%scan3A_65 = %scan3A_52) -> (i32)  : i32 {
        %mul3A_66 = arith.constant 16 : i32
        %mul3A_67 = arith.muli %scan3A_64, %mul3A_66 : i32
        %get3A = arith.index_cast %mul3A_67 : i32 to index
        %get3A_68 = tpu.vector_load %arg7[%get3A] {strides = array<i32>} : memref<400xi32, #tpu.memory_space<vmem>>, vector<16xi32>,
        %get3A_69 = vector.shape_cast %get3A_68 : vector<16xi32> to vector<16xi32>
        %sub3A = vector.broadcast %mul3A_0 : i32 to vector<16xi32>
        %sub3A_70 = arith.subi %get3A_69, %sub3A : vector<16xi32>
        %ge3A = arith.constant 0 : i32
        %ge3A_71 = vector.broadcast %ge3A : i32 to vector<16xi32>
        %ge3A_72 = arith.cmpi sge, %sub3A_70, %ge3A_71 : vector<16xi32>
        %lt3A = arith.constant 5000 : i32
        %lt3A_73 = vector.broadcast %lt3A : i32 to vector<16xi32>
        %lt3A_74 = arith.cmpi slt, %sub3A_70, %lt3A_73 : vector<16xi32>
        %and3A = arith.andi %ge3A_72, %lt3A_74 : vector<16xi1>
        %select_n3A = arith.select %and3A, %sub3A_70, %broadcast_in_dim3A_1 : vector<16xi1>, vector<16xi32>
        %mul3A_75 = arith.constant 16 : i32
        %mul3A_76 = arith.muli %scan3A_64, %mul3A_75 : i32
        %swap3A = arith.index_cast %mul3A_76 : i32 to index
        %swap3A_77 = tpu.vector_load %arg7[%swap3A] {strides = array<i32>} : memref<400xi32, #tpu.memory_space<vmem>>, vector<16xi32>,
        %swap3A_78 = vector.shape_cast %swap3A_77 : vector<16xi32> to vector<16xi32>
        %swap3A_79 = vector.shape_cast %select_n3A : vector<16xi32> to vector<16xi32>
        tpu.vector_store %arg7[%swap3A], %swap3A_79 {strides = array<i32>} : memref<400xi32, #tpu.memory_space<vmem>>, vector<16xi32>,
        %mul3A_80 = arith.constant 16 : i32
        %mul3A_81 = arith.muli %scan3A_64, %mul3A_80 : i32
        %get3A_82 = arith.index_cast %mul3A_81 : i32 to index
        %get3A_83 = tpu.vector_load %arg6[%get3A_82] {strides = array<i32>} : memref<400xi32, #tpu.memory_space<vmem>>, vector<16xi32>,
        %get3A_84 = vector.shape_cast %get3A_83 : vector<16xi32> to vector<16xi32>
        %ge3A_85 = arith.constant 2500 : i32
        %ge3A_86 = vector.broadcast %ge3A_85 : i32 to vector<16xi32>
        %ge3A_87 = arith.cmpi sge, %get3A_84, %ge3A_86 : vector<16xi32>
        %add3A_88 = arith.constant 60 : i32
        %add3A_89 = vector.broadcast %add3A_88 : i32 to vector<16xi32>
        %add3A_90 = arith.addi %get3A_84, %add3A_89 : vector<16xi32>
        %select_n3A_91 = arith.select %ge3A_87, %add3A_90, %get3A_84 : vector<16xi1>, vector<16xi32>
        %mul3A_92 = arith.constant 16 : i32
        %mul3A_93 = arith.muli %scan3A_64, %mul3A_92 : i32
        %swap3A_94 = arith.index_cast %mul3A_93 : i32 to index
        %swap3A_95 = tpu.vector_load %arg6[%swap3A_94] {strides = array<i32>} : memref<400xi32, #tpu.memory_space<vmem>>, vector<16xi32>,
        %swap3A_96 = vector.shape_cast %swap3A_95 : vector<16xi32> to vector<16xi32>
        %swap3A_97 = vector.shape_cast %select_n3A_91 : vector<16xi32> to vector<16xi32>
        tpu.vector_store %arg6[%swap3A_94], %swap3A_97 {strides = array<i32>} : memref<400xi32, #tpu.memory_space<vmem>>, vector<16xi32>,
        %scan3A_98 = arith.constant 0 : i32
        scf.yield %scan3A_98 : i32
      }
      %scan3A_58 = arith.constant 25 : i32
      %dma_start3A = arith.constant 0 : i32
      %dma_start3A_59 = arith.constant 0 : i32
      %dma_start3A_60 = tpu.memref_slice %arg2[%dma_start3A, %dma_start3A_59] : memref<5120x128xf32, #tpu.memory_space<hbm>> -> memref<5120x128xf32, #tpu.memory_space<hbm>>
      tpu.enqueue_indirect_dma source(%dma_start3A_60 : memref<5120x128xf32, #tpu.memory_space<hbm>>) target(%arg8 : memref<400x128xf32, #tpu.memory_space<vmem>>) offsets(%arg6 : memref<400xi32, #tpu.memory_space<vmem>>) semaphore(%arg11 : memref<!tpu.dma_semaphore, #tpu.memory_space<semaphore_mem>>)
      %dma_wait3A = arith.constant 0 : i32
      %dma_wait3A_61 = arith.constant 0 : i32
      %dma_wait3A_62 = tpu.memref_slice %arg2[%dma_wait3A, %dma_wait3A_61] : memref<5120x128xf32, #tpu.memory_space<hbm>> -> memref<5120x128xf32, #tpu.memory_space<hbm>>
      tpu.wait_indirect_dma semaphore(%arg11 : memref<!tpu.dma_semaphore, #tpu.memory_space<semaphore_mem>>) src(%dma_wait3A_62 : memref<5120x128xf32, #tpu.memory_space<hbm>>) dst(%arg8 : memref<400x128xf32, #tpu.memory_space<vmem>>)
      "tpu.region"() ({
        %run_scoped3A = tpu.sem_alloc : memref<!tpu.dma_semaphore, #tpu.memory_space<semaphore_mem>>
        %dma_start3A_64 = arith.constant 0 : i32
        %dma_start3A_65 = arith.constant 0 : i32
        %dma_start3A_66 = tpu.memref_slice %arg10[%dma_start3A_64, %dma_start3A_65] : memref<5120x128xf32, #tpu.memory_space<vmem_shared>> -> memref<5120x128xf32, #tpu.memory_space<vmem_shared>>
        tpu.enqueue_indirect_dma source(%arg8 : memref<400x128xf32, #tpu.memory_space<vmem>>) target(%dma_start3A_66 : memref<5120x128xf32, #tpu.memory_space<vmem_shared>>) offsets(%arg7 : memref<400xi32, #tpu.memory_space<vmem>>) semaphore(%run_scoped3A : memref<!tpu.dma_semaphore, #tpu.memory_space<semaphore_mem>>) {add = true}
        %dma_wait3A_67 = arith.constant 0 : i32
        %dma_wait3A_68 = arith.constant 0 : i32
        %dma_wait3A_69 = tpu.memref_slice %arg10[%dma_wait3A_67, %dma_wait3A_68] : memref<5120x128xf32, #tpu.memory_space<vmem_shared>> -> memref<5120x128xf32, #tpu.memory_space<vmem_shared>>
        tpu.wait_indirect_dma semaphore(%run_scoped3A : memref<!tpu.dma_semaphore, #tpu.memory_space<semaphore_mem>>) src(%arg8 : memref<400x128xf32, #tpu.memory_space<vmem>>) dst(%dma_wait3A_69 : memref<5120x128xf32, #tpu.memory_space<vmem_shared>>)
        tpu.yield
      }) : () -> ()
      %scan3A_63 = arith.constant 0 : i32
      scf.yield %scan3A_63 : i32
    }
    %scan3A_27 = arith.constant 50 : i32
    %barrier3A_28 = arith.constant 0 : index
    tpu.barrier barrier_id(%barrier3A_28)
    %mul3A_29 = arith.constant 320 : i32
    %mul3A_30 = arith.muli %arg1, %mul3A_29 : i32
    %add3A_31 = arith.constant 0 : i32
    %add3A_32 = arith.addi %mul3A_30, %add3A_31 : i32
    "tpu.region"() ({
      %run_scoped3A = tpu.sem_alloc : memref<!tpu.dma_semaphore, #tpu.memory_space<semaphore_mem>>
      %dma_start3A = arith.constant 0 : i32
      %dma_start3A_45 = tpu.memref_slice %arg10[%add3A_32, %dma_start3A] : memref<5120x128xf32, #tpu.memory_space<vmem_shared>> -> memref<160x128xf32, #tpu.memory_space<vmem_shared>>
      %dma_start3A_46 = arith.constant 0 : i32
      %dma_start3A_47 = tpu.memref_slice %arg10[%add3A_32, %dma_start3A_46] : memref<5120x128xf32, #tpu.memory_space<vmem_shared>> -> memref<160x128xf32, #tpu.memory_space<vmem_shared>>
      tpu.enqueue_dma source(%dma_start3A_47 : memref<160x128xf32, #tpu.memory_space<vmem_shared>>) target(%arg9 : memref<160x128xf32, #tpu.memory_space<vmem>>) target_semaphore(%run_scoped3A : memref<!tpu.dma_semaphore, #tpu.memory_space<semaphore_mem>>)
      %dma_wait3A = arith.constant 0 : i32
      %dma_wait3A_48 = tpu.memref_slice %arg10[%add3A_32, %dma_wait3A] : memref<5120x128xf32, #tpu.memory_space<vmem_shared>> -> memref<160x128xf32, #tpu.memory_space<vmem_shared>>
      %dma_wait3A_49 = arith.constant 0 : i32
      %dma_wait3A_50 = tpu.memref_slice %arg10[%add3A_32, %dma_wait3A_49] : memref<5120x128xf32, #tpu.memory_space<vmem_shared>> -> memref<160x128xf32, #tpu.memory_space<vmem_shared>>
      tpu.wait_dma2 semaphore(%run_scoped3A : memref<!tpu.dma_semaphore, #tpu.memory_space<semaphore_mem>>) src(%dma_wait3A_50 : memref<160x128xf32, #tpu.memory_space<vmem_shared>>) dst(%arg9 : memref<160x128xf32, #tpu.memory_space<vmem>>)
      tpu.yield
    }) : () -> ()
    %mul3A_33 = arith.constant 320 : i32
    %mul3A_34 = arith.muli %arg1, %mul3A_33 : i32
    %add3A_35 = arith.constant 0 : i32
    %add3A_36 = arith.addi %mul3A_34, %add3A_35 : i32
    "tpu.region"() ({
      %run_scoped3A = tpu.sem_alloc : memref<!tpu.dma_semaphore, #tpu.memory_space<semaphore_mem>>
      %dma_start3A = arith.constant 0 : i32
      %dma_start3A_45 = tpu.memref_slice %arg5[%arg0, %add3A_36, %dma_start3A] : memref<2x5120x128xf32, #tpu.memory_space<hbm>> -> memref<1x160x128xf32, #tpu.memory_space<hbm>>
      %dma_start3A_46 = tpu.memref_squeeze %dma_start3A_45 : memref<1x160x128xf32, #tpu.memory_space<hbm>> -> memref<160x128xf32, #tpu.memory_space<hbm>>
      %dma_start3A_47 = arith.constant 0 : i32
      %dma_start3A_48 = tpu.memref_slice %arg5[%arg0, %add3A_36, %dma_start3A_47] : memref<2x5120x128xf32, #tpu.memory_space<hbm>> -> memref<1x160x128xf32, #tpu.memory_space<hbm>>
      %dma_start3A_49 = tpu.memref_squeeze %dma_start3A_48 : memref<1x160x128xf32, #tpu.memory_space<hbm>> -> memref<160x128xf32, #tpu.memory_space<hbm>>
      tpu.enqueue_dma source(%arg9 : memref<160x128xf32, #tpu.memory_space<vmem>>) target(%dma_start3A_49 : memref<160x128xf32, #tpu.memory_space<hbm>>) target_semaphore(%run_scoped3A : memref<!tpu.dma_semaphore, #tpu.memory_space<semaphore_mem>>)
      %dma_wait3A = arith.constant 0 : i32
      %dma_wait3A_50 = tpu.memref_slice %arg5[%arg0, %add3A_36, %dma_wait3A] : memref<2x5120x128xf32, #tpu.memory_space<hbm>> -> memref<1x160x128xf32, #tpu.memory_space<hbm>>
      %dma_wait3A_51 = tpu.memref_squeeze %dma_wait3A_50 : memref<1x160x128xf32, #tpu.memory_space<hbm>> -> memref<160x128xf32, #tpu.memory_space<hbm>>
      %dma_wait3A_52 = arith.constant 0 : i32
      %dma_wait3A_53 = tpu.memref_slice %arg5[%arg0, %add3A_36, %dma_wait3A_52] : memref<2x5120x128xf32, #tpu.memory_space<hbm>> -> memref<1x160x128xf32, #tpu.memory_space<hbm>>
      %dma_wait3A_54 = tpu.memref_squeeze %dma_wait3A_53 : memref<1x160x128xf32, #tpu.memory_space<hbm>> -> memref<160x128xf32, #tpu.memory_space<hbm>>
      tpu.wait_dma2 semaphore(%run_scoped3A : memref<!tpu.dma_semaphore, #tpu.memory_space<semaphore_mem>>) src(%arg9 : memref<160x128xf32, #tpu.memory_space<vmem>>) dst(%dma_wait3A_54 : memref<160x128xf32, #tpu.memory_space<hbm>>)
      tpu.yield
    }) : () -> ()
    %mul3A_37 = arith.constant 320 : i32
    %mul3A_38 = arith.muli %arg1, %mul3A_37 : i32
    %add3A_39 = arith.constant 160 : i32
    %add3A_40 = arith.addi %mul3A_38, %add3A_39 : i32
    "tpu.region"() ({
      %run_scoped3A = tpu.sem_alloc : memref<!tpu.dma_semaphore, #tpu.memory_space<semaphore_mem>>
      %dma_start3A = arith.constant 0 : i32
      %dma_start3A_45 = tpu.memref_slice %arg10[%add3A_40, %dma_start3A] : memref<5120x128xf32, #tpu.memory_space<vmem_shared>> -> memref<160x128xf32, #tpu.memory_space<vmem_shared>>
      %dma_start3A_46 = arith.constant 0 : i32
      %dma_start3A_47 = tpu.memref_slice %arg10[%add3A_40, %dma_start3A_46] : memref<5120x128xf32, #tpu.memory_space<vmem_shared>> -> memref<160x128xf32, #tpu.memory_space<vmem_shared>>
      tpu.enqueue_dma source(%dma_start3A_47 : memref<160x128xf32, #tpu.memory_space<vmem_shared>>) target(%arg9 : memref<160x128xf32, #tpu.memory_space<vmem>>) target_semaphore(%run_scoped3A : memref<!tpu.dma_semaphore, #tpu.memory_space<semaphore_mem>>)
      %dma_wait3A = arith.constant 0 : i32
      %dma_wait3A_48 = tpu.memref_slice %arg10[%add3A_40, %dma_wait3A] : memref<5120x128xf32, #tpu.memory_space<vmem_shared>> -> memref<160x128xf32, #tpu.memory_space<vmem_shared>>
      %dma_wait3A_49 = arith.constant 0 : i32
      %dma_wait3A_50 = tpu.memref_slice %arg10[%add3A_40, %dma_wait3A_49] : memref<5120x128xf32, #tpu.memory_space<vmem_shared>> -> memref<160x128xf32, #tpu.memory_space<vmem_shared>>
      tpu.wait_dma2 semaphore(%run_scoped3A : memref<!tpu.dma_semaphore, #tpu.memory_space<semaphore_mem>>) src(%dma_wait3A_50 : memref<160x128xf32, #tpu.memory_space<vmem_shared>>) dst(%arg9 : memref<160x128xf32, #tpu.memory_space<vmem>>)
      tpu.yield
    }) : () -> ()
    %mul3A_41 = arith.constant 320 : i32
    %mul3A_42 = arith.muli %arg1, %mul3A_41 : i32
    %add3A_43 = arith.constant 160 : i32
    %add3A_44 = arith.addi %mul3A_42, %add3A_43 : i32
    "tpu.region"() ({
      %run_scoped3A = tpu.sem_alloc : memref<!tpu.dma_semaphore, #tpu.memory_space<semaphore_mem>>
      %dma_start3A = arith.constant 0 : i32
      %dma_start3A_45 = tpu.memref_slice %arg5[%arg0, %add3A_44, %dma_start3A] : memref<2x5120x128xf32, #tpu.memory_space<hbm>> -> memref<1x160x128xf32, #tpu.memory_space<hbm>>
      %dma_start3A_46 = tpu.memref_squeeze %dma_start3A_45 : memref<1x160x128xf32, #tpu.memory_space<hbm>> -> memref<160x128xf32, #tpu.memory_space<hbm>>
      %dma_start3A_47 = arith.constant 0 : i32
      %dma_start3A_48 = tpu.memref_slice %arg5[%arg0, %add3A_44, %dma_start3A_47] : memref<2x5120x128xf32, #tpu.memory_space<hbm>> -> memref<1x160x128xf32, #tpu.memory_space<hbm>>
      %dma_start3A_49 = tpu.memref_squeeze %dma_start3A_48 : memref<1x160x128xf32, #tpu.memory_space<hbm>> -> memref<160x128xf32, #tpu.memory_space<hbm>>
      tpu.enqueue_dma source(%arg9 : memref<160x128xf32, #tpu.memory_space<vmem>>) target(%dma_start3A_49 : memref<160x128xf32, #tpu.memory_space<hbm>>) target_semaphore(%run_scoped3A : memref<!tpu.dma_semaphore, #tpu.memory_space<semaphore_mem>>)
      %dma_wait3A = arith.constant 0 : i32
      %dma_wait3A_50 = tpu.memref_slice %arg5[%arg0, %add3A_44, %dma_wait3A] : memref<2x5120x128xf32, #tpu.memory_space<hbm>> -> memref<1x160x128xf32, #tpu.memory_space<hbm>>
      %dma_wait3A_51 = tpu.memref_squeeze %dma_wait3A_50 : memref<1x160x128xf32, #tpu.memory_space<hbm>> -> memref<160x128xf32, #tpu.memory_space<hbm>>
      %dma_wait3A_52 = arith.constant 0 : i32
      %dma_wait3A_53 = tpu.memref_slice %arg5[%arg0, %add3A_44, %dma_wait3A_52] : memref<2x5120x128xf32, #tpu.memory_space<hbm>> -> memref<1x160x128xf32, #tpu.memory_space<hbm>>
      %dma_wait3A_54 = tpu.memref_squeeze %dma_wait3A_53 : memref<1x160x128xf32, #tpu.memory_space<hbm>> -> memref<160x128xf32, #tpu.memory_space<hbm>>
      tpu.wait_dma2 semaphore(%run_scoped3A : memref<!tpu.dma_semaphore, #tpu.memory_space<semaphore_mem>>) src(%arg9 : memref<160x128xf32, #tpu.memory_space<vmem>>) dst(%dma_wait3A_54 : memref<160x128xf32, #tpu.memory_space<hbm>>)
      tpu.yield
    }) : () -> ()
    return
  }
}

#map = affine_map<(d0, d1) -> (0, 0)>
#map1 = affine_map<(d0, d1) -> (0)>
#map2 = affine_map<(d0, d1) -> (0, 0, 0)>
module attributes {stable_mosaic.version = 14 : i64} {
  func.func @_p(%arg0: i32, %arg1: i32, %arg2: memref<10000x128xf32, #tpu.memory_space<hbm>>, %arg3: memref<320000xi32, #tpu.memory_space<hbm>>, %arg4: memref<320000xi32, #tpu.memory_space<hbm>>, %arg5: memref<500x128xf32, #tpu.memory_space<hbm>>, %arg6: memref<10240xi32, #tpu.memory_space<hbm>>, %arg7: memref<2x2560x128xf32, #tpu.memory_space<hbm>>, %arg8: memref<2x2560x128xf32, #tpu.memory_space<hbm>>, %arg9: memref<10240x128xf32, #tpu.memory_space<hbm>>, %arg10: memref<400xi32, #tpu.memory_space<vmem>>, %arg11: memref<400xi32, #tpu.memory_space<vmem>>, %arg12: memref<400x128xf32, #tpu.memory_space<vmem>>, %arg13: memref<160x128xf32, #tpu.memory_space<vmem>>, %arg14: memref<2560x128xf32, #tpu.memory_space<vmem_shared>>, %arg15: memref<!tpu.dma_semaphore, #tpu.memory_space<semaphore_mem>>, %arg16: memref<160xi32, #tpu.memory_space<vmem>>) attributes {dimension_semantics = [#tpu.dimension_semantics<core_parallel>, #tpu.dimension_semantics<subcore_parallel>], iteration_bounds = array<i64: 2, 16>, scalar_prefetch = 0 : i64, scratch_operands = 7 : i64, tpu.core_type = #tpu.core_type<sc_vector_subcore>, window_params = [{transform_indices = #map}, {transform_indices = #map1}, {transform_indices = #map1}, {transform_indices = #map}, {transform_indices = #map1}, {transform_indices = #map2}, {transform_indices = #map2}, {transform_indices = #map}]} {
    %mul3A = arith.constant 2500 : i32
    %mul3A_0 = arith.muli %arg0, %mul3A : i32
    %broadcast_in_dim3A = arith.constant 2559 : i32
    %broadcast_in_dim3A_1 = vector.broadcast %broadcast_in_dim3A : i32 to vector<16xi32>
    %broadcast_in_dim3A_2 = arith.constant 1048576 : i32
    %broadcast_in_dim3A_3 = vector.broadcast %broadcast_in_dim3A_2 : i32 to vector<16xi32>
    %broadcast_in_dim3A_4 = arith.constant 0 : i32
    %broadcast_in_dim3A_5 = vector.broadcast %broadcast_in_dim3A_4 : i32 to vector<16xi32>
    %broadcast_in_dim3A_6 = arith.constant 0.000000e+00 : f32
    %broadcast_in_dim3A_7 = vector.broadcast %broadcast_in_dim3A_6 : f32 to vector<16xf32>
    %scan3A = arith.constant 0 : i32
    %scan3A_8 = arith.constant 0 : i32
    %scan3A_9 = arith.constant 160 : i32
    %scan3A_10 = arith.addi %scan3A_8, %scan3A_9 : i32
    %scan3A_11 = arith.constant 1 : i32
    %scan3A_12 = scf.for %scan3A_94 = %scan3A_8 to %scan3A_10 step %scan3A_11 iter_args(%scan3A_95 = %scan3A) -> (i32)  : i32 {
      %swap3A = arith.index_cast %scan3A_94 : i32 to index
      %swap3A_96 = arith.constant 0 : index
      %swap3A_97 = tpu.vector_load %arg13[%swap3A, %swap3A_96] {strides = array<i32>} : memref<160x128xf32, #tpu.memory_space<vmem>>, vector<1x16xf32>,
      %swap3A_98 = vector.shape_cast %swap3A_97 : vector<1x16xf32> to vector<16xf32>
      %swap3A_99 = vector.shape_cast %broadcast_in_dim3A_7 : vector<16xf32> to vector<1x16xf32>
      tpu.vector_store %arg13[%swap3A, %swap3A_96], %swap3A_99 {strides = array<i32>} : memref<160x128xf32, #tpu.memory_space<vmem>>, vector<1x16xf32>,
      %swap3A_100 = arith.index_cast %scan3A_94 : i32 to index
      %swap3A_101 = arith.constant 16 : index
      %swap3A_102 = tpu.vector_load %arg13[%swap3A_100, %swap3A_101] {strides = array<i32>} : memref<160x128xf32, #tpu.memory_space<vmem>>, vector<1x16xf32>,
      %swap3A_103 = vector.shape_cast %swap3A_102 : vector<1x16xf32> to vector<16xf32>
      %swap3A_104 = vector.shape_cast %broadcast_in_dim3A_7 : vector<16xf32> to vector<1x16xf32>
      tpu.vector_store %arg13[%swap3A_100, %swap3A_101], %swap3A_104 {strides = array<i32>} : memref<160x128xf32, #tpu.memory_space<vmem>>, vector<1x16xf32>,
      %swap3A_105 = arith.index_cast %scan3A_94 : i32 to index
      %swap3A_106 = arith.constant 32 : index
      %swap3A_107 = tpu.vector_load %arg13[%swap3A_105, %swap3A_106] {strides = array<i32>} : memref<160x128xf32, #tpu.memory_space<vmem>>, vector<1x16xf32>,
      %swap3A_108 = vector.shape_cast %swap3A_107 : vector<1x16xf32> to vector<16xf32>
      %swap3A_109 = vector.shape_cast %broadcast_in_dim3A_7 : vector<16xf32> to vector<1x16xf32>
      tpu.vector_store %arg13[%swap3A_105, %swap3A_106], %swap3A_109 {strides = array<i32>} : memref<160x128xf32, #tpu.memory_space<vmem>>, vector<1x16xf32>,
      %swap3A_110 = arith.index_cast %scan3A_94 : i32 to index
      %swap3A_111 = arith.constant 48 : index
      %swap3A_112 = tpu.vector_load %arg13[%swap3A_110, %swap3A_111] {strides = array<i32>} : memref<160x128xf32, #tpu.memory_space<vmem>>, vector<1x16xf32>,
      %swap3A_113 = vector.shape_cast %swap3A_112 : vector<1x16xf32> to vector<16xf32>
      %swap3A_114 = vector.shape_cast %broadcast_in_dim3A_7 : vector<16xf32> to vector<1x16xf32>
      tpu.vector_store %arg13[%swap3A_110, %swap3A_111], %swap3A_114 {strides = array<i32>} : memref<160x128xf32, #tpu.memory_space<vmem>>, vector<1x16xf32>,
      %swap3A_115 = arith.index_cast %scan3A_94 : i32 to index
      %swap3A_116 = arith.constant 64 : index
      %swap3A_117 = tpu.vector_load %arg13[%swap3A_115, %swap3A_116] {strides = array<i32>} : memref<160x128xf32, #tpu.memory_space<vmem>>, vector<1x16xf32>,
      %swap3A_118 = vector.shape_cast %swap3A_117 : vector<1x16xf32> to vector<16xf32>
      %swap3A_119 = vector.shape_cast %broadcast_in_dim3A_7 : vector<16xf32> to vector<1x16xf32>
      tpu.vector_store %arg13[%swap3A_115, %swap3A_116], %swap3A_119 {strides = array<i32>} : memref<160x128xf32, #tpu.memory_space<vmem>>, vector<1x16xf32>,
      %swap3A_120 = arith.index_cast %scan3A_94 : i32 to index
      %swap3A_121 = arith.constant 80 : index
      %swap3A_122 = tpu.vector_load %arg13[%swap3A_120, %swap3A_121] {strides = array<i32>} : memref<160x128xf32, #tpu.memory_space<vmem>>, vector<1x16xf32>,
      %swap3A_123 = vector.shape_cast %swap3A_122 : vector<1x16xf32> to vector<16xf32>
      %swap3A_124 = vector.shape_cast %broadcast_in_dim3A_7 : vector<16xf32> to vector<1x16xf32>
      tpu.vector_store %arg13[%swap3A_120, %swap3A_121], %swap3A_124 {strides = array<i32>} : memref<160x128xf32, #tpu.memory_space<vmem>>, vector<1x16xf32>,
      %swap3A_125 = arith.index_cast %scan3A_94 : i32 to index
      %swap3A_126 = arith.constant 96 : index
      %swap3A_127 = tpu.vector_load %arg13[%swap3A_125, %swap3A_126] {strides = array<i32>} : memref<160x128xf32, #tpu.memory_space<vmem>>, vector<1x16xf32>,
      %swap3A_128 = vector.shape_cast %swap3A_127 : vector<1x16xf32> to vector<16xf32>
      %swap3A_129 = vector.shape_cast %broadcast_in_dim3A_7 : vector<16xf32> to vector<1x16xf32>
      tpu.vector_store %arg13[%swap3A_125, %swap3A_126], %swap3A_129 {strides = array<i32>} : memref<160x128xf32, #tpu.memory_space<vmem>>, vector<1x16xf32>,
      %swap3A_130 = arith.index_cast %scan3A_94 : i32 to index
      %swap3A_131 = arith.constant 112 : index
      %swap3A_132 = tpu.vector_load %arg13[%swap3A_130, %swap3A_131] {strides = array<i32>} : memref<160x128xf32, #tpu.memory_space<vmem>>, vector<1x16xf32>,
      %swap3A_133 = vector.shape_cast %swap3A_132 : vector<1x16xf32> to vector<16xf32>
      %swap3A_134 = vector.shape_cast %broadcast_in_dim3A_7 : vector<16xf32> to vector<1x16xf32>
      tpu.vector_store %arg13[%swap3A_130, %swap3A_131], %swap3A_134 {strides = array<i32>} : memref<160x128xf32, #tpu.memory_space<vmem>>, vector<1x16xf32>,
      %scan3A_135 = arith.constant 0 : i32
      scf.yield %scan3A_135 : i32
    }
    %scan3A_13 = arith.constant 160 : i32
    %mul3A_14 = arith.constant 160 : i32
    %mul3A_15 = arith.muli %arg1, %mul3A_14 : i32
    %add3A = arith.constant 0 : i32
    %add3A_16 = arith.addi %mul3A_15, %add3A : i32
    "tpu.region"() ({
      %run_scoped3A = tpu.sem_alloc : memref<!tpu.dma_semaphore, #tpu.memory_space<semaphore_mem>>
      %dma_start3A_94 = arith.constant 0 : i32
      %dma_start3A_95 = tpu.memref_slice %arg14[%add3A_16, %dma_start3A_94] : memref<2560x128xf32, #tpu.memory_space<vmem_shared>> -> memref<160x128xf32, #tpu.memory_space<vmem_shared>>
      %dma_start3A_96 = arith.constant 0 : i32
      %dma_start3A_97 = tpu.memref_slice %arg14[%add3A_16, %dma_start3A_96] : memref<2560x128xf32, #tpu.memory_space<vmem_shared>> -> memref<160x128xf32, #tpu.memory_space<vmem_shared>>
      tpu.enqueue_dma source(%arg13 : memref<160x128xf32, #tpu.memory_space<vmem>>) target(%dma_start3A_97 : memref<160x128xf32, #tpu.memory_space<vmem_shared>>) target_semaphore(%run_scoped3A : memref<!tpu.dma_semaphore, #tpu.memory_space<semaphore_mem>>)
      %dma_wait3A_98 = arith.constant 0 : i32
      %dma_wait3A_99 = tpu.memref_slice %arg14[%add3A_16, %dma_wait3A_98] : memref<2560x128xf32, #tpu.memory_space<vmem_shared>> -> memref<160x128xf32, #tpu.memory_space<vmem_shared>>
      %dma_wait3A_100 = arith.constant 0 : i32
      %dma_wait3A_101 = tpu.memref_slice %arg14[%add3A_16, %dma_wait3A_100] : memref<2560x128xf32, #tpu.memory_space<vmem_shared>> -> memref<160x128xf32, #tpu.memory_space<vmem_shared>>
      tpu.wait_dma2 semaphore(%run_scoped3A : memref<!tpu.dma_semaphore, #tpu.memory_space<semaphore_mem>>) src(%arg13 : memref<160x128xf32, #tpu.memory_space<vmem>>) dst(%dma_wait3A_101 : memref<160x128xf32, #tpu.memory_space<vmem_shared>>)
      tpu.yield
    }) : () -> ()
    %barrier3A = arith.constant 0 : index
    tpu.barrier barrier_id(%barrier3A)
    %scan3A_17 = arith.constant 0 : i32
    %scan3A_18 = arith.constant 0 : i32
    %scan3A_19 = arith.constant 50 : i32
    %scan3A_20 = arith.addi %scan3A_18, %scan3A_19 : i32
    %scan3A_21 = arith.constant 1 : i32
    %scan3A_22 = scf.for %scan3A_94 = %scan3A_18 to %scan3A_20 step %scan3A_21 iter_args(%scan3A_95 = %scan3A_17) -> (i32)  : i32 {
      %mul3A_96 = arith.constant 20000 : i32
      %mul3A_97 = arith.muli %arg1, %mul3A_96 : i32
      %mul3A_98 = arith.constant 400 : i32
      %mul3A_99 = arith.muli %scan3A_94, %mul3A_98 : i32
      %add3A_100 = arith.addi %mul3A_97, %mul3A_99 : i32
      "tpu.region"() ({
        %run_scoped3A = tpu.sem_alloc : memref<!tpu.dma_semaphore, #tpu.memory_space<semaphore_mem>>
        %dma_start3A_115 = tpu.memref_slice %arg3[%add3A_100] : memref<320000xi32, #tpu.memory_space<hbm>> -> memref<400xi32, #tpu.memory_space<hbm>>
        %dma_start3A_116 = tpu.memref_slice %arg3[%add3A_100] : memref<320000xi32, #tpu.memory_space<hbm>> -> memref<400xi32, #tpu.memory_space<hbm>>
        tpu.enqueue_dma source(%dma_start3A_116 : memref<400xi32, #tpu.memory_space<hbm>>) target(%arg10 : memref<400xi32, #tpu.memory_space<vmem>>) target_semaphore(%run_scoped3A : memref<!tpu.dma_semaphore, #tpu.memory_space<semaphore_mem>>)
        %dma_wait3A_117 = tpu.memref_slice %arg3[%add3A_100] : memref<320000xi32, #tpu.memory_space<hbm>> -> memref<400xi32, #tpu.memory_space<hbm>>
        %dma_wait3A_118 = tpu.memref_slice %arg3[%add3A_100] : memref<320000xi32, #tpu.memory_space<hbm>> -> memref<400xi32, #tpu.memory_space<hbm>>
        tpu.wait_dma2 semaphore(%run_scoped3A : memref<!tpu.dma_semaphore, #tpu.memory_space<semaphore_mem>>) src(%dma_wait3A_118 : memref<400xi32, #tpu.memory_space<hbm>>) dst(%arg10 : memref<400xi32, #tpu.memory_space<vmem>>)
        tpu.yield
      }) : () -> ()
      "tpu.region"() ({
        %run_scoped3A = tpu.sem_alloc : memref<!tpu.dma_semaphore, #tpu.memory_space<semaphore_mem>>
        %dma_start3A_115 = tpu.memref_slice %arg4[%add3A_100] : memref<320000xi32, #tpu.memory_space<hbm>> -> memref<400xi32, #tpu.memory_space<hbm>>
        %dma_start3A_116 = tpu.memref_slice %arg4[%add3A_100] : memref<320000xi32, #tpu.memory_space<hbm>> -> memref<400xi32, #tpu.memory_space<hbm>>
        tpu.enqueue_dma source(%dma_start3A_116 : memref<400xi32, #tpu.memory_space<hbm>>) target(%arg11 : memref<400xi32, #tpu.memory_space<vmem>>) target_semaphore(%run_scoped3A : memref<!tpu.dma_semaphore, #tpu.memory_space<semaphore_mem>>)
        %dma_wait3A_117 = tpu.memref_slice %arg4[%add3A_100] : memref<320000xi32, #tpu.memory_space<hbm>> -> memref<400xi32, #tpu.memory_space<hbm>>
        %dma_wait3A_118 = tpu.memref_slice %arg4[%add3A_100] : memref<320000xi32, #tpu.memory_space<hbm>> -> memref<400xi32, #tpu.memory_space<hbm>>
        tpu.wait_dma2 semaphore(%run_scoped3A : memref<!tpu.dma_semaphore, #tpu.memory_space<semaphore_mem>>) src(%dma_wait3A_118 : memref<400xi32, #tpu.memory_space<hbm>>) dst(%arg11 : memref<400xi32, #tpu.memory_space<vmem>>)
        tpu.yield
      }) : () -> ()
      %scan3A_101 = arith.constant 0 : i32
      %scan3A_102 = arith.constant 0 : i32
      %scan3A_103 = arith.constant 25 : i32
      %scan3A_104 = arith.addi %scan3A_102, %scan3A_103 : i32
      %scan3A_105 = arith.constant 1 : i32
      %scan3A_106 = scf.for %scan3A_115 = %scan3A_102 to %scan3A_104 step %scan3A_105 iter_args(%scan3A_116 = %scan3A_101) -> (i32)  : i32 {
        %mul3A_117 = arith.constant 16 : i32
        %mul3A_118 = arith.muli %scan3A_115, %mul3A_117 : i32
        %get3A = arith.index_cast %mul3A_118 : i32 to index
        %get3A_119 = tpu.vector_load %arg11[%get3A] {strides = array<i32>} : memref<400xi32, #tpu.memory_space<vmem>>, vector<16xi32>,
        %get3A_120 = vector.shape_cast %get3A_119 : vector<16xi32> to vector<16xi32>
        %sub3A = vector.broadcast %mul3A_0 : i32 to vector<16xi32>
        %sub3A_121 = arith.subi %get3A_120, %sub3A : vector<16xi32>
        %ge3A = arith.constant 0 : i32
        %ge3A_122 = vector.broadcast %ge3A : i32 to vector<16xi32>
        %ge3A_123 = arith.cmpi sge, %sub3A_121, %ge3A_122 : vector<16xi32>
        %lt3A = arith.constant 2500 : i32
        %lt3A_124 = vector.broadcast %lt3A : i32 to vector<16xi32>
        %lt3A_125 = arith.cmpi slt, %sub3A_121, %lt3A_124 : vector<16xi32>
        %and3A = arith.andi %ge3A_123, %lt3A_125 : vector<16xi1>
        %select_n3A = arith.select %and3A, %sub3A_121, %broadcast_in_dim3A_1 : vector<16xi1>, vector<16xi32>
        %mul3A_126 = arith.constant 16 : i32
        %mul3A_127 = arith.muli %scan3A_115, %mul3A_126 : i32
        %swap3A = arith.index_cast %mul3A_127 : i32 to index
        %swap3A_128 = tpu.vector_load %arg11[%swap3A] {strides = array<i32>} : memref<400xi32, #tpu.memory_space<vmem>>, vector<16xi32>,
        %swap3A_129 = vector.shape_cast %swap3A_128 : vector<16xi32> to vector<16xi32>
        %swap3A_130 = vector.shape_cast %select_n3A : vector<16xi32> to vector<16xi32>
        tpu.vector_store %arg11[%swap3A], %swap3A_130 {strides = array<i32>} : memref<400xi32, #tpu.memory_space<vmem>>, vector<16xi32>,
        %scan3A_131 = arith.constant 0 : i32
        scf.yield %scan3A_131 : i32
      }
      %scan3A_107 = arith.constant 25 : i32
      %dma_start3A_108 = arith.constant 0 : i32
      %dma_start3A_109 = arith.constant 0 : i32
      %dma_start3A_110 = tpu.memref_slice %arg2[%dma_start3A_108, %dma_start3A_109] : memref<10000x128xf32, #tpu.memory_space<hbm>> -> memref<10000x128xf32, #tpu.memory_space<hbm>>
      tpu.enqueue_indirect_dma source(%dma_start3A_110 : memref<10000x128xf32, #tpu.memory_space<hbm>>) target(%arg12 : memref<400x128xf32, #tpu.memory_space<vmem>>) offsets(%arg10 : memref<400xi32, #tpu.memory_space<vmem>>) semaphore(%arg15 : memref<!tpu.dma_semaphore, #tpu.memory_space<semaphore_mem>>)
      %dma_wait3A_111 = arith.constant 0 : i32
      %dma_wait3A_112 = arith.constant 0 : i32
      %dma_wait3A_113 = tpu.memref_slice %arg2[%dma_wait3A_111, %dma_wait3A_112] : memref<10000x128xf32, #tpu.memory_space<hbm>> -> memref<10000x128xf32, #tpu.memory_space<hbm>>
      tpu.wait_indirect_dma semaphore(%arg15 : memref<!tpu.dma_semaphore, #tpu.memory_space<semaphore_mem>>) src(%dma_wait3A_113 : memref<10000x128xf32, #tpu.memory_space<hbm>>) dst(%arg12 : memref<400x128xf32, #tpu.memory_space<vmem>>)
      "tpu.region"() ({
        %run_scoped3A = tpu.sem_alloc : memref<!tpu.dma_semaphore, #tpu.memory_space<semaphore_mem>>
        %dma_start3A_115 = arith.constant 0 : i32
        %dma_start3A_116 = arith.constant 0 : i32
        %dma_start3A_117 = tpu.memref_slice %arg14[%dma_start3A_115, %dma_start3A_116] : memref<2560x128xf32, #tpu.memory_space<vmem_shared>> -> memref<2560x128xf32, #tpu.memory_space<vmem_shared>>
        tpu.enqueue_indirect_dma source(%arg12 : memref<400x128xf32, #tpu.memory_space<vmem>>) target(%dma_start3A_117 : memref<2560x128xf32, #tpu.memory_space<vmem_shared>>) offsets(%arg11 : memref<400xi32, #tpu.memory_space<vmem>>) semaphore(%run_scoped3A : memref<!tpu.dma_semaphore, #tpu.memory_space<semaphore_mem>>) {add = true}
        %dma_wait3A_118 = arith.constant 0 : i32
        %dma_wait3A_119 = arith.constant 0 : i32
        %dma_wait3A_120 = tpu.memref_slice %arg14[%dma_wait3A_118, %dma_wait3A_119] : memref<2560x128xf32, #tpu.memory_space<vmem_shared>> -> memref<2560x128xf32, #tpu.memory_space<vmem_shared>>
        tpu.wait_indirect_dma semaphore(%run_scoped3A : memref<!tpu.dma_semaphore, #tpu.memory_space<semaphore_mem>>) src(%arg12 : memref<400x128xf32, #tpu.memory_space<vmem>>) dst(%dma_wait3A_120 : memref<2560x128xf32, #tpu.memory_space<vmem_shared>>)
        tpu.yield
      }) : () -> ()
      %scan3A_114 = arith.constant 0 : i32
      scf.yield %scan3A_114 : i32
    }
    %scan3A_23 = arith.constant 50 : i32
    %mul3A_24 = arith.constant 2 : i32
    %mul3A_25 = arith.muli %arg1, %mul3A_24 : i32
    %add3A_26 = arith.addi %mul3A_25, %arg0 : i32
    %mul3A_27 = arith.constant 320 : i32
    %mul3A_28 = arith.muli %add3A_26, %mul3A_27 : i32
    %add3A_29 = arith.constant 0 : i32
    %add3A_30 = arith.addi %mul3A_28, %add3A_29 : i32
    "tpu.region"() ({
      %run_scoped3A = tpu.sem_alloc : memref<!tpu.dma_semaphore, #tpu.memory_space<semaphore_mem>>
      %dma_start3A_94 = tpu.memref_slice %arg6[%add3A_30] : memref<10240xi32, #tpu.memory_space<hbm>> -> memref<160xi32, #tpu.memory_space<hbm>>
      %dma_start3A_95 = tpu.memref_slice %arg6[%add3A_30] : memref<10240xi32, #tpu.memory_space<hbm>> -> memref<160xi32, #tpu.memory_space<hbm>>
      tpu.enqueue_dma source(%dma_start3A_95 : memref<160xi32, #tpu.memory_space<hbm>>) target(%arg16 : memref<160xi32, #tpu.memory_space<vmem>>) target_semaphore(%run_scoped3A : memref<!tpu.dma_semaphore, #tpu.memory_space<semaphore_mem>>)
      %dma_wait3A_96 = tpu.memref_slice %arg6[%add3A_30] : memref<10240xi32, #tpu.memory_space<hbm>> -> memref<160xi32, #tpu.memory_space<hbm>>
      %dma_wait3A_97 = tpu.memref_slice %arg6[%add3A_30] : memref<10240xi32, #tpu.memory_space<hbm>> -> memref<160xi32, #tpu.memory_space<hbm>>
      tpu.wait_dma2 semaphore(%run_scoped3A : memref<!tpu.dma_semaphore, #tpu.memory_space<semaphore_mem>>) src(%dma_wait3A_97 : memref<160xi32, #tpu.memory_space<hbm>>) dst(%arg16 : memref<160xi32, #tpu.memory_space<vmem>>)
      tpu.yield
    }) : () -> ()
    %dma_start3A = arith.constant 0 : i32
    %dma_start3A_31 = arith.constant 0 : i32
    %dma_start3A_32 = tpu.memref_slice %arg5[%dma_start3A, %dma_start3A_31] : memref<500x128xf32, #tpu.memory_space<hbm>> -> memref<500x128xf32, #tpu.memory_space<hbm>>
    tpu.enqueue_indirect_dma source(%dma_start3A_32 : memref<500x128xf32, #tpu.memory_space<hbm>>) target(%arg13 : memref<160x128xf32, #tpu.memory_space<vmem>>) offsets(%arg16 : memref<160xi32, #tpu.memory_space<vmem>>) semaphore(%arg15 : memref<!tpu.dma_semaphore, #tpu.memory_space<semaphore_mem>>)
    %dma_wait3A = arith.constant 0 : i32
    %dma_wait3A_33 = arith.constant 0 : i32
    %dma_wait3A_34 = tpu.memref_slice %arg5[%dma_wait3A, %dma_wait3A_33] : memref<500x128xf32, #tpu.memory_space<hbm>> -> memref<500x128xf32, #tpu.memory_space<hbm>>
    tpu.wait_indirect_dma semaphore(%arg15 : memref<!tpu.dma_semaphore, #tpu.memory_space<semaphore_mem>>) src(%dma_wait3A_34 : memref<500x128xf32, #tpu.memory_space<hbm>>) dst(%arg13 : memref<160x128xf32, #tpu.memory_space<vmem>>)
    "tpu.region"() ({
      %run_scoped3A = tpu.sem_alloc : memref<!tpu.dma_semaphore, #tpu.memory_space<semaphore_mem>>
      %dma_start3A_94 = arith.constant 0 : i32
      %dma_start3A_95 = tpu.memref_slice %arg9[%add3A_30, %dma_start3A_94] : memref<10240x128xf32, #tpu.memory_space<hbm>> -> memref<160x128xf32, #tpu.memory_space<hbm>>
      %dma_start3A_96 = arith.constant 0 : i32
      %dma_start3A_97 = tpu.memref_slice %arg9[%add3A_30, %dma_start3A_96] : memref<10240x128xf32, #tpu.memory_space<hbm>> -> memref<160x128xf32, #tpu.memory_space<hbm>>
      tpu.enqueue_dma source(%arg13 : memref<160x128xf32, #tpu.memory_space<vmem>>) target(%dma_start3A_97 : memref<160x128xf32, #tpu.memory_space<hbm>>) target_semaphore(%run_scoped3A : memref<!tpu.dma_semaphore, #tpu.memory_space<semaphore_mem>>)
      %dma_wait3A_98 = arith.constant 0 : i32
      %dma_wait3A_99 = tpu.memref_slice %arg9[%add3A_30, %dma_wait3A_98] : memref<10240x128xf32, #tpu.memory_space<hbm>> -> memref<160x128xf32, #tpu.memory_space<hbm>>
      %dma_wait3A_100 = arith.constant 0 : i32
      %dma_wait3A_101 = tpu.memref_slice %arg9[%add3A_30, %dma_wait3A_100] : memref<10240x128xf32, #tpu.memory_space<hbm>> -> memref<160x128xf32, #tpu.memory_space<hbm>>
      tpu.wait_dma2 semaphore(%run_scoped3A : memref<!tpu.dma_semaphore, #tpu.memory_space<semaphore_mem>>) src(%arg13 : memref<160x128xf32, #tpu.memory_space<vmem>>) dst(%dma_wait3A_101 : memref<160x128xf32, #tpu.memory_space<hbm>>)
      tpu.yield
    }) : () -> ()
    %mul3A_35 = arith.constant 320 : i32
    %mul3A_36 = arith.muli %add3A_26, %mul3A_35 : i32
    %add3A_37 = arith.constant 160 : i32
    %add3A_38 = arith.addi %mul3A_36, %add3A_37 : i32
    "tpu.region"() ({
      %run_scoped3A = tpu.sem_alloc : memref<!tpu.dma_semaphore, #tpu.memory_space<semaphore_mem>>
      %dma_start3A_94 = tpu.memref_slice %arg6[%add3A_38] : memref<10240xi32, #tpu.memory_space<hbm>> -> memref<160xi32, #tpu.memory_space<hbm>>
      %dma_start3A_95 = tpu.memref_slice %arg6[%add3A_38] : memref<10240xi32, #tpu.memory_space<hbm>> -> memref<160xi32, #tpu.memory_space<hbm>>
      tpu.enqueue_dma source(%dma_start3A_95 : memref<160xi32, #tpu.memory_space<hbm>>) target(%arg16 : memref<160xi32, #tpu.memory_space<vmem>>) target_semaphore(%run_scoped3A : memref<!tpu.dma_semaphore, #tpu.memory_space<semaphore_mem>>)
      %dma_wait3A_96 = tpu.memref_slice %arg6[%add3A_38] : memref<10240xi32, #tpu.memory_space<hbm>> -> memref<160xi32, #tpu.memory_space<hbm>>
      %dma_wait3A_97 = tpu.memref_slice %arg6[%add3A_38] : memref<10240xi32, #tpu.memory_space<hbm>> -> memref<160xi32, #tpu.memory_space<hbm>>
      tpu.wait_dma2 semaphore(%run_scoped3A : memref<!tpu.dma_semaphore, #tpu.memory_space<semaphore_mem>>) src(%dma_wait3A_97 : memref<160xi32, #tpu.memory_space<hbm>>) dst(%arg16 : memref<160xi32, #tpu.memory_space<vmem>>)
      tpu.yield
    }) : () -> ()
    %dma_start3A_39 = arith.constant 0 : i32
    %dma_start3A_40 = arith.constant 0 : i32
    %dma_start3A_41 = tpu.memref_slice %arg5[%dma_start3A_39, %dma_start3A_40] : memref<500x128xf32, #tpu.memory_space<hbm>> -> memref<500x128xf32, #tpu.memory_space<hbm>>
    tpu.enqueue_indirect_dma source(%dma_start3A_41 : memref<500x128xf32, #tpu.memory_space<hbm>>) target(%arg13 : memref<160x128xf32, #tpu.memory_space<vmem>>) offsets(%arg16 : memref<160xi32, #tpu.memory_space<vmem>>) semaphore(%arg15 : memref<!tpu.dma_semaphore, #tpu.memory_space<semaphore_mem>>)
    %dma_wait3A_42 = arith.constant 0 : i32
    %dma_wait3A_43 = arith.constant 0 : i32
    %dma_wait3A_44 = tpu.memref_slice %arg5[%dma_wait3A_42, %dma_wait3A_43] : memref<500x128xf32, #tpu.memory_space<hbm>> -> memref<500x128xf32, #tpu.memory_space<hbm>>
    tpu.wait_indirect_dma semaphore(%arg15 : memref<!tpu.dma_semaphore, #tpu.memory_space<semaphore_mem>>) src(%dma_wait3A_44 : memref<500x128xf32, #tpu.memory_space<hbm>>) dst(%arg13 : memref<160x128xf32, #tpu.memory_space<vmem>>)
    "tpu.region"() ({
      %run_scoped3A = tpu.sem_alloc : memref<!tpu.dma_semaphore, #tpu.memory_space<semaphore_mem>>
      %dma_start3A_94 = arith.constant 0 : i32
      %dma_start3A_95 = tpu.memref_slice %arg9[%add3A_38, %dma_start3A_94] : memref<10240x128xf32, #tpu.memory_space<hbm>> -> memref<160x128xf32, #tpu.memory_space<hbm>>
      %dma_start3A_96 = arith.constant 0 : i32
      %dma_start3A_97 = tpu.memref_slice %arg9[%add3A_38, %dma_start3A_96] : memref<10240x128xf32, #tpu.memory_space<hbm>> -> memref<160x128xf32, #tpu.memory_space<hbm>>
      tpu.enqueue_dma source(%arg13 : memref<160x128xf32, #tpu.memory_space<vmem>>) target(%dma_start3A_97 : memref<160x128xf32, #tpu.memory_space<hbm>>) target_semaphore(%run_scoped3A : memref<!tpu.dma_semaphore, #tpu.memory_space<semaphore_mem>>)
      %dma_wait3A_98 = arith.constant 0 : i32
      %dma_wait3A_99 = tpu.memref_slice %arg9[%add3A_38, %dma_wait3A_98] : memref<10240x128xf32, #tpu.memory_space<hbm>> -> memref<160x128xf32, #tpu.memory_space<hbm>>
      %dma_wait3A_100 = arith.constant 0 : i32
      %dma_wait3A_101 = tpu.memref_slice %arg9[%add3A_38, %dma_wait3A_100] : memref<10240x128xf32, #tpu.memory_space<hbm>> -> memref<160x128xf32, #tpu.memory_space<hbm>>
      tpu.wait_dma2 semaphore(%run_scoped3A : memref<!tpu.dma_semaphore, #tpu.memory_space<semaphore_mem>>) src(%arg13 : memref<160x128xf32, #tpu.memory_space<vmem>>) dst(%dma_wait3A_101 : memref<160x128xf32, #tpu.memory_space<hbm>>)
      tpu.yield
    }) : () -> ()
    %barrier3A_45 = arith.constant 0 : index
    tpu.barrier barrier_id(%barrier3A_45)
    %mul3A_46 = arith.constant 160 : i32
    %mul3A_47 = arith.muli %arg1, %mul3A_46 : i32
    %add3A_48 = arith.constant 0 : i32
    %add3A_49 = arith.addi %mul3A_47, %add3A_48 : i32
    "tpu.region"() ({
      %run_scoped3A = tpu.sem_alloc : memref<!tpu.dma_semaphore, #tpu.memory_space<semaphore_mem>>
      %dma_start3A_94 = arith.constant 0 : i32
      %dma_start3A_95 = tpu.memref_slice %arg14[%add3A_49, %dma_start3A_94] : memref<2560x128xf32, #tpu.memory_space<vmem_shared>> -> memref<160x128xf32, #tpu.memory_space<vmem_shared>>
      %dma_start3A_96 = arith.constant 0 : i32
      %dma_start3A_97 = tpu.memref_slice %arg14[%add3A_49, %dma_start3A_96] : memref<2560x128xf32, #tpu.memory_space<vmem_shared>> -> memref<160x128xf32, #tpu.memory_space<vmem_shared>>
      tpu.enqueue_dma source(%dma_start3A_97 : memref<160x128xf32, #tpu.memory_space<vmem_shared>>) target(%arg13 : memref<160x128xf32, #tpu.memory_space<vmem>>) target_semaphore(%run_scoped3A : memref<!tpu.dma_semaphore, #tpu.memory_space<semaphore_mem>>)
      %dma_wait3A_98 = arith.constant 0 : i32
      %dma_wait3A_99 = tpu.memref_slice %arg14[%add3A_49, %dma_wait3A_98] : memref<2560x128xf32, #tpu.memory_space<vmem_shared>> -> memref<160x128xf32, #tpu.memory_space<vmem_shared>>
      %dma_wait3A_100 = arith.constant 0 : i32
      %dma_wait3A_101 = tpu.memref_slice %arg14[%add3A_49, %dma_wait3A_100] : memref<2560x128xf32, #tpu.memory_space<vmem_shared>> -> memref<160x128xf32, #tpu.memory_space<vmem_shared>>
      tpu.wait_dma2 semaphore(%run_scoped3A : memref<!tpu.dma_semaphore, #tpu.memory_space<semaphore_mem>>) src(%dma_wait3A_101 : memref<160x128xf32, #tpu.memory_space<vmem_shared>>) dst(%arg13 : memref<160x128xf32, #tpu.memory_space<vmem>>)
      tpu.yield
    }) : () -> ()
    %mul3A_50 = arith.constant 160 : i32
    %mul3A_51 = arith.muli %arg1, %mul3A_50 : i32
    %add3A_52 = arith.constant 0 : i32
    %add3A_53 = arith.addi %mul3A_51, %add3A_52 : i32
    "tpu.region"() ({
      %run_scoped3A = tpu.sem_alloc : memref<!tpu.dma_semaphore, #tpu.memory_space<semaphore_mem>>
      %dma_start3A_94 = arith.constant 0 : i32
      %dma_start3A_95 = tpu.memref_slice %arg7[%arg0, %add3A_53, %dma_start3A_94] : memref<2x2560x128xf32, #tpu.memory_space<hbm>> -> memref<1x160x128xf32, #tpu.memory_space<hbm>>
      %dma_start3A_96 = tpu.memref_squeeze %dma_start3A_95 : memref<1x160x128xf32, #tpu.memory_space<hbm>> -> memref<160x128xf32, #tpu.memory_space<hbm>>
      %dma_start3A_97 = arith.constant 0 : i32
      %dma_start3A_98 = tpu.memref_slice %arg7[%arg0, %add3A_53, %dma_start3A_97] : memref<2x2560x128xf32, #tpu.memory_space<hbm>> -> memref<1x160x128xf32, #tpu.memory_space<hbm>>
      %dma_start3A_99 = tpu.memref_squeeze %dma_start3A_98 : memref<1x160x128xf32, #tpu.memory_space<hbm>> -> memref<160x128xf32, #tpu.memory_space<hbm>>
      tpu.enqueue_dma source(%arg13 : memref<160x128xf32, #tpu.memory_space<vmem>>) target(%dma_start3A_99 : memref<160x128xf32, #tpu.memory_space<hbm>>) target_semaphore(%run_scoped3A : memref<!tpu.dma_semaphore, #tpu.memory_space<semaphore_mem>>)
      %dma_wait3A_100 = arith.constant 0 : i32
      %dma_wait3A_101 = tpu.memref_slice %arg7[%arg0, %add3A_53, %dma_wait3A_100] : memref<2x2560x128xf32, #tpu.memory_space<hbm>> -> memref<1x160x128xf32, #tpu.memory_space<hbm>>
      %dma_wait3A_102 = tpu.memref_squeeze %dma_wait3A_101 : memref<1x160x128xf32, #tpu.memory_space<hbm>> -> memref<160x128xf32, #tpu.memory_space<hbm>>
      %dma_wait3A_103 = arith.constant 0 : i32
      %dma_wait3A_104 = tpu.memref_slice %arg7[%arg0, %add3A_53, %dma_wait3A_103] : memref<2x2560x128xf32, #tpu.memory_space<hbm>> -> memref<1x160x128xf32, #tpu.memory_space<hbm>>
      %dma_wait3A_105 = tpu.memref_squeeze %dma_wait3A_104 : memref<1x160x128xf32, #tpu.memory_space<hbm>> -> memref<160x128xf32, #tpu.memory_space<hbm>>
      tpu.wait_dma2 semaphore(%run_scoped3A : memref<!tpu.dma_semaphore, #tpu.memory_space<semaphore_mem>>) src(%arg13 : memref<160x128xf32, #tpu.memory_space<vmem>>) dst(%dma_wait3A_105 : memref<160x128xf32, #tpu.memory_space<hbm>>)
      tpu.yield
    }) : () -> ()
    %barrier3A_54 = arith.constant 0 : index
    tpu.barrier barrier_id(%barrier3A_54)
    %broadcast_in_dim3A_55 = arith.constant 0.000000e+00 : f32
    %broadcast_in_dim3A_56 = vector.broadcast %broadcast_in_dim3A_55 : f32 to vector<16xf32>
    %scan3A_57 = arith.constant 0 : i32
    %scan3A_58 = arith.constant 0 : i32
    %scan3A_59 = arith.constant 160 : i32
    %scan3A_60 = arith.addi %scan3A_58, %scan3A_59 : i32
    %scan3A_61 = arith.constant 1 : i32
    %scan3A_62 = scf.for %scan3A_94 = %scan3A_58 to %scan3A_60 step %scan3A_61 iter_args(%scan3A_95 = %scan3A_57) -> (i32)  : i32 {
      %swap3A = arith.index_cast %scan3A_94 : i32 to index
      %swap3A_96 = arith.constant 0 : index
      %swap3A_97 = tpu.vector_load %arg13[%swap3A, %swap3A_96] {strides = array<i32>} : memref<160x128xf32, #tpu.memory_space<vmem>>, vector<1x16xf32>,
      %swap3A_98 = vector.shape_cast %swap3A_97 : vector<1x16xf32> to vector<16xf32>
      %swap3A_99 = vector.shape_cast %broadcast_in_dim3A_56 : vector<16xf32> to vector<1x16xf32>
      tpu.vector_store %arg13[%swap3A, %swap3A_96], %swap3A_99 {strides = array<i32>} : memref<160x128xf32, #tpu.memory_space<vmem>>, vector<1x16xf32>,
      %swap3A_100 = arith.index_cast %scan3A_94 : i32 to index
      %swap3A_101 = arith.constant 16 : index
      %swap3A_102 = tpu.vector_load %arg13[%swap3A_100, %swap3A_101] {strides = array<i32>} : memref<160x128xf32, #tpu.memory_space<vmem>>, vector<1x16xf32>,
      %swap3A_103 = vector.shape_cast %swap3A_102 : vector<1x16xf32> to vector<16xf32>
      %swap3A_104 = vector.shape_cast %broadcast_in_dim3A_56 : vector<16xf32> to vector<1x16xf32>
      tpu.vector_store %arg13[%swap3A_100, %swap3A_101], %swap3A_104 {strides = array<i32>} : memref<160x128xf32, #tpu.memory_space<vmem>>, vector<1x16xf32>,
      %swap3A_105 = arith.index_cast %scan3A_94 : i32 to index
      %swap3A_106 = arith.constant 32 : index
      %swap3A_107 = tpu.vector_load %arg13[%swap3A_105, %swap3A_106] {strides = array<i32>} : memref<160x128xf32, #tpu.memory_space<vmem>>, vector<1x16xf32>,
      %swap3A_108 = vector.shape_cast %swap3A_107 : vector<1x16xf32> to vector<16xf32>
      %swap3A_109 = vector.shape_cast %broadcast_in_dim3A_56 : vector<16xf32> to vector<1x16xf32>
      tpu.vector_store %arg13[%swap3A_105, %swap3A_106], %swap3A_109 {strides = array<i32>} : memref<160x128xf32, #tpu.memory_space<vmem>>, vector<1x16xf32>,
      %swap3A_110 = arith.index_cast %scan3A_94 : i32 to index
      %swap3A_111 = arith.constant 48 : index
      %swap3A_112 = tpu.vector_load %arg13[%swap3A_110, %swap3A_111] {strides = array<i32>} : memref<160x128xf32, #tpu.memory_space<vmem>>, vector<1x16xf32>,
      %swap3A_113 = vector.shape_cast %swap3A_112 : vector<1x16xf32> to vector<16xf32>
      %swap3A_114 = vector.shape_cast %broadcast_in_dim3A_56 : vector<16xf32> to vector<1x16xf32>
      tpu.vector_store %arg13[%swap3A_110, %swap3A_111], %swap3A_114 {strides = array<i32>} : memref<160x128xf32, #tpu.memory_space<vmem>>, vector<1x16xf32>,
      %swap3A_115 = arith.index_cast %scan3A_94 : i32 to index
      %swap3A_116 = arith.constant 64 : index
      %swap3A_117 = tpu.vector_load %arg13[%swap3A_115, %swap3A_116] {strides = array<i32>} : memref<160x128xf32, #tpu.memory_space<vmem>>, vector<1x16xf32>,
      %swap3A_118 = vector.shape_cast %swap3A_117 : vector<1x16xf32> to vector<16xf32>
      %swap3A_119 = vector.shape_cast %broadcast_in_dim3A_56 : vector<16xf32> to vector<1x16xf32>
      tpu.vector_store %arg13[%swap3A_115, %swap3A_116], %swap3A_119 {strides = array<i32>} : memref<160x128xf32, #tpu.memory_space<vmem>>, vector<1x16xf32>,
      %swap3A_120 = arith.index_cast %scan3A_94 : i32 to index
      %swap3A_121 = arith.constant 80 : index
      %swap3A_122 = tpu.vector_load %arg13[%swap3A_120, %swap3A_121] {strides = array<i32>} : memref<160x128xf32, #tpu.memory_space<vmem>>, vector<1x16xf32>,
      %swap3A_123 = vector.shape_cast %swap3A_122 : vector<1x16xf32> to vector<16xf32>
      %swap3A_124 = vector.shape_cast %broadcast_in_dim3A_56 : vector<16xf32> to vector<1x16xf32>
      tpu.vector_store %arg13[%swap3A_120, %swap3A_121], %swap3A_124 {strides = array<i32>} : memref<160x128xf32, #tpu.memory_space<vmem>>, vector<1x16xf32>,
      %swap3A_125 = arith.index_cast %scan3A_94 : i32 to index
      %swap3A_126 = arith.constant 96 : index
      %swap3A_127 = tpu.vector_load %arg13[%swap3A_125, %swap3A_126] {strides = array<i32>} : memref<160x128xf32, #tpu.memory_space<vmem>>, vector<1x16xf32>,
      %swap3A_128 = vector.shape_cast %swap3A_127 : vector<1x16xf32> to vector<16xf32>
      %swap3A_129 = vector.shape_cast %broadcast_in_dim3A_56 : vector<16xf32> to vector<1x16xf32>
      tpu.vector_store %arg13[%swap3A_125, %swap3A_126], %swap3A_129 {strides = array<i32>} : memref<160x128xf32, #tpu.memory_space<vmem>>, vector<1x16xf32>,
      %swap3A_130 = arith.index_cast %scan3A_94 : i32 to index
      %swap3A_131 = arith.constant 112 : index
      %swap3A_132 = tpu.vector_load %arg13[%swap3A_130, %swap3A_131] {strides = array<i32>} : memref<160x128xf32, #tpu.memory_space<vmem>>, vector<1x16xf32>,
      %swap3A_133 = vector.shape_cast %swap3A_132 : vector<1x16xf32> to vector<16xf32>
      %swap3A_134 = vector.shape_cast %broadcast_in_dim3A_56 : vector<16xf32> to vector<1x16xf32>
      tpu.vector_store %arg13[%swap3A_130, %swap3A_131], %swap3A_134 {strides = array<i32>} : memref<160x128xf32, #tpu.memory_space<vmem>>, vector<1x16xf32>,
      %scan3A_135 = arith.constant 0 : i32
      scf.yield %scan3A_135 : i32
    }
    %scan3A_63 = arith.constant 160 : i32
    %mul3A_64 = arith.constant 160 : i32
    %mul3A_65 = arith.muli %arg1, %mul3A_64 : i32
    %add3A_66 = arith.constant 0 : i32
    %add3A_67 = arith.addi %mul3A_65, %add3A_66 : i32
    "tpu.region"() ({
      %run_scoped3A = tpu.sem_alloc : memref<!tpu.dma_semaphore, #tpu.memory_space<semaphore_mem>>
      %dma_start3A_94 = arith.constant 0 : i32
      %dma_start3A_95 = tpu.memref_slice %arg14[%add3A_67, %dma_start3A_94] : memref<2560x128xf32, #tpu.memory_space<vmem_shared>> -> memref<160x128xf32, #tpu.memory_space<vmem_shared>>
      %dma_start3A_96 = arith.constant 0 : i32
      %dma_start3A_97 = tpu.memref_slice %arg14[%add3A_67, %dma_start3A_96] : memref<2560x128xf32, #tpu.memory_space<vmem_shared>> -> memref<160x128xf32, #tpu.memory_space<vmem_shared>>
      tpu.enqueue_dma source(%arg13 : memref<160x128xf32, #tpu.memory_space<vmem>>) target(%dma_start3A_97 : memref<160x128xf32, #tpu.memory_space<vmem_shared>>) target_semaphore(%run_scoped3A : memref<!tpu.dma_semaphore, #tpu.memory_space<semaphore_mem>>)
      %dma_wait3A_98 = arith.constant 0 : i32
      %dma_wait3A_99 = tpu.memref_slice %arg14[%add3A_67, %dma_wait3A_98] : memref<2560x128xf32, #tpu.memory_space<vmem_shared>> -> memref<160x128xf32, #tpu.memory_space<vmem_shared>>
      %dma_wait3A_100 = arith.constant 0 : i32
      %dma_wait3A_101 = tpu.memref_slice %arg14[%add3A_67, %dma_wait3A_100] : memref<2560x128xf32, #tpu.memory_space<vmem_shared>> -> memref<160x128xf32, #tpu.memory_space<vmem_shared>>
      tpu.wait_dma2 semaphore(%run_scoped3A : memref<!tpu.dma_semaphore, #tpu.memory_space<semaphore_mem>>) src(%arg13 : memref<160x128xf32, #tpu.memory_space<vmem>>) dst(%dma_wait3A_101 : memref<160x128xf32, #tpu.memory_space<vmem_shared>>)
      tpu.yield
    }) : () -> ()
    %broadcast_in_dim3A_68 = arith.constant 1.000000e+00 : f32
    %broadcast_in_dim3A_69 = vector.broadcast %broadcast_in_dim3A_68 : f32 to vector<16xf32>
    %scan3A_70 = arith.constant 0 : i32
    %scan3A_71 = arith.constant 0 : i32
    %scan3A_72 = arith.constant 400 : i32
    %scan3A_73 = arith.addi %scan3A_71, %scan3A_72 : i32
    %scan3A_74 = arith.constant 1 : i32
    %scan3A_75 = scf.for %scan3A_94 = %scan3A_71 to %scan3A_73 step %scan3A_74 iter_args(%scan3A_95 = %scan3A_70) -> (i32)  : i32 {
      %swap3A = arith.index_cast %scan3A_94 : i32 to index
      %swap3A_96 = arith.constant 0 : index
      %swap3A_97 = tpu.vector_load %arg12[%swap3A, %swap3A_96] {strides = array<i32>} : memref<400x128xf32, #tpu.memory_space<vmem>>, vector<1x16xf32>,
      %swap3A_98 = vector.shape_cast %swap3A_97 : vector<1x16xf32> to vector<16xf32>
      %swap3A_99 = vector.shape_cast %broadcast_in_dim3A_69 : vector<16xf32> to vector<1x16xf32>
      tpu.vector_store %arg12[%swap3A, %swap3A_96], %swap3A_99 {strides = array<i32>} : memref<400x128xf32, #tpu.memory_space<vmem>>, vector<1x16xf32>,
      %swap3A_100 = arith.index_cast %scan3A_94 : i32 to index
      %swap3A_101 = arith.constant 16 : index
      %swap3A_102 = tpu.vector_load %arg12[%swap3A_100, %swap3A_101] {strides = array<i32>} : memref<400x128xf32, #tpu.memory_space<vmem>>, vector<1x16xf32>,
      %swap3A_103 = vector.shape_cast %swap3A_102 : vector<1x16xf32> to vector<16xf32>
      %swap3A_104 = vector.shape_cast %broadcast_in_dim3A_69 : vector<16xf32> to vector<1x16xf32>
      tpu.vector_store %arg12[%swap3A_100, %swap3A_101], %swap3A_104 {strides = array<i32>} : memref<400x128xf32, #tpu.memory_space<vmem>>, vector<1x16xf32>,
      %swap3A_105 = arith.index_cast %scan3A_94 : i32 to index
      %swap3A_106 = arith.constant 32 : index
      %swap3A_107 = tpu.vector_load %arg12[%swap3A_105, %swap3A_106] {strides = array<i32>} : memref<400x128xf32, #tpu.memory_space<vmem>>, vector<1x16xf32>,
      %swap3A_108 = vector.shape_cast %swap3A_107 : vector<1x16xf32> to vector<16xf32>
      %swap3A_109 = vector.shape_cast %broadcast_in_dim3A_69 : vector<16xf32> to vector<1x16xf32>
      tpu.vector_store %arg12[%swap3A_105, %swap3A_106], %swap3A_109 {strides = array<i32>} : memref<400x128xf32, #tpu.memory_space<vmem>>, vector<1x16xf32>,
      %swap3A_110 = arith.index_cast %scan3A_94 : i32 to index
      %swap3A_111 = arith.constant 48 : index
      %swap3A_112 = tpu.vector_load %arg12[%swap3A_110, %swap3A_111] {strides = array<i32>} : memref<400x128xf32, #tpu.memory_space<vmem>>, vector<1x16xf32>,
      %swap3A_113 = vector.shape_cast %swap3A_112 : vector<1x16xf32> to vector<16xf32>
      %swap3A_114 = vector.shape_cast %broadcast_in_dim3A_69 : vector<16xf32> to vector<1x16xf32>
      tpu.vector_store %arg12[%swap3A_110, %swap3A_111], %swap3A_114 {strides = array<i32>} : memref<400x128xf32, #tpu.memory_space<vmem>>, vector<1x16xf32>,
      %swap3A_115 = arith.index_cast %scan3A_94 : i32 to index
      %swap3A_116 = arith.constant 64 : index
      %swap3A_117 = tpu.vector_load %arg12[%swap3A_115, %swap3A_116] {strides = array<i32>} : memref<400x128xf32, #tpu.memory_space<vmem>>, vector<1x16xf32>,
      %swap3A_118 = vector.shape_cast %swap3A_117 : vector<1x16xf32> to vector<16xf32>
      %swap3A_119 = vector.shape_cast %broadcast_in_dim3A_69 : vector<16xf32> to vector<1x16xf32>
      tpu.vector_store %arg12[%swap3A_115, %swap3A_116], %swap3A_119 {strides = array<i32>} : memref<400x128xf32, #tpu.memory_space<vmem>>, vector<1x16xf32>,
      %swap3A_120 = arith.index_cast %scan3A_94 : i32 to index
      %swap3A_121 = arith.constant 80 : index
      %swap3A_122 = tpu.vector_load %arg12[%swap3A_120, %swap3A_121] {strides = array<i32>} : memref<400x128xf32, #tpu.memory_space<vmem>>, vector<1x16xf32>,
      %swap3A_123 = vector.shape_cast %swap3A_122 : vector<1x16xf32> to vector<16xf32>
      %swap3A_124 = vector.shape_cast %broadcast_in_dim3A_69 : vector<16xf32> to vector<1x16xf32>
      tpu.vector_store %arg12[%swap3A_120, %swap3A_121], %swap3A_124 {strides = array<i32>} : memref<400x128xf32, #tpu.memory_space<vmem>>, vector<1x16xf32>,
      %swap3A_125 = arith.index_cast %scan3A_94 : i32 to index
      %swap3A_126 = arith.constant 96 : index
      %swap3A_127 = tpu.vector_load %arg12[%swap3A_125, %swap3A_126] {strides = array<i32>} : memref<400x128xf32, #tpu.memory_space<vmem>>, vector<1x16xf32>,
      %swap3A_128 = vector.shape_cast %swap3A_127 : vector<1x16xf32> to vector<16xf32>
      %swap3A_129 = vector.shape_cast %broadcast_in_dim3A_69 : vector<16xf32> to vector<1x16xf32>
      tpu.vector_store %arg12[%swap3A_125, %swap3A_126], %swap3A_129 {strides = array<i32>} : memref<400x128xf32, #tpu.memory_space<vmem>>, vector<1x16xf32>,
      %swap3A_130 = arith.index_cast %scan3A_94 : i32 to index
      %swap3A_131 = arith.constant 112 : index
      %swap3A_132 = tpu.vector_load %arg12[%swap3A_130, %swap3A_131] {strides = array<i32>} : memref<400x128xf32, #tpu.memory_space<vmem>>, vector<1x16xf32>,
      %swap3A_133 = vector.shape_cast %swap3A_132 : vector<1x16xf32> to vector<16xf32>
      %swap3A_134 = vector.shape_cast %broadcast_in_dim3A_69 : vector<16xf32> to vector<1x16xf32>
      tpu.vector_store %arg12[%swap3A_130, %swap3A_131], %swap3A_134 {strides = array<i32>} : memref<400x128xf32, #tpu.memory_space<vmem>>, vector<1x16xf32>,
      %scan3A_135 = arith.constant 0 : i32
      scf.yield %scan3A_135 : i32
    }
    %scan3A_76 = arith.constant 400 : i32
    %barrier3A_77 = arith.constant 0 : index
    tpu.barrier barrier_id(%barrier3A_77)
    %scan3A_78 = arith.constant 0 : i32
    %scan3A_79 = arith.constant 0 : i32
    %scan3A_80 = arith.constant 50 : i32
    %scan3A_81 = arith.addi %scan3A_79, %scan3A_80 : i32
    %scan3A_82 = arith.constant 1 : i32
    %scan3A_83 = scf.for %scan3A_94 = %scan3A_79 to %scan3A_81 step %scan3A_82 iter_args(%scan3A_95 = %scan3A_78) -> (i32)  : i32 {
      %mul3A_96 = arith.constant 20000 : i32
      %mul3A_97 = arith.muli %arg1, %mul3A_96 : i32
      %mul3A_98 = arith.constant 400 : i32
      %mul3A_99 = arith.muli %scan3A_94, %mul3A_98 : i32
      %add3A_100 = arith.addi %mul3A_97, %mul3A_99 : i32
      "tpu.region"() ({
        %run_scoped3A = tpu.sem_alloc : memref<!tpu.dma_semaphore, #tpu.memory_space<semaphore_mem>>
        %dma_start3A_109 = tpu.memref_slice %arg4[%add3A_100] : memref<320000xi32, #tpu.memory_space<hbm>> -> memref<400xi32, #tpu.memory_space<hbm>>
        %dma_start3A_110 = tpu.memref_slice %arg4[%add3A_100] : memref<320000xi32, #tpu.memory_space<hbm>> -> memref<400xi32, #tpu.memory_space<hbm>>
        tpu.enqueue_dma source(%dma_start3A_110 : memref<400xi32, #tpu.memory_space<hbm>>) target(%arg11 : memref<400xi32, #tpu.memory_space<vmem>>) target_semaphore(%run_scoped3A : memref<!tpu.dma_semaphore, #tpu.memory_space<semaphore_mem>>)
        %dma_wait3A_111 = tpu.memref_slice %arg4[%add3A_100] : memref<320000xi32, #tpu.memory_space<hbm>> -> memref<400xi32, #tpu.memory_space<hbm>>
        %dma_wait3A_112 = tpu.memref_slice %arg4[%add3A_100] : memref<320000xi32, #tpu.memory_space<hbm>> -> memref<400xi32, #tpu.memory_space<hbm>>
        tpu.wait_dma2 semaphore(%run_scoped3A : memref<!tpu.dma_semaphore, #tpu.memory_space<semaphore_mem>>) src(%dma_wait3A_112 : memref<400xi32, #tpu.memory_space<hbm>>) dst(%arg11 : memref<400xi32, #tpu.memory_space<vmem>>)
        tpu.yield
      }) : () -> ()
      %scan3A_101 = arith.constant 0 : i32
      %scan3A_102 = arith.constant 0 : i32
      %scan3A_103 = arith.constant 25 : i32
      %scan3A_104 = arith.addi %scan3A_102, %scan3A_103 : i32
      %scan3A_105 = arith.constant 1 : i32
      %scan3A_106 = scf.for %scan3A_109 = %scan3A_102 to %scan3A_104 step %scan3A_105 iter_args(%scan3A_110 = %scan3A_101) -> (i32)  : i32 {
        %mul3A_111 = arith.constant 16 : i32
        %mul3A_112 = arith.muli %scan3A_109, %mul3A_111 : i32
        %get3A = arith.index_cast %mul3A_112 : i32 to index
        %get3A_113 = tpu.vector_load %arg11[%get3A] {strides = array<i32>} : memref<400xi32, #tpu.memory_space<vmem>>, vector<16xi32>,
        %get3A_114 = vector.shape_cast %get3A_113 : vector<16xi32> to vector<16xi32>
        %sub3A = vector.broadcast %mul3A_0 : i32 to vector<16xi32>
        %sub3A_115 = arith.subi %get3A_114, %sub3A : vector<16xi32>
        %ge3A = arith.constant 0 : i32
        %ge3A_116 = vector.broadcast %ge3A : i32 to vector<16xi32>
        %ge3A_117 = arith.cmpi sge, %sub3A_115, %ge3A_116 : vector<16xi32>
        %lt3A = arith.constant 2500 : i32
        %lt3A_118 = vector.broadcast %lt3A : i32 to vector<16xi32>
        %lt3A_119 = arith.cmpi slt, %sub3A_115, %lt3A_118 : vector<16xi32>
        %and3A = arith.andi %ge3A_117, %lt3A_119 : vector<16xi1>
        %select_n3A = arith.select %and3A, %sub3A_115, %broadcast_in_dim3A_1 : vector<16xi1>, vector<16xi32>
        %mul3A_120 = arith.constant 16 : i32
        %mul3A_121 = arith.muli %scan3A_109, %mul3A_120 : i32
        %swap3A = arith.index_cast %mul3A_121 : i32 to index
        %swap3A_122 = tpu.vector_load %arg11[%swap3A] {strides = array<i32>} : memref<400xi32, #tpu.memory_space<vmem>>, vector<16xi32>,
        %swap3A_123 = vector.shape_cast %swap3A_122 : vector<16xi32> to vector<16xi32>
        %swap3A_124 = vector.shape_cast %select_n3A : vector<16xi32> to vector<16xi32>
        tpu.vector_store %arg11[%swap3A], %swap3A_124 {strides = array<i32>} : memref<400xi32, #tpu.memory_space<vmem>>, vector<16xi32>,
        %scan3A_125 = arith.constant 0 : i32
        scf.yield %scan3A_125 : i32
      }
      %scan3A_107 = arith.constant 25 : i32
      "tpu.region"() ({
        %run_scoped3A = tpu.sem_alloc : memref<!tpu.dma_semaphore, #tpu.memory_space<semaphore_mem>>
        %dma_start3A_109 = arith.constant 0 : i32
        %dma_start3A_110 = arith.constant 0 : i32
        %dma_start3A_111 = tpu.memref_slice %arg14[%dma_start3A_109, %dma_start3A_110] : memref<2560x128xf32, #tpu.memory_space<vmem_shared>> -> memref<2560x128xf32, #tpu.memory_space<vmem_shared>>
        tpu.enqueue_indirect_dma source(%arg12 : memref<400x128xf32, #tpu.memory_space<vmem>>) target(%dma_start3A_111 : memref<2560x128xf32, #tpu.memory_space<vmem_shared>>) offsets(%arg11 : memref<400xi32, #tpu.memory_space<vmem>>) semaphore(%run_scoped3A : memref<!tpu.dma_semaphore, #tpu.memory_space<semaphore_mem>>) {add = true}
        %dma_wait3A_112 = arith.constant 0 : i32
        %dma_wait3A_113 = arith.constant 0 : i32
        %dma_wait3A_114 = tpu.memref_slice %arg14[%dma_wait3A_112, %dma_wait3A_113] : memref<2560x128xf32, #tpu.memory_space<vmem_shared>> -> memref<2560x128xf32, #tpu.memory_space<vmem_shared>>
        tpu.wait_indirect_dma semaphore(%run_scoped3A : memref<!tpu.dma_semaphore, #tpu.memory_space<semaphore_mem>>) src(%arg12 : memref<400x128xf32, #tpu.memory_space<vmem>>) dst(%dma_wait3A_114 : memref<2560x128xf32, #tpu.memory_space<vmem_shared>>)
        tpu.yield
      }) : () -> ()
      %scan3A_108 = arith.constant 0 : i32
      scf.yield %scan3A_108 : i32
    }
    %scan3A_84 = arith.constant 50 : i32
    %barrier3A_85 = arith.constant 0 : index
    tpu.barrier barrier_id(%barrier3A_85)
    %mul3A_86 = arith.constant 160 : i32
    %mul3A_87 = arith.muli %arg1, %mul3A_86 : i32
    %add3A_88 = arith.constant 0 : i32
    %add3A_89 = arith.addi %mul3A_87, %add3A_88 : i32
    "tpu.region"() ({
      %run_scoped3A = tpu.sem_alloc : memref<!tpu.dma_semaphore, #tpu.memory_space<semaphore_mem>>
      %dma_start3A_94 = arith.constant 0 : i32
      %dma_start3A_95 = tpu.memref_slice %arg14[%add3A_89, %dma_start3A_94] : memref<2560x128xf32, #tpu.memory_space<vmem_shared>> -> memref<160x128xf32, #tpu.memory_space<vmem_shared>>
      %dma_start3A_96 = arith.constant 0 : i32
      %dma_start3A_97 = tpu.memref_slice %arg14[%add3A_89, %dma_start3A_96] : memref<2560x128xf32, #tpu.memory_space<vmem_shared>> -> memref<160x128xf32, #tpu.memory_space<vmem_shared>>
      tpu.enqueue_dma source(%dma_start3A_97 : memref<160x128xf32, #tpu.memory_space<vmem_shared>>) target(%arg13 : memref<160x128xf32, #tpu.memory_space<vmem>>) target_semaphore(%run_scoped3A : memref<!tpu.dma_semaphore, #tpu.memory_space<semaphore_mem>>)
      %dma_wait3A_98 = arith.constant 0 : i32
      %dma_wait3A_99 = tpu.memref_slice %arg14[%add3A_89, %dma_wait3A_98] : memref<2560x128xf32, #tpu.memory_space<vmem_shared>> -> memref<160x128xf32, #tpu.memory_space<vmem_shared>>
      %dma_wait3A_100 = arith.constant 0 : i32
      %dma_wait3A_101 = tpu.memref_slice %arg14[%add3A_89, %dma_wait3A_100] : memref<2560x128xf32, #tpu.memory_space<vmem_shared>> -> memref<160x128xf32, #tpu.memory_space<vmem_shared>>
      tpu.wait_dma2 semaphore(%run_scoped3A : memref<!tpu.dma_semaphore, #tpu.memory_space<semaphore_mem>>) src(%dma_wait3A_101 : memref<160x128xf32, #tpu.memory_space<vmem_shared>>) dst(%arg13 : memref<160x128xf32, #tpu.memory_space<vmem>>)
      tpu.yield
    }) : () -> ()
    %mul3A_90 = arith.constant 160 : i32
    %mul3A_91 = arith.muli %arg1, %mul3A_90 : i32
    %add3A_92 = arith.constant 0 : i32
    %add3A_93 = arith.addi %mul3A_91, %add3A_92 : i32
    "tpu.region"() ({
      %run_scoped3A = tpu.sem_alloc : memref<!tpu.dma_semaphore, #tpu.memory_space<semaphore_mem>>
      %dma_start3A_94 = arith.constant 0 : i32
      %dma_start3A_95 = tpu.memref_slice %arg8[%arg0, %add3A_93, %dma_start3A_94] : memref<2x2560x128xf32, #tpu.memory_space<hbm>> -> memref<1x160x128xf32, #tpu.memory_space<hbm>>
      %dma_start3A_96 = tpu.memref_squeeze %dma_start3A_95 : memref<1x160x128xf32, #tpu.memory_space<hbm>> -> memref<160x128xf32, #tpu.memory_space<hbm>>
      %dma_start3A_97 = arith.constant 0 : i32
      %dma_start3A_98 = tpu.memref_slice %arg8[%arg0, %add3A_93, %dma_start3A_97] : memref<2x2560x128xf32, #tpu.memory_space<hbm>> -> memref<1x160x128xf32, #tpu.memory_space<hbm>>
      %dma_start3A_99 = tpu.memref_squeeze %dma_start3A_98 : memref<1x160x128xf32, #tpu.memory_space<hbm>> -> memref<160x128xf32, #tpu.memory_space<hbm>>
      tpu.enqueue_dma source(%arg13 : memref<160x128xf32, #tpu.memory_space<vmem>>) target(%dma_start3A_99 : memref<160x128xf32, #tpu.memory_space<hbm>>) target_semaphore(%run_scoped3A : memref<!tpu.dma_semaphore, #tpu.memory_space<semaphore_mem>>)
      %dma_wait3A_100 = arith.constant 0 : i32
      %dma_wait3A_101 = tpu.memref_slice %arg8[%arg0, %add3A_93, %dma_wait3A_100] : memref<2x2560x128xf32, #tpu.memory_space<hbm>> -> memref<1x160x128xf32, #tpu.memory_space<hbm>>
      %dma_wait3A_102 = tpu.memref_squeeze %dma_wait3A_101 : memref<1x160x128xf32, #tpu.memory_space<hbm>> -> memref<160x128xf32, #tpu.memory_space<hbm>>
      %dma_wait3A_103 = arith.constant 0 : i32
      %dma_wait3A_104 = tpu.memref_slice %arg8[%arg0, %add3A_93, %dma_wait3A_103] : memref<2x2560x128xf32, #tpu.memory_space<hbm>> -> memref<1x160x128xf32, #tpu.memory_space<hbm>>
      %dma_wait3A_105 = tpu.memref_squeeze %dma_wait3A_104 : memref<1x160x128xf32, #tpu.memory_space<hbm>> -> memref<160x128xf32, #tpu.memory_space<hbm>>
      tpu.wait_dma2 semaphore(%run_scoped3A : memref<!tpu.dma_semaphore, #tpu.memory_space<semaphore_mem>>) src(%arg13 : memref<160x128xf32, #tpu.memory_space<vmem>>) dst(%dma_wait3A_105 : memref<160x128xf32, #tpu.memory_space<hbm>>)
      tpu.yield
    }) : () -> ()
    return
  }
}

#map = affine_map<(d0, d1) -> (0, 0)>
#map1 = affine_map<(d0, d1) -> (0)>
#map2 = affine_map<(d0, d1) -> (0, 0, 0)>
module attributes {stable_mosaic.version = 14 : i64} {
  func.func @_p(%arg0: i32, %arg1: i32, %arg2: memref<5120x128xf32, #tpu.memory_space<hbm>>, %arg3: memref<320000xi32, #tpu.memory_space<hbm>>, %arg4: memref<320000xi32, #tpu.memory_space<hbm>>, %arg5: memref<2x5120x128xf32, #tpu.memory_space<hbm>>, %arg6: memref<2x5120x128xf32, #tpu.memory_space<hbm>>, %arg7: memref<400xi32, #tpu.memory_space<vmem>>, %arg8: memref<400xi32, #tpu.memory_space<vmem>>, %arg9: memref<400x128xf32, #tpu.memory_space<vmem>>, %arg10: memref<160x128xf32, #tpu.memory_space<vmem>>, %arg11: memref<5120x128xf32, #tpu.memory_space<vmem_shared>>, %arg12: memref<!tpu.dma_semaphore, #tpu.memory_space<semaphore_mem>>) attributes {dimension_semantics = [#tpu.dimension_semantics<core_parallel>, #tpu.dimension_semantics<subcore_parallel>], iteration_bounds = array<i64: 2, 16>, scalar_prefetch = 0 : i64, scratch_operands = 6 : i64, tpu.core_type = #tpu.core_type<sc_vector_subcore>, window_params = [{transform_indices = #map}, {transform_indices = #map1}, {transform_indices = #map1}, {transform_indices = #map2}, {transform_indices = #map2}]} {
    %mul3A = arith.constant 5000 : i32
    %mul3A_0 = arith.muli %arg0, %mul3A : i32
    %broadcast_in_dim3A = arith.constant 5119 : i32
    %broadcast_in_dim3A_1 = vector.broadcast %broadcast_in_dim3A : i32 to vector<16xi32>
    %broadcast_in_dim3A_2 = arith.constant 1048576 : i32
    %broadcast_in_dim3A_3 = vector.broadcast %broadcast_in_dim3A_2 : i32 to vector<16xi32>
    %broadcast_in_dim3A_4 = arith.constant 0 : i32
    %broadcast_in_dim3A_5 = vector.broadcast %broadcast_in_dim3A_4 : i32 to vector<16xi32>
    %broadcast_in_dim3A_6 = arith.constant 0.000000e+00 : f32
    %broadcast_in_dim3A_7 = vector.broadcast %broadcast_in_dim3A_6 : f32 to vector<16xf32>
    %scan3A = arith.constant 0 : i32
    %scan3A_8 = arith.constant 0 : i32
    %scan3A_9 = arith.constant 160 : i32
    %scan3A_10 = arith.addi %scan3A_8, %scan3A_9 : i32
    %scan3A_11 = arith.constant 1 : i32
    %scan3A_12 = scf.for %scan3A_97 = %scan3A_8 to %scan3A_10 step %scan3A_11 iter_args(%scan3A_98 = %scan3A) -> (i32)  : i32 {
      %swap3A = arith.index_cast %scan3A_97 : i32 to index
      %swap3A_99 = arith.constant 0 : index
      %swap3A_100 = tpu.vector_load %arg10[%swap3A, %swap3A_99] {strides = array<i32>} : memref<160x128xf32, #tpu.memory_space<vmem>>, vector<1x16xf32>,
      %swap3A_101 = vector.shape_cast %swap3A_100 : vector<1x16xf32> to vector<16xf32>
      %swap3A_102 = vector.shape_cast %broadcast_in_dim3A_7 : vector<16xf32> to vector<1x16xf32>
      tpu.vector_store %arg10[%swap3A, %swap3A_99], %swap3A_102 {strides = array<i32>} : memref<160x128xf32, #tpu.memory_space<vmem>>, vector<1x16xf32>,
      %swap3A_103 = arith.index_cast %scan3A_97 : i32 to index
      %swap3A_104 = arith.constant 16 : index
      %swap3A_105 = tpu.vector_load %arg10[%swap3A_103, %swap3A_104] {strides = array<i32>} : memref<160x128xf32, #tpu.memory_space<vmem>>, vector<1x16xf32>,
      %swap3A_106 = vector.shape_cast %swap3A_105 : vector<1x16xf32> to vector<16xf32>
      %swap3A_107 = vector.shape_cast %broadcast_in_dim3A_7 : vector<16xf32> to vector<1x16xf32>
      tpu.vector_store %arg10[%swap3A_103, %swap3A_104], %swap3A_107 {strides = array<i32>} : memref<160x128xf32, #tpu.memory_space<vmem>>, vector<1x16xf32>,
      %swap3A_108 = arith.index_cast %scan3A_97 : i32 to index
      %swap3A_109 = arith.constant 32 : index
      %swap3A_110 = tpu.vector_load %arg10[%swap3A_108, %swap3A_109] {strides = array<i32>} : memref<160x128xf32, #tpu.memory_space<vmem>>, vector<1x16xf32>,
      %swap3A_111 = vector.shape_cast %swap3A_110 : vector<1x16xf32> to vector<16xf32>
      %swap3A_112 = vector.shape_cast %broadcast_in_dim3A_7 : vector<16xf32> to vector<1x16xf32>
      tpu.vector_store %arg10[%swap3A_108, %swap3A_109], %swap3A_112 {strides = array<i32>} : memref<160x128xf32, #tpu.memory_space<vmem>>, vector<1x16xf32>,
      %swap3A_113 = arith.index_cast %scan3A_97 : i32 to index
      %swap3A_114 = arith.constant 48 : index
      %swap3A_115 = tpu.vector_load %arg10[%swap3A_113, %swap3A_114] {strides = array<i32>} : memref<160x128xf32, #tpu.memory_space<vmem>>, vector<1x16xf32>,
      %swap3A_116 = vector.shape_cast %swap3A_115 : vector<1x16xf32> to vector<16xf32>
      %swap3A_117 = vector.shape_cast %broadcast_in_dim3A_7 : vector<16xf32> to vector<1x16xf32>
      tpu.vector_store %arg10[%swap3A_113, %swap3A_114], %swap3A_117 {strides = array<i32>} : memref<160x128xf32, #tpu.memory_space<vmem>>, vector<1x16xf32>,
      %swap3A_118 = arith.index_cast %scan3A_97 : i32 to index
      %swap3A_119 = arith.constant 64 : index
      %swap3A_120 = tpu.vector_load %arg10[%swap3A_118, %swap3A_119] {strides = array<i32>} : memref<160x128xf32, #tpu.memory_space<vmem>>, vector<1x16xf32>,
      %swap3A_121 = vector.shape_cast %swap3A_120 : vector<1x16xf32> to vector<16xf32>
      %swap3A_122 = vector.shape_cast %broadcast_in_dim3A_7 : vector<16xf32> to vector<1x16xf32>
      tpu.vector_store %arg10[%swap3A_118, %swap3A_119], %swap3A_122 {strides = array<i32>} : memref<160x128xf32, #tpu.memory_space<vmem>>, vector<1x16xf32>,
      %swap3A_123 = arith.index_cast %scan3A_97 : i32 to index
      %swap3A_124 = arith.constant 80 : index
      %swap3A_125 = tpu.vector_load %arg10[%swap3A_123, %swap3A_124] {strides = array<i32>} : memref<160x128xf32, #tpu.memory_space<vmem>>, vector<1x16xf32>,
      %swap3A_126 = vector.shape_cast %swap3A_125 : vector<1x16xf32> to vector<16xf32>
      %swap3A_127 = vector.shape_cast %broadcast_in_dim3A_7 : vector<16xf32> to vector<1x16xf32>
      tpu.vector_store %arg10[%swap3A_123, %swap3A_124], %swap3A_127 {strides = array<i32>} : memref<160x128xf32, #tpu.memory_space<vmem>>, vector<1x16xf32>,
      %swap3A_128 = arith.index_cast %scan3A_97 : i32 to index
      %swap3A_129 = arith.constant 96 : index
      %swap3A_130 = tpu.vector_load %arg10[%swap3A_128, %swap3A_129] {strides = array<i32>} : memref<160x128xf32, #tpu.memory_space<vmem>>, vector<1x16xf32>,
      %swap3A_131 = vector.shape_cast %swap3A_130 : vector<1x16xf32> to vector<16xf32>
      %swap3A_132 = vector.shape_cast %broadcast_in_dim3A_7 : vector<16xf32> to vector<1x16xf32>
      tpu.vector_store %arg10[%swap3A_128, %swap3A_129], %swap3A_132 {strides = array<i32>} : memref<160x128xf32, #tpu.memory_space<vmem>>, vector<1x16xf32>,
      %swap3A_133 = arith.index_cast %scan3A_97 : i32 to index
      %swap3A_134 = arith.constant 112 : index
      %swap3A_135 = tpu.vector_load %arg10[%swap3A_133, %swap3A_134] {strides = array<i32>} : memref<160x128xf32, #tpu.memory_space<vmem>>, vector<1x16xf32>,
      %swap3A_136 = vector.shape_cast %swap3A_135 : vector<1x16xf32> to vector<16xf32>
      %swap3A_137 = vector.shape_cast %broadcast_in_dim3A_7 : vector<16xf32> to vector<1x16xf32>
      tpu.vector_store %arg10[%swap3A_133, %swap3A_134], %swap3A_137 {strides = array<i32>} : memref<160x128xf32, #tpu.memory_space<vmem>>, vector<1x16xf32>,
      %scan3A_138 = arith.constant 0 : i32
      scf.yield %scan3A_138 : i32
    }
    %scan3A_13 = arith.constant 160 : i32
    %mul3A_14 = arith.constant 320 : i32
    %mul3A_15 = arith.muli %arg1, %mul3A_14 : i32
    %add3A = arith.constant 0 : i32
    %add3A_16 = arith.addi %mul3A_15, %add3A : i32
    "tpu.region"() ({
      %run_scoped3A = tpu.sem_alloc : memref<!tpu.dma_semaphore, #tpu.memory_space<semaphore_mem>>
      %dma_start3A = arith.constant 0 : i32
      %dma_start3A_97 = tpu.memref_slice %arg11[%add3A_16, %dma_start3A] : memref<5120x128xf32, #tpu.memory_space<vmem_shared>> -> memref<160x128xf32, #tpu.memory_space<vmem_shared>>
      %dma_start3A_98 = arith.constant 0 : i32
      %dma_start3A_99 = tpu.memref_slice %arg11[%add3A_16, %dma_start3A_98] : memref<5120x128xf32, #tpu.memory_space<vmem_shared>> -> memref<160x128xf32, #tpu.memory_space<vmem_shared>>
      tpu.enqueue_dma source(%arg10 : memref<160x128xf32, #tpu.memory_space<vmem>>) target(%dma_start3A_99 : memref<160x128xf32, #tpu.memory_space<vmem_shared>>) target_semaphore(%run_scoped3A : memref<!tpu.dma_semaphore, #tpu.memory_space<semaphore_mem>>)
      %dma_wait3A = arith.constant 0 : i32
      %dma_wait3A_100 = tpu.memref_slice %arg11[%add3A_16, %dma_wait3A] : memref<5120x128xf32, #tpu.memory_space<vmem_shared>> -> memref<160x128xf32, #tpu.memory_space<vmem_shared>>
      %dma_wait3A_101 = arith.constant 0 : i32
      %dma_wait3A_102 = tpu.memref_slice %arg11[%add3A_16, %dma_wait3A_101] : memref<5120x128xf32, #tpu.memory_space<vmem_shared>> -> memref<160x128xf32, #tpu.memory_space<vmem_shared>>
      tpu.wait_dma2 semaphore(%run_scoped3A : memref<!tpu.dma_semaphore, #tpu.memory_space<semaphore_mem>>) src(%arg10 : memref<160x128xf32, #tpu.memory_space<vmem>>) dst(%dma_wait3A_102 : memref<160x128xf32, #tpu.memory_space<vmem_shared>>)
      tpu.yield
    }) : () -> ()
    %mul3A_17 = arith.constant 320 : i32
    %mul3A_18 = arith.muli %arg1, %mul3A_17 : i32
    %add3A_19 = arith.constant 160 : i32
    %add3A_20 = arith.addi %mul3A_18, %add3A_19 : i32
    "tpu.region"() ({
      %run_scoped3A = tpu.sem_alloc : memref<!tpu.dma_semaphore, #tpu.memory_space<semaphore_mem>>
      %dma_start3A = arith.constant 0 : i32
      %dma_start3A_97 = tpu.memref_slice %arg11[%add3A_20, %dma_start3A] : memref<5120x128xf32, #tpu.memory_space<vmem_shared>> -> memref<160x128xf32, #tpu.memory_space<vmem_shared>>
      %dma_start3A_98 = arith.constant 0 : i32
      %dma_start3A_99 = tpu.memref_slice %arg11[%add3A_20, %dma_start3A_98] : memref<5120x128xf32, #tpu.memory_space<vmem_shared>> -> memref<160x128xf32, #tpu.memory_space<vmem_shared>>
      tpu.enqueue_dma source(%arg10 : memref<160x128xf32, #tpu.memory_space<vmem>>) target(%dma_start3A_99 : memref<160x128xf32, #tpu.memory_space<vmem_shared>>) target_semaphore(%run_scoped3A : memref<!tpu.dma_semaphore, #tpu.memory_space<semaphore_mem>>)
      %dma_wait3A = arith.constant 0 : i32
      %dma_wait3A_100 = tpu.memref_slice %arg11[%add3A_20, %dma_wait3A] : memref<5120x128xf32, #tpu.memory_space<vmem_shared>> -> memref<160x128xf32, #tpu.memory_space<vmem_shared>>
      %dma_wait3A_101 = arith.constant 0 : i32
      %dma_wait3A_102 = tpu.memref_slice %arg11[%add3A_20, %dma_wait3A_101] : memref<5120x128xf32, #tpu.memory_space<vmem_shared>> -> memref<160x128xf32, #tpu.memory_space<vmem_shared>>
      tpu.wait_dma2 semaphore(%run_scoped3A : memref<!tpu.dma_semaphore, #tpu.memory_space<semaphore_mem>>) src(%arg10 : memref<160x128xf32, #tpu.memory_space<vmem>>) dst(%dma_wait3A_102 : memref<160x128xf32, #tpu.memory_space<vmem_shared>>)
      tpu.yield
    }) : () -> ()
    %barrier3A = arith.constant 0 : index
    tpu.barrier barrier_id(%barrier3A)
    %scan3A_21 = arith.constant 0 : i32
    %scan3A_22 = arith.constant 0 : i32
    %scan3A_23 = arith.constant 50 : i32
    %scan3A_24 = arith.addi %scan3A_22, %scan3A_23 : i32
    %scan3A_25 = arith.constant 1 : i32
    %scan3A_26 = scf.for %scan3A_97 = %scan3A_22 to %scan3A_24 step %scan3A_25 iter_args(%scan3A_98 = %scan3A_21) -> (i32)  : i32 {
      %mul3A_99 = arith.constant 20000 : i32
      %mul3A_100 = arith.muli %arg1, %mul3A_99 : i32
      %mul3A_101 = arith.constant 400 : i32
      %mul3A_102 = arith.muli %scan3A_97, %mul3A_101 : i32
      %add3A_103 = arith.addi %mul3A_100, %mul3A_102 : i32
      "tpu.region"() ({
        %run_scoped3A = tpu.sem_alloc : memref<!tpu.dma_semaphore, #tpu.memory_space<semaphore_mem>>
        %dma_start3A_116 = tpu.memref_slice %arg3[%add3A_103] : memref<320000xi32, #tpu.memory_space<hbm>> -> memref<400xi32, #tpu.memory_space<hbm>>
        %dma_start3A_117 = tpu.memref_slice %arg3[%add3A_103] : memref<320000xi32, #tpu.memory_space<hbm>> -> memref<400xi32, #tpu.memory_space<hbm>>
        tpu.enqueue_dma source(%dma_start3A_117 : memref<400xi32, #tpu.memory_space<hbm>>) target(%arg7 : memref<400xi32, #tpu.memory_space<vmem>>) target_semaphore(%run_scoped3A : memref<!tpu.dma_semaphore, #tpu.memory_space<semaphore_mem>>)
        %dma_wait3A_118 = tpu.memref_slice %arg3[%add3A_103] : memref<320000xi32, #tpu.memory_space<hbm>> -> memref<400xi32, #tpu.memory_space<hbm>>
        %dma_wait3A_119 = tpu.memref_slice %arg3[%add3A_103] : memref<320000xi32, #tpu.memory_space<hbm>> -> memref<400xi32, #tpu.memory_space<hbm>>
        tpu.wait_dma2 semaphore(%run_scoped3A : memref<!tpu.dma_semaphore, #tpu.memory_space<semaphore_mem>>) src(%dma_wait3A_119 : memref<400xi32, #tpu.memory_space<hbm>>) dst(%arg7 : memref<400xi32, #tpu.memory_space<vmem>>)
        tpu.yield
      }) : () -> ()
      "tpu.region"() ({
        %run_scoped3A = tpu.sem_alloc : memref<!tpu.dma_semaphore, #tpu.memory_space<semaphore_mem>>
        %dma_start3A_116 = tpu.memref_slice %arg4[%add3A_103] : memref<320000xi32, #tpu.memory_space<hbm>> -> memref<400xi32, #tpu.memory_space<hbm>>
        %dma_start3A_117 = tpu.memref_slice %arg4[%add3A_103] : memref<320000xi32, #tpu.memory_space<hbm>> -> memref<400xi32, #tpu.memory_space<hbm>>
        tpu.enqueue_dma source(%dma_start3A_117 : memref<400xi32, #tpu.memory_space<hbm>>) target(%arg8 : memref<400xi32, #tpu.memory_space<vmem>>) target_semaphore(%run_scoped3A : memref<!tpu.dma_semaphore, #tpu.memory_space<semaphore_mem>>)
        %dma_wait3A_118 = tpu.memref_slice %arg4[%add3A_103] : memref<320000xi32, #tpu.memory_space<hbm>> -> memref<400xi32, #tpu.memory_space<hbm>>
        %dma_wait3A_119 = tpu.memref_slice %arg4[%add3A_103] : memref<320000xi32, #tpu.memory_space<hbm>> -> memref<400xi32, #tpu.memory_space<hbm>>
        tpu.wait_dma2 semaphore(%run_scoped3A : memref<!tpu.dma_semaphore, #tpu.memory_space<semaphore_mem>>) src(%dma_wait3A_119 : memref<400xi32, #tpu.memory_space<hbm>>) dst(%arg8 : memref<400xi32, #tpu.memory_space<vmem>>)
        tpu.yield
      }) : () -> ()
      %scan3A_104 = arith.constant 0 : i32
      %scan3A_105 = arith.constant 0 : i32
      %scan3A_106 = arith.constant 25 : i32
      %scan3A_107 = arith.addi %scan3A_105, %scan3A_106 : i32
      %scan3A_108 = arith.constant 1 : i32
      %scan3A_109 = scf.for %scan3A_116 = %scan3A_105 to %scan3A_107 step %scan3A_108 iter_args(%scan3A_117 = %scan3A_104) -> (i32)  : i32 {
        %mul3A_118 = arith.constant 16 : i32
        %mul3A_119 = arith.muli %scan3A_116, %mul3A_118 : i32
        %get3A = arith.index_cast %mul3A_119 : i32 to index
        %get3A_120 = tpu.vector_load %arg8[%get3A] {strides = array<i32>} : memref<400xi32, #tpu.memory_space<vmem>>, vector<16xi32>,
        %get3A_121 = vector.shape_cast %get3A_120 : vector<16xi32> to vector<16xi32>
        %sub3A = vector.broadcast %mul3A_0 : i32 to vector<16xi32>
        %sub3A_122 = arith.subi %get3A_121, %sub3A : vector<16xi32>
        %ge3A = arith.constant 0 : i32
        %ge3A_123 = vector.broadcast %ge3A : i32 to vector<16xi32>
        %ge3A_124 = arith.cmpi sge, %sub3A_122, %ge3A_123 : vector<16xi32>
        %lt3A = arith.constant 5000 : i32
        %lt3A_125 = vector.broadcast %lt3A : i32 to vector<16xi32>
        %lt3A_126 = arith.cmpi slt, %sub3A_122, %lt3A_125 : vector<16xi32>
        %and3A = arith.andi %ge3A_124, %lt3A_126 : vector<16xi1>
        %select_n3A = arith.select %and3A, %sub3A_122, %broadcast_in_dim3A_1 : vector<16xi1>, vector<16xi32>
        %mul3A_127 = arith.constant 16 : i32
        %mul3A_128 = arith.muli %scan3A_116, %mul3A_127 : i32
        %swap3A = arith.index_cast %mul3A_128 : i32 to index
        %swap3A_129 = tpu.vector_load %arg8[%swap3A] {strides = array<i32>} : memref<400xi32, #tpu.memory_space<vmem>>, vector<16xi32>,
        %swap3A_130 = vector.shape_cast %swap3A_129 : vector<16xi32> to vector<16xi32>
        %swap3A_131 = vector.shape_cast %select_n3A : vector<16xi32> to vector<16xi32>
        tpu.vector_store %arg8[%swap3A], %swap3A_131 {strides = array<i32>} : memref<400xi32, #tpu.memory_space<vmem>>, vector<16xi32>,
        %mul3A_132 = arith.constant 16 : i32
        %mul3A_133 = arith.muli %scan3A_116, %mul3A_132 : i32
        %get3A_134 = arith.index_cast %mul3A_133 : i32 to index
        %get3A_135 = tpu.vector_load %arg7[%get3A_134] {strides = array<i32>} : memref<400xi32, #tpu.memory_space<vmem>>, vector<16xi32>,
        %get3A_136 = vector.shape_cast %get3A_135 : vector<16xi32> to vector<16xi32>
        %ge3A_137 = arith.constant 2500 : i32
        %ge3A_138 = vector.broadcast %ge3A_137 : i32 to vector<16xi32>
        %ge3A_139 = arith.cmpi sge, %get3A_136, %ge3A_138 : vector<16xi32>
        %add3A_140 = arith.constant 60 : i32
        %add3A_141 = vector.broadcast %add3A_140 : i32 to vector<16xi32>
        %add3A_142 = arith.addi %get3A_136, %add3A_141 : vector<16xi32>
        %select_n3A_143 = arith.select %ge3A_139, %add3A_142, %get3A_136 : vector<16xi1>, vector<16xi32>
        %mul3A_144 = arith.constant 16 : i32
        %mul3A_145 = arith.muli %scan3A_116, %mul3A_144 : i32
        %swap3A_146 = arith.index_cast %mul3A_145 : i32 to index
        %swap3A_147 = tpu.vector_load %arg7[%swap3A_146] {strides = array<i32>} : memref<400xi32, #tpu.memory_space<vmem>>, vector<16xi32>,
        %swap3A_148 = vector.shape_cast %swap3A_147 : vector<16xi32> to vector<16xi32>
        %swap3A_149 = vector.shape_cast %select_n3A_143 : vector<16xi32> to vector<16xi32>
        tpu.vector_store %arg7[%swap3A_146], %swap3A_149 {strides = array<i32>} : memref<400xi32, #tpu.memory_space<vmem>>, vector<16xi32>,
        %scan3A_150 = arith.constant 0 : i32
        scf.yield %scan3A_150 : i32
      }
      %scan3A_110 = arith.constant 25 : i32
      %dma_start3A = arith.constant 0 : i32
      %dma_start3A_111 = arith.constant 0 : i32
      %dma_start3A_112 = tpu.memref_slice %arg2[%dma_start3A, %dma_start3A_111] : memref<5120x128xf32, #tpu.memory_space<hbm>> -> memref<5120x128xf32, #tpu.memory_space<hbm>>
      tpu.enqueue_indirect_dma source(%dma_start3A_112 : memref<5120x128xf32, #tpu.memory_space<hbm>>) target(%arg9 : memref<400x128xf32, #tpu.memory_space<vmem>>) offsets(%arg7 : memref<400xi32, #tpu.memory_space<vmem>>) semaphore(%arg12 : memref<!tpu.dma_semaphore, #tpu.memory_space<semaphore_mem>>)
      %dma_wait3A = arith.constant 0 : i32
      %dma_wait3A_113 = arith.constant 0 : i32
      %dma_wait3A_114 = tpu.memref_slice %arg2[%dma_wait3A, %dma_wait3A_113] : memref<5120x128xf32, #tpu.memory_space<hbm>> -> memref<5120x128xf32, #tpu.memory_space<hbm>>
      tpu.wait_indirect_dma semaphore(%arg12 : memref<!tpu.dma_semaphore, #tpu.memory_space<semaphore_mem>>) src(%dma_wait3A_114 : memref<5120x128xf32, #tpu.memory_space<hbm>>) dst(%arg9 : memref<400x128xf32, #tpu.memory_space<vmem>>)
      "tpu.region"() ({
        %run_scoped3A = tpu.sem_alloc : memref<!tpu.dma_semaphore, #tpu.memory_space<semaphore_mem>>
        %dma_start3A_116 = arith.constant 0 : i32
        %dma_start3A_117 = arith.constant 0 : i32
        %dma_start3A_118 = tpu.memref_slice %arg11[%dma_start3A_116, %dma_start3A_117] : memref<5120x128xf32, #tpu.memory_space<vmem_shared>> -> memref<5120x128xf32, #tpu.memory_space<vmem_shared>>
        tpu.enqueue_indirect_dma source(%arg9 : memref<400x128xf32, #tpu.memory_space<vmem>>) target(%dma_start3A_118 : memref<5120x128xf32, #tpu.memory_space<vmem_shared>>) offsets(%arg8 : memref<400xi32, #tpu.memory_space<vmem>>) semaphore(%run_scoped3A : memref<!tpu.dma_semaphore, #tpu.memory_space<semaphore_mem>>) {add = true}
        %dma_wait3A_119 = arith.constant 0 : i32
        %dma_wait3A_120 = arith.constant 0 : i32
        %dma_wait3A_121 = tpu.memref_slice %arg11[%dma_wait3A_119, %dma_wait3A_120] : memref<5120x128xf32, #tpu.memory_space<vmem_shared>> -> memref<5120x128xf32, #tpu.memory_space<vmem_shared>>
        tpu.wait_indirect_dma semaphore(%run_scoped3A : memref<!tpu.dma_semaphore, #tpu.memory_space<semaphore_mem>>) src(%arg9 : memref<400x128xf32, #tpu.memory_space<vmem>>) dst(%dma_wait3A_121 : memref<5120x128xf32, #tpu.memory_space<vmem_shared>>)
        tpu.yield
      }) : () -> ()
      %scan3A_115 = arith.constant 0 : i32
      scf.yield %scan3A_115 : i32
    }
    %scan3A_27 = arith.constant 50 : i32
    %barrier3A_28 = arith.constant 0 : index
    tpu.barrier barrier_id(%barrier3A_28)
    %mul3A_29 = arith.constant 320 : i32
    %mul3A_30 = arith.muli %arg1, %mul3A_29 : i32
    %add3A_31 = arith.constant 0 : i32
    %add3A_32 = arith.addi %mul3A_30, %add3A_31 : i32
    "tpu.region"() ({
      %run_scoped3A = tpu.sem_alloc : memref<!tpu.dma_semaphore, #tpu.memory_space<semaphore_mem>>
      %dma_start3A = arith.constant 0 : i32
      %dma_start3A_97 = tpu.memref_slice %arg11[%add3A_32, %dma_start3A] : memref<5120x128xf32, #tpu.memory_space<vmem_shared>> -> memref<160x128xf32, #tpu.memory_space<vmem_shared>>
      %dma_start3A_98 = arith.constant 0 : i32
      %dma_start3A_99 = tpu.memref_slice %arg11[%add3A_32, %dma_start3A_98] : memref<5120x128xf32, #tpu.memory_space<vmem_shared>> -> memref<160x128xf32, #tpu.memory_space<vmem_shared>>
      tpu.enqueue_dma source(%dma_start3A_99 : memref<160x128xf32, #tpu.memory_space<vmem_shared>>) target(%arg10 : memref<160x128xf32, #tpu.memory_space<vmem>>) target_semaphore(%run_scoped3A : memref<!tpu.dma_semaphore, #tpu.memory_space<semaphore_mem>>)
      %dma_wait3A = arith.constant 0 : i32
      %dma_wait3A_100 = tpu.memref_slice %arg11[%add3A_32, %dma_wait3A] : memref<5120x128xf32, #tpu.memory_space<vmem_shared>> -> memref<160x128xf32, #tpu.memory_space<vmem_shared>>
      %dma_wait3A_101 = arith.constant 0 : i32
      %dma_wait3A_102 = tpu.memref_slice %arg11[%add3A_32, %dma_wait3A_101] : memref<5120x128xf32, #tpu.memory_space<vmem_shared>> -> memref<160x128xf32, #tpu.memory_space<vmem_shared>>
      tpu.wait_dma2 semaphore(%run_scoped3A : memref<!tpu.dma_semaphore, #tpu.memory_space<semaphore_mem>>) src(%dma_wait3A_102 : memref<160x128xf32, #tpu.memory_space<vmem_shared>>) dst(%arg10 : memref<160x128xf32, #tpu.memory_space<vmem>>)
      tpu.yield
    }) : () -> ()
    %mul3A_33 = arith.constant 320 : i32
    %mul3A_34 = arith.muli %arg1, %mul3A_33 : i32
    %add3A_35 = arith.constant 0 : i32
    %add3A_36 = arith.addi %mul3A_34, %add3A_35 : i32
    "tpu.region"() ({
      %run_scoped3A = tpu.sem_alloc : memref<!tpu.dma_semaphore, #tpu.memory_space<semaphore_mem>>
      %dma_start3A = arith.constant 0 : i32
      %dma_start3A_97 = tpu.memref_slice %arg5[%arg0, %add3A_36, %dma_start3A] : memref<2x5120x128xf32, #tpu.memory_space<hbm>> -> memref<1x160x128xf32, #tpu.memory_space<hbm>>
      %dma_start3A_98 = tpu.memref_squeeze %dma_start3A_97 : memref<1x160x128xf32, #tpu.memory_space<hbm>> -> memref<160x128xf32, #tpu.memory_space<hbm>>
      %dma_start3A_99 = arith.constant 0 : i32
      %dma_start3A_100 = tpu.memref_slice %arg5[%arg0, %add3A_36, %dma_start3A_99] : memref<2x5120x128xf32, #tpu.memory_space<hbm>> -> memref<1x160x128xf32, #tpu.memory_space<hbm>>
      %dma_start3A_101 = tpu.memref_squeeze %dma_start3A_100 : memref<1x160x128xf32, #tpu.memory_space<hbm>> -> memref<160x128xf32, #tpu.memory_space<hbm>>
      tpu.enqueue_dma source(%arg10 : memref<160x128xf32, #tpu.memory_space<vmem>>) target(%dma_start3A_101 : memref<160x128xf32, #tpu.memory_space<hbm>>) target_semaphore(%run_scoped3A : memref<!tpu.dma_semaphore, #tpu.memory_space<semaphore_mem>>)
      %dma_wait3A = arith.constant 0 : i32
      %dma_wait3A_102 = tpu.memref_slice %arg5[%arg0, %add3A_36, %dma_wait3A] : memref<2x5120x128xf32, #tpu.memory_space<hbm>> -> memref<1x160x128xf32, #tpu.memory_space<hbm>>
      %dma_wait3A_103 = tpu.memref_squeeze %dma_wait3A_102 : memref<1x160x128xf32, #tpu.memory_space<hbm>> -> memref<160x128xf32, #tpu.memory_space<hbm>>
      %dma_wait3A_104 = arith.constant 0 : i32
      %dma_wait3A_105 = tpu.memref_slice %arg5[%arg0, %add3A_36, %dma_wait3A_104] : memref<2x5120x128xf32, #tpu.memory_space<hbm>> -> memref<1x160x128xf32, #tpu.memory_space<hbm>>
      %dma_wait3A_106 = tpu.memref_squeeze %dma_wait3A_105 : memref<1x160x128xf32, #tpu.memory_space<hbm>> -> memref<160x128xf32, #tpu.memory_space<hbm>>
      tpu.wait_dma2 semaphore(%run_scoped3A : memref<!tpu.dma_semaphore, #tpu.memory_space<semaphore_mem>>) src(%arg10 : memref<160x128xf32, #tpu.memory_space<vmem>>) dst(%dma_wait3A_106 : memref<160x128xf32, #tpu.memory_space<hbm>>)
      tpu.yield
    }) : () -> ()
    %mul3A_37 = arith.constant 320 : i32
    %mul3A_38 = arith.muli %arg1, %mul3A_37 : i32
    %add3A_39 = arith.constant 160 : i32
    %add3A_40 = arith.addi %mul3A_38, %add3A_39 : i32
    "tpu.region"() ({
      %run_scoped3A = tpu.sem_alloc : memref<!tpu.dma_semaphore, #tpu.memory_space<semaphore_mem>>
      %dma_start3A = arith.constant 0 : i32
      %dma_start3A_97 = tpu.memref_slice %arg11[%add3A_40, %dma_start3A] : memref<5120x128xf32, #tpu.memory_space<vmem_shared>> -> memref<160x128xf32, #tpu.memory_space<vmem_shared>>
      %dma_start3A_98 = arith.constant 0 : i32
      %dma_start3A_99 = tpu.memref_slice %arg11[%add3A_40, %dma_start3A_98] : memref<5120x128xf32, #tpu.memory_space<vmem_shared>> -> memref<160x128xf32, #tpu.memory_space<vmem_shared>>
      tpu.enqueue_dma source(%dma_start3A_99 : memref<160x128xf32, #tpu.memory_space<vmem_shared>>) target(%arg10 : memref<160x128xf32, #tpu.memory_space<vmem>>) target_semaphore(%run_scoped3A : memref<!tpu.dma_semaphore, #tpu.memory_space<semaphore_mem>>)
      %dma_wait3A = arith.constant 0 : i32
      %dma_wait3A_100 = tpu.memref_slice %arg11[%add3A_40, %dma_wait3A] : memref<5120x128xf32, #tpu.memory_space<vmem_shared>> -> memref<160x128xf32, #tpu.memory_space<vmem_shared>>
      %dma_wait3A_101 = arith.constant 0 : i32
      %dma_wait3A_102 = tpu.memref_slice %arg11[%add3A_40, %dma_wait3A_101] : memref<5120x128xf32, #tpu.memory_space<vmem_shared>> -> memref<160x128xf32, #tpu.memory_space<vmem_shared>>
      tpu.wait_dma2 semaphore(%run_scoped3A : memref<!tpu.dma_semaphore, #tpu.memory_space<semaphore_mem>>) src(%dma_wait3A_102 : memref<160x128xf32, #tpu.memory_space<vmem_shared>>) dst(%arg10 : memref<160x128xf32, #tpu.memory_space<vmem>>)
      tpu.yield
    }) : () -> ()
    %mul3A_41 = arith.constant 320 : i32
    %mul3A_42 = arith.muli %arg1, %mul3A_41 : i32
    %add3A_43 = arith.constant 160 : i32
    %add3A_44 = arith.addi %mul3A_42, %add3A_43 : i32
    "tpu.region"() ({
      %run_scoped3A = tpu.sem_alloc : memref<!tpu.dma_semaphore, #tpu.memory_space<semaphore_mem>>
      %dma_start3A = arith.constant 0 : i32
      %dma_start3A_97 = tpu.memref_slice %arg5[%arg0, %add3A_44, %dma_start3A] : memref<2x5120x128xf32, #tpu.memory_space<hbm>> -> memref<1x160x128xf32, #tpu.memory_space<hbm>>
      %dma_start3A_98 = tpu.memref_squeeze %dma_start3A_97 : memref<1x160x128xf32, #tpu.memory_space<hbm>> -> memref<160x128xf32, #tpu.memory_space<hbm>>
      %dma_start3A_99 = arith.constant 0 : i32
      %dma_start3A_100 = tpu.memref_slice %arg5[%arg0, %add3A_44, %dma_start3A_99] : memref<2x5120x128xf32, #tpu.memory_space<hbm>> -> memref<1x160x128xf32, #tpu.memory_space<hbm>>
      %dma_start3A_101 = tpu.memref_squeeze %dma_start3A_100 : memref<1x160x128xf32, #tpu.memory_space<hbm>> -> memref<160x128xf32, #tpu.memory_space<hbm>>
      tpu.enqueue_dma source(%arg10 : memref<160x128xf32, #tpu.memory_space<vmem>>) target(%dma_start3A_101 : memref<160x128xf32, #tpu.memory_space<hbm>>) target_semaphore(%run_scoped3A : memref<!tpu.dma_semaphore, #tpu.memory_space<semaphore_mem>>)
      %dma_wait3A = arith.constant 0 : i32
      %dma_wait3A_102 = tpu.memref_slice %arg5[%arg0, %add3A_44, %dma_wait3A] : memref<2x5120x128xf32, #tpu.memory_space<hbm>> -> memref<1x160x128xf32, #tpu.memory_space<hbm>>
      %dma_wait3A_103 = tpu.memref_squeeze %dma_wait3A_102 : memref<1x160x128xf32, #tpu.memory_space<hbm>> -> memref<160x128xf32, #tpu.memory_space<hbm>>
      %dma_wait3A_104 = arith.constant 0 : i32
      %dma_wait3A_105 = tpu.memref_slice %arg5[%arg0, %add3A_44, %dma_wait3A_104] : memref<2x5120x128xf32, #tpu.memory_space<hbm>> -> memref<1x160x128xf32, #tpu.memory_space<hbm>>
      %dma_wait3A_106 = tpu.memref_squeeze %dma_wait3A_105 : memref<1x160x128xf32, #tpu.memory_space<hbm>> -> memref<160x128xf32, #tpu.memory_space<hbm>>
      tpu.wait_dma2 semaphore(%run_scoped3A : memref<!tpu.dma_semaphore, #tpu.memory_space<semaphore_mem>>) src(%arg10 : memref<160x128xf32, #tpu.memory_space<vmem>>) dst(%dma_wait3A_106 : memref<160x128xf32, #tpu.memory_space<hbm>>)
      tpu.yield
    }) : () -> ()
    %barrier3A_45 = arith.constant 0 : index
    tpu.barrier barrier_id(%barrier3A_45)
    %broadcast_in_dim3A_46 = arith.constant 0.000000e+00 : f32
    %broadcast_in_dim3A_47 = vector.broadcast %broadcast_in_dim3A_46 : f32 to vector<16xf32>
    %scan3A_48 = arith.constant 0 : i32
    %scan3A_49 = arith.constant 0 : i32
    %scan3A_50 = arith.constant 160 : i32
    %scan3A_51 = arith.addi %scan3A_49, %scan3A_50 : i32
    %scan3A_52 = arith.constant 1 : i32
    %scan3A_53 = scf.for %scan3A_97 = %scan3A_49 to %scan3A_51 step %scan3A_52 iter_args(%scan3A_98 = %scan3A_48) -> (i32)  : i32 {
      %swap3A = arith.index_cast %scan3A_97 : i32 to index
      %swap3A_99 = arith.constant 0 : index
      %swap3A_100 = tpu.vector_load %arg10[%swap3A, %swap3A_99] {strides = array<i32>} : memref<160x128xf32, #tpu.memory_space<vmem>>, vector<1x16xf32>,
      %swap3A_101 = vector.shape_cast %swap3A_100 : vector<1x16xf32> to vector<16xf32>
      %swap3A_102 = vector.shape_cast %broadcast_in_dim3A_47 : vector<16xf32> to vector<1x16xf32>
      tpu.vector_store %arg10[%swap3A, %swap3A_99], %swap3A_102 {strides = array<i32>} : memref<160x128xf32, #tpu.memory_space<vmem>>, vector<1x16xf32>,
      %swap3A_103 = arith.index_cast %scan3A_97 : i32 to index
      %swap3A_104 = arith.constant 16 : index
      %swap3A_105 = tpu.vector_load %arg10[%swap3A_103, %swap3A_104] {strides = array<i32>} : memref<160x128xf32, #tpu.memory_space<vmem>>, vector<1x16xf32>,
      %swap3A_106 = vector.shape_cast %swap3A_105 : vector<1x16xf32> to vector<16xf32>
      %swap3A_107 = vector.shape_cast %broadcast_in_dim3A_47 : vector<16xf32> to vector<1x16xf32>
      tpu.vector_store %arg10[%swap3A_103, %swap3A_104], %swap3A_107 {strides = array<i32>} : memref<160x128xf32, #tpu.memory_space<vmem>>, vector<1x16xf32>,
      %swap3A_108 = arith.index_cast %scan3A_97 : i32 to index
      %swap3A_109 = arith.constant 32 : index
      %swap3A_110 = tpu.vector_load %arg10[%swap3A_108, %swap3A_109] {strides = array<i32>} : memref<160x128xf32, #tpu.memory_space<vmem>>, vector<1x16xf32>,
      %swap3A_111 = vector.shape_cast %swap3A_110 : vector<1x16xf32> to vector<16xf32>
      %swap3A_112 = vector.shape_cast %broadcast_in_dim3A_47 : vector<16xf32> to vector<1x16xf32>
      tpu.vector_store %arg10[%swap3A_108, %swap3A_109], %swap3A_112 {strides = array<i32>} : memref<160x128xf32, #tpu.memory_space<vmem>>, vector<1x16xf32>,
      %swap3A_113 = arith.index_cast %scan3A_97 : i32 to index
      %swap3A_114 = arith.constant 48 : index
      %swap3A_115 = tpu.vector_load %arg10[%swap3A_113, %swap3A_114] {strides = array<i32>} : memref<160x128xf32, #tpu.memory_space<vmem>>, vector<1x16xf32>,
      %swap3A_116 = vector.shape_cast %swap3A_115 : vector<1x16xf32> to vector<16xf32>
      %swap3A_117 = vector.shape_cast %broadcast_in_dim3A_47 : vector<16xf32> to vector<1x16xf32>
      tpu.vector_store %arg10[%swap3A_113, %swap3A_114], %swap3A_117 {strides = array<i32>} : memref<160x128xf32, #tpu.memory_space<vmem>>, vector<1x16xf32>,
      %swap3A_118 = arith.index_cast %scan3A_97 : i32 to index
      %swap3A_119 = arith.constant 64 : index
      %swap3A_120 = tpu.vector_load %arg10[%swap3A_118, %swap3A_119] {strides = array<i32>} : memref<160x128xf32, #tpu.memory_space<vmem>>, vector<1x16xf32>,
      %swap3A_121 = vector.shape_cast %swap3A_120 : vector<1x16xf32> to vector<16xf32>
      %swap3A_122 = vector.shape_cast %broadcast_in_dim3A_47 : vector<16xf32> to vector<1x16xf32>
      tpu.vector_store %arg10[%swap3A_118, %swap3A_119], %swap3A_122 {strides = array<i32>} : memref<160x128xf32, #tpu.memory_space<vmem>>, vector<1x16xf32>,
      %swap3A_123 = arith.index_cast %scan3A_97 : i32 to index
      %swap3A_124 = arith.constant 80 : index
      %swap3A_125 = tpu.vector_load %arg10[%swap3A_123, %swap3A_124] {strides = array<i32>} : memref<160x128xf32, #tpu.memory_space<vmem>>, vector<1x16xf32>,
      %swap3A_126 = vector.shape_cast %swap3A_125 : vector<1x16xf32> to vector<16xf32>
      %swap3A_127 = vector.shape_cast %broadcast_in_dim3A_47 : vector<16xf32> to vector<1x16xf32>
      tpu.vector_store %arg10[%swap3A_123, %swap3A_124], %swap3A_127 {strides = array<i32>} : memref<160x128xf32, #tpu.memory_space<vmem>>, vector<1x16xf32>,
      %swap3A_128 = arith.index_cast %scan3A_97 : i32 to index
      %swap3A_129 = arith.constant 96 : index
      %swap3A_130 = tpu.vector_load %arg10[%swap3A_128, %swap3A_129] {strides = array<i32>} : memref<160x128xf32, #tpu.memory_space<vmem>>, vector<1x16xf32>,
      %swap3A_131 = vector.shape_cast %swap3A_130 : vector<1x16xf32> to vector<16xf32>
      %swap3A_132 = vector.shape_cast %broadcast_in_dim3A_47 : vector<16xf32> to vector<1x16xf32>
      tpu.vector_store %arg10[%swap3A_128, %swap3A_129], %swap3A_132 {strides = array<i32>} : memref<160x128xf32, #tpu.memory_space<vmem>>, vector<1x16xf32>,
      %swap3A_133 = arith.index_cast %scan3A_97 : i32 to index
      %swap3A_134 = arith.constant 112 : index
      %swap3A_135 = tpu.vector_load %arg10[%swap3A_133, %swap3A_134] {strides = array<i32>} : memref<160x128xf32, #tpu.memory_space<vmem>>, vector<1x16xf32>,
      %swap3A_136 = vector.shape_cast %swap3A_135 : vector<1x16xf32> to vector<16xf32>
      %swap3A_137 = vector.shape_cast %broadcast_in_dim3A_47 : vector<16xf32> to vector<1x16xf32>
      tpu.vector_store %arg10[%swap3A_133, %swap3A_134], %swap3A_137 {strides = array<i32>} : memref<160x128xf32, #tpu.memory_space<vmem>>, vector<1x16xf32>,
      %scan3A_138 = arith.constant 0 : i32
      scf.yield %scan3A_138 : i32
    }
    %scan3A_54 = arith.constant 160 : i32
    %mul3A_55 = arith.constant 320 : i32
    %mul3A_56 = arith.muli %arg1, %mul3A_55 : i32
    %add3A_57 = arith.constant 0 : i32
    %add3A_58 = arith.addi %mul3A_56, %add3A_57 : i32
    "tpu.region"() ({
      %run_scoped3A = tpu.sem_alloc : memref<!tpu.dma_semaphore, #tpu.memory_space<semaphore_mem>>
      %dma_start3A = arith.constant 0 : i32
      %dma_start3A_97 = tpu.memref_slice %arg11[%add3A_58, %dma_start3A] : memref<5120x128xf32, #tpu.memory_space<vmem_shared>> -> memref<160x128xf32, #tpu.memory_space<vmem_shared>>
      %dma_start3A_98 = arith.constant 0 : i32
      %dma_start3A_99 = tpu.memref_slice %arg11[%add3A_58, %dma_start3A_98] : memref<5120x128xf32, #tpu.memory_space<vmem_shared>> -> memref<160x128xf32, #tpu.memory_space<vmem_shared>>
      tpu.enqueue_dma source(%arg10 : memref<160x128xf32, #tpu.memory_space<vmem>>) target(%dma_start3A_99 : memref<160x128xf32, #tpu.memory_space<vmem_shared>>) target_semaphore(%run_scoped3A : memref<!tpu.dma_semaphore, #tpu.memory_space<semaphore_mem>>)
      %dma_wait3A = arith.constant 0 : i32
      %dma_wait3A_100 = tpu.memref_slice %arg11[%add3A_58, %dma_wait3A] : memref<5120x128xf32, #tpu.memory_space<vmem_shared>> -> memref<160x128xf32, #tpu.memory_space<vmem_shared>>
      %dma_wait3A_101 = arith.constant 0 : i32
      %dma_wait3A_102 = tpu.memref_slice %arg11[%add3A_58, %dma_wait3A_101] : memref<5120x128xf32, #tpu.memory_space<vmem_shared>> -> memref<160x128xf32, #tpu.memory_space<vmem_shared>>
      tpu.wait_dma2 semaphore(%run_scoped3A : memref<!tpu.dma_semaphore, #tpu.memory_space<semaphore_mem>>) src(%arg10 : memref<160x128xf32, #tpu.memory_space<vmem>>) dst(%dma_wait3A_102 : memref<160x128xf32, #tpu.memory_space<vmem_shared>>)
      tpu.yield
    }) : () -> ()
    %mul3A_59 = arith.constant 320 : i32
    %mul3A_60 = arith.muli %arg1, %mul3A_59 : i32
    %add3A_61 = arith.constant 160 : i32
    %add3A_62 = arith.addi %mul3A_60, %add3A_61 : i32
    "tpu.region"() ({
      %run_scoped3A = tpu.sem_alloc : memref<!tpu.dma_semaphore, #tpu.memory_space<semaphore_mem>>
      %dma_start3A = arith.constant 0 : i32
      %dma_start3A_97 = tpu.memref_slice %arg11[%add3A_62, %dma_start3A] : memref<5120x128xf32, #tpu.memory_space<vmem_shared>> -> memref<160x128xf32, #tpu.memory_space<vmem_shared>>
      %dma_start3A_98 = arith.constant 0 : i32
      %dma_start3A_99 = tpu.memref_slice %arg11[%add3A_62, %dma_start3A_98] : memref<5120x128xf32, #tpu.memory_space<vmem_shared>> -> memref<160x128xf32, #tpu.memory_space<vmem_shared>>
      tpu.enqueue_dma source(%arg10 : memref<160x128xf32, #tpu.memory_space<vmem>>) target(%dma_start3A_99 : memref<160x128xf32, #tpu.memory_space<vmem_shared>>) target_semaphore(%run_scoped3A : memref<!tpu.dma_semaphore, #tpu.memory_space<semaphore_mem>>)
      %dma_wait3A = arith.constant 0 : i32
      %dma_wait3A_100 = tpu.memref_slice %arg11[%add3A_62, %dma_wait3A] : memref<5120x128xf32, #tpu.memory_space<vmem_shared>> -> memref<160x128xf32, #tpu.memory_space<vmem_shared>>
      %dma_wait3A_101 = arith.constant 0 : i32
      %dma_wait3A_102 = tpu.memref_slice %arg11[%add3A_62, %dma_wait3A_101] : memref<5120x128xf32, #tpu.memory_space<vmem_shared>> -> memref<160x128xf32, #tpu.memory_space<vmem_shared>>
      tpu.wait_dma2 semaphore(%run_scoped3A : memref<!tpu.dma_semaphore, #tpu.memory_space<semaphore_mem>>) src(%arg10 : memref<160x128xf32, #tpu.memory_space<vmem>>) dst(%dma_wait3A_102 : memref<160x128xf32, #tpu.memory_space<vmem_shared>>)
      tpu.yield
    }) : () -> ()
    %broadcast_in_dim3A_63 = arith.constant 1.000000e+00 : f32
    %broadcast_in_dim3A_64 = vector.broadcast %broadcast_in_dim3A_63 : f32 to vector<16xf32>
    %scan3A_65 = arith.constant 0 : i32
    %scan3A_66 = arith.constant 0 : i32
    %scan3A_67 = arith.constant 400 : i32
    %scan3A_68 = arith.addi %scan3A_66, %scan3A_67 : i32
    %scan3A_69 = arith.constant 1 : i32
    %scan3A_70 = scf.for %scan3A_97 = %scan3A_66 to %scan3A_68 step %scan3A_69 iter_args(%scan3A_98 = %scan3A_65) -> (i32)  : i32 {
      %swap3A = arith.index_cast %scan3A_97 : i32 to index
      %swap3A_99 = arith.constant 0 : index
      %swap3A_100 = tpu.vector_load %arg9[%swap3A, %swap3A_99] {strides = array<i32>} : memref<400x128xf32, #tpu.memory_space<vmem>>, vector<1x16xf32>,
      %swap3A_101 = vector.shape_cast %swap3A_100 : vector<1x16xf32> to vector<16xf32>
      %swap3A_102 = vector.shape_cast %broadcast_in_dim3A_64 : vector<16xf32> to vector<1x16xf32>
      tpu.vector_store %arg9[%swap3A, %swap3A_99], %swap3A_102 {strides = array<i32>} : memref<400x128xf32, #tpu.memory_space<vmem>>, vector<1x16xf32>,
      %swap3A_103 = arith.index_cast %scan3A_97 : i32 to index
      %swap3A_104 = arith.constant 16 : index
      %swap3A_105 = tpu.vector_load %arg9[%swap3A_103, %swap3A_104] {strides = array<i32>} : memref<400x128xf32, #tpu.memory_space<vmem>>, vector<1x16xf32>,
      %swap3A_106 = vector.shape_cast %swap3A_105 : vector<1x16xf32> to vector<16xf32>
      %swap3A_107 = vector.shape_cast %broadcast_in_dim3A_64 : vector<16xf32> to vector<1x16xf32>
      tpu.vector_store %arg9[%swap3A_103, %swap3A_104], %swap3A_107 {strides = array<i32>} : memref<400x128xf32, #tpu.memory_space<vmem>>, vector<1x16xf32>,
      %swap3A_108 = arith.index_cast %scan3A_97 : i32 to index
      %swap3A_109 = arith.constant 32 : index
      %swap3A_110 = tpu.vector_load %arg9[%swap3A_108, %swap3A_109] {strides = array<i32>} : memref<400x128xf32, #tpu.memory_space<vmem>>, vector<1x16xf32>,
      %swap3A_111 = vector.shape_cast %swap3A_110 : vector<1x16xf32> to vector<16xf32>
      %swap3A_112 = vector.shape_cast %broadcast_in_dim3A_64 : vector<16xf32> to vector<1x16xf32>
      tpu.vector_store %arg9[%swap3A_108, %swap3A_109], %swap3A_112 {strides = array<i32>} : memref<400x128xf32, #tpu.memory_space<vmem>>, vector<1x16xf32>,
      %swap3A_113 = arith.index_cast %scan3A_97 : i32 to index
      %swap3A_114 = arith.constant 48 : index
      %swap3A_115 = tpu.vector_load %arg9[%swap3A_113, %swap3A_114] {strides = array<i32>} : memref<400x128xf32, #tpu.memory_space<vmem>>, vector<1x16xf32>,
      %swap3A_116 = vector.shape_cast %swap3A_115 : vector<1x16xf32> to vector<16xf32>
      %swap3A_117 = vector.shape_cast %broadcast_in_dim3A_64 : vector<16xf32> to vector<1x16xf32>
      tpu.vector_store %arg9[%swap3A_113, %swap3A_114], %swap3A_117 {strides = array<i32>} : memref<400x128xf32, #tpu.memory_space<vmem>>, vector<1x16xf32>,
      %swap3A_118 = arith.index_cast %scan3A_97 : i32 to index
      %swap3A_119 = arith.constant 64 : index
      %swap3A_120 = tpu.vector_load %arg9[%swap3A_118, %swap3A_119] {strides = array<i32>} : memref<400x128xf32, #tpu.memory_space<vmem>>, vector<1x16xf32>,
      %swap3A_121 = vector.shape_cast %swap3A_120 : vector<1x16xf32> to vector<16xf32>
      %swap3A_122 = vector.shape_cast %broadcast_in_dim3A_64 : vector<16xf32> to vector<1x16xf32>
      tpu.vector_store %arg9[%swap3A_118, %swap3A_119], %swap3A_122 {strides = array<i32>} : memref<400x128xf32, #tpu.memory_space<vmem>>, vector<1x16xf32>,
      %swap3A_123 = arith.index_cast %scan3A_97 : i32 to index
      %swap3A_124 = arith.constant 80 : index
      %swap3A_125 = tpu.vector_load %arg9[%swap3A_123, %swap3A_124] {strides = array<i32>} : memref<400x128xf32, #tpu.memory_space<vmem>>, vector<1x16xf32>,
      %swap3A_126 = vector.shape_cast %swap3A_125 : vector<1x16xf32> to vector<16xf32>
      %swap3A_127 = vector.shape_cast %broadcast_in_dim3A_64 : vector<16xf32> to vector<1x16xf32>
      tpu.vector_store %arg9[%swap3A_123, %swap3A_124], %swap3A_127 {strides = array<i32>} : memref<400x128xf32, #tpu.memory_space<vmem>>, vector<1x16xf32>,
      %swap3A_128 = arith.index_cast %scan3A_97 : i32 to index
      %swap3A_129 = arith.constant 96 : index
      %swap3A_130 = tpu.vector_load %arg9[%swap3A_128, %swap3A_129] {strides = array<i32>} : memref<400x128xf32, #tpu.memory_space<vmem>>, vector<1x16xf32>,
      %swap3A_131 = vector.shape_cast %swap3A_130 : vector<1x16xf32> to vector<16xf32>
      %swap3A_132 = vector.shape_cast %broadcast_in_dim3A_64 : vector<16xf32> to vector<1x16xf32>
      tpu.vector_store %arg9[%swap3A_128, %swap3A_129], %swap3A_132 {strides = array<i32>} : memref<400x128xf32, #tpu.memory_space<vmem>>, vector<1x16xf32>,
      %swap3A_133 = arith.index_cast %scan3A_97 : i32 to index
      %swap3A_134 = arith.constant 112 : index
      %swap3A_135 = tpu.vector_load %arg9[%swap3A_133, %swap3A_134] {strides = array<i32>} : memref<400x128xf32, #tpu.memory_space<vmem>>, vector<1x16xf32>,
      %swap3A_136 = vector.shape_cast %swap3A_135 : vector<1x16xf32> to vector<16xf32>
      %swap3A_137 = vector.shape_cast %broadcast_in_dim3A_64 : vector<16xf32> to vector<1x16xf32>
      tpu.vector_store %arg9[%swap3A_133, %swap3A_134], %swap3A_137 {strides = array<i32>} : memref<400x128xf32, #tpu.memory_space<vmem>>, vector<1x16xf32>,
      %scan3A_138 = arith.constant 0 : i32
      scf.yield %scan3A_138 : i32
    }
    %scan3A_71 = arith.constant 400 : i32
    %barrier3A_72 = arith.constant 0 : index
    tpu.barrier barrier_id(%barrier3A_72)
    %scan3A_73 = arith.constant 0 : i32
    %scan3A_74 = arith.constant 0 : i32
    %scan3A_75 = arith.constant 50 : i32
    %scan3A_76 = arith.addi %scan3A_74, %scan3A_75 : i32
    %scan3A_77 = arith.constant 1 : i32
    %scan3A_78 = scf.for %scan3A_97 = %scan3A_74 to %scan3A_76 step %scan3A_77 iter_args(%scan3A_98 = %scan3A_73) -> (i32)  : i32 {
      %mul3A_99 = arith.constant 20000 : i32
      %mul3A_100 = arith.muli %arg1, %mul3A_99 : i32
      %mul3A_101 = arith.constant 400 : i32
      %mul3A_102 = arith.muli %scan3A_97, %mul3A_101 : i32
      %add3A_103 = arith.addi %mul3A_100, %mul3A_102 : i32
      "tpu.region"() ({
        %run_scoped3A = tpu.sem_alloc : memref<!tpu.dma_semaphore, #tpu.memory_space<semaphore_mem>>
        %dma_start3A = tpu.memref_slice %arg4[%add3A_103] : memref<320000xi32, #tpu.memory_space<hbm>> -> memref<400xi32, #tpu.memory_space<hbm>>
        %dma_start3A_112 = tpu.memref_slice %arg4[%add3A_103] : memref<320000xi32, #tpu.memory_space<hbm>> -> memref<400xi32, #tpu.memory_space<hbm>>
        tpu.enqueue_dma source(%dma_start3A_112 : memref<400xi32, #tpu.memory_space<hbm>>) target(%arg8 : memref<400xi32, #tpu.memory_space<vmem>>) target_semaphore(%run_scoped3A : memref<!tpu.dma_semaphore, #tpu.memory_space<semaphore_mem>>)
        %dma_wait3A = tpu.memref_slice %arg4[%add3A_103] : memref<320000xi32, #tpu.memory_space<hbm>> -> memref<400xi32, #tpu.memory_space<hbm>>
        %dma_wait3A_113 = tpu.memref_slice %arg4[%add3A_103] : memref<320000xi32, #tpu.memory_space<hbm>> -> memref<400xi32, #tpu.memory_space<hbm>>
        tpu.wait_dma2 semaphore(%run_scoped3A : memref<!tpu.dma_semaphore, #tpu.memory_space<semaphore_mem>>) src(%dma_wait3A_113 : memref<400xi32, #tpu.memory_space<hbm>>) dst(%arg8 : memref<400xi32, #tpu.memory_space<vmem>>)
        tpu.yield
      }) : () -> ()
      %scan3A_104 = arith.constant 0 : i32
      %scan3A_105 = arith.constant 0 : i32
      %scan3A_106 = arith.constant 25 : i32
      %scan3A_107 = arith.addi %scan3A_105, %scan3A_106 : i32
      %scan3A_108 = arith.constant 1 : i32
      %scan3A_109 = scf.for %scan3A_112 = %scan3A_105 to %scan3A_107 step %scan3A_108 iter_args(%scan3A_113 = %scan3A_104) -> (i32)  : i32 {
        %mul3A_114 = arith.constant 16 : i32
        %mul3A_115 = arith.muli %scan3A_112, %mul3A_114 : i32
        %get3A = arith.index_cast %mul3A_115 : i32 to index
        %get3A_116 = tpu.vector_load %arg8[%get3A] {strides = array<i32>} : memref<400xi32, #tpu.memory_space<vmem>>, vector<16xi32>,
        %get3A_117 = vector.shape_cast %get3A_116 : vector<16xi32> to vector<16xi32>
        %sub3A = vector.broadcast %mul3A_0 : i32 to vector<16xi32>
        %sub3A_118 = arith.subi %get3A_117, %sub3A : vector<16xi32>
        %ge3A = arith.constant 0 : i32
        %ge3A_119 = vector.broadcast %ge3A : i32 to vector<16xi32>
        %ge3A_120 = arith.cmpi sge, %sub3A_118, %ge3A_119 : vector<16xi32>
        %lt3A = arith.constant 5000 : i32
        %lt3A_121 = vector.broadcast %lt3A : i32 to vector<16xi32>
        %lt3A_122 = arith.cmpi slt, %sub3A_118, %lt3A_121 : vector<16xi32>
        %and3A = arith.andi %ge3A_120, %lt3A_122 : vector<16xi1>
        %select_n3A = arith.select %and3A, %sub3A_118, %broadcast_in_dim3A_1 : vector<16xi1>, vector<16xi32>
        %mul3A_123 = arith.constant 16 : i32
        %mul3A_124 = arith.muli %scan3A_112, %mul3A_123 : i32
        %swap3A = arith.index_cast %mul3A_124 : i32 to index
        %swap3A_125 = tpu.vector_load %arg8[%swap3A] {strides = array<i32>} : memref<400xi32, #tpu.memory_space<vmem>>, vector<16xi32>,
        %swap3A_126 = vector.shape_cast %swap3A_125 : vector<16xi32> to vector<16xi32>
        %swap3A_127 = vector.shape_cast %select_n3A : vector<16xi32> to vector<16xi32>
        tpu.vector_store %arg8[%swap3A], %swap3A_127 {strides = array<i32>} : memref<400xi32, #tpu.memory_space<vmem>>, vector<16xi32>,
        %scan3A_128 = arith.constant 0 : i32
        scf.yield %scan3A_128 : i32
      }
      %scan3A_110 = arith.constant 25 : i32
      "tpu.region"() ({
        %run_scoped3A = tpu.sem_alloc : memref<!tpu.dma_semaphore, #tpu.memory_space<semaphore_mem>>
        %dma_start3A = arith.constant 0 : i32
        %dma_start3A_112 = arith.constant 0 : i32
        %dma_start3A_113 = tpu.memref_slice %arg11[%dma_start3A, %dma_start3A_112] : memref<5120x128xf32, #tpu.memory_space<vmem_shared>> -> memref<5120x128xf32, #tpu.memory_space<vmem_shared>>
        tpu.enqueue_indirect_dma source(%arg9 : memref<400x128xf32, #tpu.memory_space<vmem>>) target(%dma_start3A_113 : memref<5120x128xf32, #tpu.memory_space<vmem_shared>>) offsets(%arg8 : memref<400xi32, #tpu.memory_space<vmem>>) semaphore(%run_scoped3A : memref<!tpu.dma_semaphore, #tpu.memory_space<semaphore_mem>>) {add = true}
        %dma_wait3A = arith.constant 0 : i32
        %dma_wait3A_114 = arith.constant 0 : i32
        %dma_wait3A_115 = tpu.memref_slice %arg11[%dma_wait3A, %dma_wait3A_114] : memref<5120x128xf32, #tpu.memory_space<vmem_shared>> -> memref<5120x128xf32, #tpu.memory_space<vmem_shared>>
        tpu.wait_indirect_dma semaphore(%run_scoped3A : memref<!tpu.dma_semaphore, #tpu.memory_space<semaphore_mem>>) src(%arg9 : memref<400x128xf32, #tpu.memory_space<vmem>>) dst(%dma_wait3A_115 : memref<5120x128xf32, #tpu.memory_space<vmem_shared>>)
        tpu.yield
      }) : () -> ()
      %scan3A_111 = arith.constant 0 : i32
      scf.yield %scan3A_111 : i32
    }
    %scan3A_79 = arith.constant 50 : i32
    %barrier3A_80 = arith.constant 0 : index
    tpu.barrier barrier_id(%barrier3A_80)
    %mul3A_81 = arith.constant 320 : i32
    %mul3A_82 = arith.muli %arg1, %mul3A_81 : i32
    %add3A_83 = arith.constant 0 : i32
    %add3A_84 = arith.addi %mul3A_82, %add3A_83 : i32
    "tpu.region"() ({
      %run_scoped3A = tpu.sem_alloc : memref<!tpu.dma_semaphore, #tpu.memory_space<semaphore_mem>>
      %dma_start3A = arith.constant 0 : i32
      %dma_start3A_97 = tpu.memref_slice %arg11[%add3A_84, %dma_start3A] : memref<5120x128xf32, #tpu.memory_space<vmem_shared>> -> memref<160x128xf32, #tpu.memory_space<vmem_shared>>
      %dma_start3A_98 = arith.constant 0 : i32
      %dma_start3A_99 = tpu.memref_slice %arg11[%add3A_84, %dma_start3A_98] : memref<5120x128xf32, #tpu.memory_space<vmem_shared>> -> memref<160x128xf32, #tpu.memory_space<vmem_shared>>
      tpu.enqueue_dma source(%dma_start3A_99 : memref<160x128xf32, #tpu.memory_space<vmem_shared>>) target(%arg10 : memref<160x128xf32, #tpu.memory_space<vmem>>) target_semaphore(%run_scoped3A : memref<!tpu.dma_semaphore, #tpu.memory_space<semaphore_mem>>)
      %dma_wait3A = arith.constant 0 : i32
      %dma_wait3A_100 = tpu.memref_slice %arg11[%add3A_84, %dma_wait3A] : memref<5120x128xf32, #tpu.memory_space<vmem_shared>> -> memref<160x128xf32, #tpu.memory_space<vmem_shared>>
      %dma_wait3A_101 = arith.constant 0 : i32
      %dma_wait3A_102 = tpu.memref_slice %arg11[%add3A_84, %dma_wait3A_101] : memref<5120x128xf32, #tpu.memory_space<vmem_shared>> -> memref<160x128xf32, #tpu.memory_space<vmem_shared>>
      tpu.wait_dma2 semaphore(%run_scoped3A : memref<!tpu.dma_semaphore, #tpu.memory_space<semaphore_mem>>) src(%dma_wait3A_102 : memref<160x128xf32, #tpu.memory_space<vmem_shared>>) dst(%arg10 : memref<160x128xf32, #tpu.memory_space<vmem>>)
      tpu.yield
    }) : () -> ()
    %mul3A_85 = arith.constant 320 : i32
    %mul3A_86 = arith.muli %arg1, %mul3A_85 : i32
    %add3A_87 = arith.constant 0 : i32
    %add3A_88 = arith.addi %mul3A_86, %add3A_87 : i32
    "tpu.region"() ({
      %run_scoped3A = tpu.sem_alloc : memref<!tpu.dma_semaphore, #tpu.memory_space<semaphore_mem>>
      %dma_start3A = arith.constant 0 : i32
      %dma_start3A_97 = tpu.memref_slice %arg6[%arg0, %add3A_88, %dma_start3A] : memref<2x5120x128xf32, #tpu.memory_space<hbm>> -> memref<1x160x128xf32, #tpu.memory_space<hbm>>
      %dma_start3A_98 = tpu.memref_squeeze %dma_start3A_97 : memref<1x160x128xf32, #tpu.memory_space<hbm>> -> memref<160x128xf32, #tpu.memory_space<hbm>>
      %dma_start3A_99 = arith.constant 0 : i32
      %dma_start3A_100 = tpu.memref_slice %arg6[%arg0, %add3A_88, %dma_start3A_99] : memref<2x5120x128xf32, #tpu.memory_space<hbm>> -> memref<1x160x128xf32, #tpu.memory_space<hbm>>
      %dma_start3A_101 = tpu.memref_squeeze %dma_start3A_100 : memref<1x160x128xf32, #tpu.memory_space<hbm>> -> memref<160x128xf32, #tpu.memory_space<hbm>>
      tpu.enqueue_dma source(%arg10 : memref<160x128xf32, #tpu.memory_space<vmem>>) target(%dma_start3A_101 : memref<160x128xf32, #tpu.memory_space<hbm>>) target_semaphore(%run_scoped3A : memref<!tpu.dma_semaphore, #tpu.memory_space<semaphore_mem>>)
      %dma_wait3A = arith.constant 0 : i32
      %dma_wait3A_102 = tpu.memref_slice %arg6[%arg0, %add3A_88, %dma_wait3A] : memref<2x5120x128xf32, #tpu.memory_space<hbm>> -> memref<1x160x128xf32, #tpu.memory_space<hbm>>
      %dma_wait3A_103 = tpu.memref_squeeze %dma_wait3A_102 : memref<1x160x128xf32, #tpu.memory_space<hbm>> -> memref<160x128xf32, #tpu.memory_space<hbm>>
      %dma_wait3A_104 = arith.constant 0 : i32
      %dma_wait3A_105 = tpu.memref_slice %arg6[%arg0, %add3A_88, %dma_wait3A_104] : memref<2x5120x128xf32, #tpu.memory_space<hbm>> -> memref<1x160x128xf32, #tpu.memory_space<hbm>>
      %dma_wait3A_106 = tpu.memref_squeeze %dma_wait3A_105 : memref<1x160x128xf32, #tpu.memory_space<hbm>> -> memref<160x128xf32, #tpu.memory_space<hbm>>
      tpu.wait_dma2 semaphore(%run_scoped3A : memref<!tpu.dma_semaphore, #tpu.memory_space<semaphore_mem>>) src(%arg10 : memref<160x128xf32, #tpu.memory_space<vmem>>) dst(%dma_wait3A_106 : memref<160x128xf32, #tpu.memory_space<hbm>>)
      tpu.yield
    }) : () -> ()
    %mul3A_89 = arith.constant 320 : i32
    %mul3A_90 = arith.muli %arg1, %mul3A_89 : i32
    %add3A_91 = arith.constant 160 : i32
    %add3A_92 = arith.addi %mul3A_90, %add3A_91 : i32
    "tpu.region"() ({
      %run_scoped3A = tpu.sem_alloc : memref<!tpu.dma_semaphore, #tpu.memory_space<semaphore_mem>>
      %dma_start3A = arith.constant 0 : i32
      %dma_start3A_97 = tpu.memref_slice %arg11[%add3A_92, %dma_start3A] : memref<5120x128xf32, #tpu.memory_space<vmem_shared>> -> memref<160x128xf32, #tpu.memory_space<vmem_shared>>
      %dma_start3A_98 = arith.constant 0 : i32
      %dma_start3A_99 = tpu.memref_slice %arg11[%add3A_92, %dma_start3A_98] : memref<5120x128xf32, #tpu.memory_space<vmem_shared>> -> memref<160x128xf32, #tpu.memory_space<vmem_shared>>
      tpu.enqueue_dma source(%dma_start3A_99 : memref<160x128xf32, #tpu.memory_space<vmem_shared>>) target(%arg10 : memref<160x128xf32, #tpu.memory_space<vmem>>) target_semaphore(%run_scoped3A : memref<!tpu.dma_semaphore, #tpu.memory_space<semaphore_mem>>)
      %dma_wait3A = arith.constant 0 : i32
      %dma_wait3A_100 = tpu.memref_slice %arg11[%add3A_92, %dma_wait3A] : memref<5120x128xf32, #tpu.memory_space<vmem_shared>> -> memref<160x128xf32, #tpu.memory_space<vmem_shared>>
      %dma_wait3A_101 = arith.constant 0 : i32
      %dma_wait3A_102 = tpu.memref_slice %arg11[%add3A_92, %dma_wait3A_101] : memref<5120x128xf32, #tpu.memory_space<vmem_shared>> -> memref<160x128xf32, #tpu.memory_space<vmem_shared>>
      tpu.wait_dma2 semaphore(%run_scoped3A : memref<!tpu.dma_semaphore, #tpu.memory_space<semaphore_mem>>) src(%dma_wait3A_102 : memref<160x128xf32, #tpu.memory_space<vmem_shared>>) dst(%arg10 : memref<160x128xf32, #tpu.memory_space<vmem>>)
      tpu.yield
    }) : () -> ()
    %mul3A_93 = arith.constant 320 : i32
    %mul3A_94 = arith.muli %arg1, %mul3A_93 : i32
    %add3A_95 = arith.constant 160 : i32
    %add3A_96 = arith.addi %mul3A_94, %add3A_95 : i32
    "tpu.region"() ({
      %run_scoped3A = tpu.sem_alloc : memref<!tpu.dma_semaphore, #tpu.memory_space<semaphore_mem>>
      %dma_start3A = arith.constant 0 : i32
      %dma_start3A_97 = tpu.memref_slice %arg6[%arg0, %add3A_96, %dma_start3A] : memref<2x5120x128xf32, #tpu.memory_space<hbm>> -> memref<1x160x128xf32, #tpu.memory_space<hbm>>
      %dma_start3A_98 = tpu.memref_squeeze %dma_start3A_97 : memref<1x160x128xf32, #tpu.memory_space<hbm>> -> memref<160x128xf32, #tpu.memory_space<hbm>>
      %dma_start3A_99 = arith.constant 0 : i32
      %dma_start3A_100 = tpu.memref_slice %arg6[%arg0, %add3A_96, %dma_start3A_99] : memref<2x5120x128xf32, #tpu.memory_space<hbm>> -> memref<1x160x128xf32, #tpu.memory_space<hbm>>
      %dma_start3A_101 = tpu.memref_squeeze %dma_start3A_100 : memref<1x160x128xf32, #tpu.memory_space<hbm>> -> memref<160x128xf32, #tpu.memory_space<hbm>>
      tpu.enqueue_dma source(%arg10 : memref<160x128xf32, #tpu.memory_space<vmem>>) target(%dma_start3A_101 : memref<160x128xf32, #tpu.memory_space<hbm>>) target_semaphore(%run_scoped3A : memref<!tpu.dma_semaphore, #tpu.memory_space<semaphore_mem>>)
      %dma_wait3A = arith.constant 0 : i32
      %dma_wait3A_102 = tpu.memref_slice %arg6[%arg0, %add3A_96, %dma_wait3A] : memref<2x5120x128xf32, #tpu.memory_space<hbm>> -> memref<1x160x128xf32, #tpu.memory_space<hbm>>
      %dma_wait3A_103 = tpu.memref_squeeze %dma_wait3A_102 : memref<1x160x128xf32, #tpu.memory_space<hbm>> -> memref<160x128xf32, #tpu.memory_space<hbm>>
      %dma_wait3A_104 = arith.constant 0 : i32
      %dma_wait3A_105 = tpu.memref_slice %arg6[%arg0, %add3A_96, %dma_wait3A_104] : memref<2x5120x128xf32, #tpu.memory_space<hbm>> -> memref<1x160x128xf32, #tpu.memory_space<hbm>>
      %dma_wait3A_106 = tpu.memref_squeeze %dma_wait3A_105 : memref<1x160x128xf32, #tpu.memory_space<hbm>> -> memref<160x128xf32, #tpu.memory_space<hbm>>
      tpu.wait_dma2 semaphore(%run_scoped3A : memref<!tpu.dma_semaphore, #tpu.memory_space<semaphore_mem>>) src(%arg10 : memref<160x128xf32, #tpu.memory_space<vmem>>) dst(%dma_wait3A_106 : memref<160x128xf32, #tpu.memory_space<hbm>>)
      tpu.yield
    }) : () -> ()
    return
  }
}

#map = affine_map<(d0, d1) -> (0, 0)>
#map1 = affine_map<(d0, d1) -> (0)>
#map2 = affine_map<(d0, d1) -> (0, 0, 0)>
module attributes {stable_mosaic.version = 14 : i64} {
  func.func @_p(%arg0: i32, %arg1: i32, %arg2: memref<10000x128xf32, #tpu.memory_space<hbm>>, %arg3: memref<320000xi32, #tpu.memory_space<hbm>>, %arg4: memref<320000xi32, #tpu.memory_space<hbm>>, %arg5: memref<2x2560x128xf32, #tpu.memory_space<hbm>>, %arg6: memref<400xi32, #tpu.memory_space<vmem>>, %arg7: memref<400xi32, #tpu.memory_space<vmem>>, %arg8: memref<400x128xf32, #tpu.memory_space<vmem>>, %arg9: memref<160x128xf32, #tpu.memory_space<vmem>>, %arg10: memref<2560x128xf32, #tpu.memory_space<vmem_shared>>, %arg11: memref<!tpu.dma_semaphore, #tpu.memory_space<semaphore_mem>>) attributes {dimension_semantics = [#tpu.dimension_semantics<core_parallel>, #tpu.dimension_semantics<subcore_parallel>], iteration_bounds = array<i64: 2, 16>, scalar_prefetch = 0 : i64, scratch_operands = 6 : i64, tpu.core_type = #tpu.core_type<sc_vector_subcore>, window_params = [{transform_indices = #map}, {transform_indices = #map1}, {transform_indices = #map1}, {transform_indices = #map2}]} {
    %mul3A = arith.constant 2500 : i32
    %mul3A_0 = arith.muli %arg0, %mul3A : i32
    %broadcast_in_dim3A = arith.constant 2559 : i32
    %broadcast_in_dim3A_1 = vector.broadcast %broadcast_in_dim3A : i32 to vector<16xi32>
    %broadcast_in_dim3A_2 = arith.constant 1048576 : i32
    %broadcast_in_dim3A_3 = vector.broadcast %broadcast_in_dim3A_2 : i32 to vector<16xi32>
    %broadcast_in_dim3A_4 = arith.constant 0 : i32
    %broadcast_in_dim3A_5 = vector.broadcast %broadcast_in_dim3A_4 : i32 to vector<16xi32>
    %broadcast_in_dim3A_6 = arith.constant 0.000000e+00 : f32
    %broadcast_in_dim3A_7 = vector.broadcast %broadcast_in_dim3A_6 : f32 to vector<16xf32>
    %scan3A = arith.constant 0 : i32
    %scan3A_8 = arith.constant 0 : i32
    %scan3A_9 = arith.constant 160 : i32
    %scan3A_10 = arith.addi %scan3A_8, %scan3A_9 : i32
    %scan3A_11 = arith.constant 1 : i32
    %scan3A_12 = scf.for %scan3A_33 = %scan3A_8 to %scan3A_10 step %scan3A_11 iter_args(%scan3A_34 = %scan3A) -> (i32)  : i32 {
      %swap3A = arith.index_cast %scan3A_33 : i32 to index
      %swap3A_35 = arith.constant 0 : index
      %swap3A_36 = tpu.vector_load %arg9[%swap3A, %swap3A_35] {strides = array<i32>} : memref<160x128xf32, #tpu.memory_space<vmem>>, vector<1x16xf32>,
      %swap3A_37 = vector.shape_cast %swap3A_36 : vector<1x16xf32> to vector<16xf32>
      %swap3A_38 = vector.shape_cast %broadcast_in_dim3A_7 : vector<16xf32> to vector<1x16xf32>
      tpu.vector_store %arg9[%swap3A, %swap3A_35], %swap3A_38 {strides = array<i32>} : memref<160x128xf32, #tpu.memory_space<vmem>>, vector<1x16xf32>,
      %swap3A_39 = arith.index_cast %scan3A_33 : i32 to index
      %swap3A_40 = arith.constant 16 : index
      %swap3A_41 = tpu.vector_load %arg9[%swap3A_39, %swap3A_40] {strides = array<i32>} : memref<160x128xf32, #tpu.memory_space<vmem>>, vector<1x16xf32>,
      %swap3A_42 = vector.shape_cast %swap3A_41 : vector<1x16xf32> to vector<16xf32>
      %swap3A_43 = vector.shape_cast %broadcast_in_dim3A_7 : vector<16xf32> to vector<1x16xf32>
      tpu.vector_store %arg9[%swap3A_39, %swap3A_40], %swap3A_43 {strides = array<i32>} : memref<160x128xf32, #tpu.memory_space<vmem>>, vector<1x16xf32>,
      %swap3A_44 = arith.index_cast %scan3A_33 : i32 to index
      %swap3A_45 = arith.constant 32 : index
      %swap3A_46 = tpu.vector_load %arg9[%swap3A_44, %swap3A_45] {strides = array<i32>} : memref<160x128xf32, #tpu.memory_space<vmem>>, vector<1x16xf32>,
      %swap3A_47 = vector.shape_cast %swap3A_46 : vector<1x16xf32> to vector<16xf32>
      %swap3A_48 = vector.shape_cast %broadcast_in_dim3A_7 : vector<16xf32> to vector<1x16xf32>
      tpu.vector_store %arg9[%swap3A_44, %swap3A_45], %swap3A_48 {strides = array<i32>} : memref<160x128xf32, #tpu.memory_space<vmem>>, vector<1x16xf32>,
      %swap3A_49 = arith.index_cast %scan3A_33 : i32 to index
      %swap3A_50 = arith.constant 48 : index
      %swap3A_51 = tpu.vector_load %arg9[%swap3A_49, %swap3A_50] {strides = array<i32>} : memref<160x128xf32, #tpu.memory_space<vmem>>, vector<1x16xf32>,
      %swap3A_52 = vector.shape_cast %swap3A_51 : vector<1x16xf32> to vector<16xf32>
      %swap3A_53 = vector.shape_cast %broadcast_in_dim3A_7 : vector<16xf32> to vector<1x16xf32>
      tpu.vector_store %arg9[%swap3A_49, %swap3A_50], %swap3A_53 {strides = array<i32>} : memref<160x128xf32, #tpu.memory_space<vmem>>, vector<1x16xf32>,
      %swap3A_54 = arith.index_cast %scan3A_33 : i32 to index
      %swap3A_55 = arith.constant 64 : index
      %swap3A_56 = tpu.vector_load %arg9[%swap3A_54, %swap3A_55] {strides = array<i32>} : memref<160x128xf32, #tpu.memory_space<vmem>>, vector<1x16xf32>,
      %swap3A_57 = vector.shape_cast %swap3A_56 : vector<1x16xf32> to vector<16xf32>
      %swap3A_58 = vector.shape_cast %broadcast_in_dim3A_7 : vector<16xf32> to vector<1x16xf32>
      tpu.vector_store %arg9[%swap3A_54, %swap3A_55], %swap3A_58 {strides = array<i32>} : memref<160x128xf32, #tpu.memory_space<vmem>>, vector<1x16xf32>,
      %swap3A_59 = arith.index_cast %scan3A_33 : i32 to index
      %swap3A_60 = arith.constant 80 : index
      %swap3A_61 = tpu.vector_load %arg9[%swap3A_59, %swap3A_60] {strides = array<i32>} : memref<160x128xf32, #tpu.memory_space<vmem>>, vector<1x16xf32>,
      %swap3A_62 = vector.shape_cast %swap3A_61 : vector<1x16xf32> to vector<16xf32>
      %swap3A_63 = vector.shape_cast %broadcast_in_dim3A_7 : vector<16xf32> to vector<1x16xf32>
      tpu.vector_store %arg9[%swap3A_59, %swap3A_60], %swap3A_63 {strides = array<i32>} : memref<160x128xf32, #tpu.memory_space<vmem>>, vector<1x16xf32>,
      %swap3A_64 = arith.index_cast %scan3A_33 : i32 to index
      %swap3A_65 = arith.constant 96 : index
      %swap3A_66 = tpu.vector_load %arg9[%swap3A_64, %swap3A_65] {strides = array<i32>} : memref<160x128xf32, #tpu.memory_space<vmem>>, vector<1x16xf32>,
      %swap3A_67 = vector.shape_cast %swap3A_66 : vector<1x16xf32> to vector<16xf32>
      %swap3A_68 = vector.shape_cast %broadcast_in_dim3A_7 : vector<16xf32> to vector<1x16xf32>
      tpu.vector_store %arg9[%swap3A_64, %swap3A_65], %swap3A_68 {strides = array<i32>} : memref<160x128xf32, #tpu.memory_space<vmem>>, vector<1x16xf32>,
      %swap3A_69 = arith.index_cast %scan3A_33 : i32 to index
      %swap3A_70 = arith.constant 112 : index
      %swap3A_71 = tpu.vector_load %arg9[%swap3A_69, %swap3A_70] {strides = array<i32>} : memref<160x128xf32, #tpu.memory_space<vmem>>, vector<1x16xf32>,
      %swap3A_72 = vector.shape_cast %swap3A_71 : vector<1x16xf32> to vector<16xf32>
      %swap3A_73 = vector.shape_cast %broadcast_in_dim3A_7 : vector<16xf32> to vector<1x16xf32>
      tpu.vector_store %arg9[%swap3A_69, %swap3A_70], %swap3A_73 {strides = array<i32>} : memref<160x128xf32, #tpu.memory_space<vmem>>, vector<1x16xf32>,
      %scan3A_74 = arith.constant 0 : i32
      scf.yield %scan3A_74 : i32
    }
    %scan3A_13 = arith.constant 160 : i32
    %mul3A_14 = arith.constant 160 : i32
    %mul3A_15 = arith.muli %arg1, %mul3A_14 : i32
    %add3A = arith.constant 0 : i32
    %add3A_16 = arith.addi %mul3A_15, %add3A : i32
    "tpu.region"() ({
      %run_scoped3A = tpu.sem_alloc : memref<!tpu.dma_semaphore, #tpu.memory_space<semaphore_mem>>
      %dma_start3A = arith.constant 0 : i32
      %dma_start3A_33 = tpu.memref_slice %arg10[%add3A_16, %dma_start3A] : memref<2560x128xf32, #tpu.memory_space<vmem_shared>> -> memref<160x128xf32, #tpu.memory_space<vmem_shared>>
      %dma_start3A_34 = arith.constant 0 : i32
      %dma_start3A_35 = tpu.memref_slice %arg10[%add3A_16, %dma_start3A_34] : memref<2560x128xf32, #tpu.memory_space<vmem_shared>> -> memref<160x128xf32, #tpu.memory_space<vmem_shared>>
      tpu.enqueue_dma source(%arg9 : memref<160x128xf32, #tpu.memory_space<vmem>>) target(%dma_start3A_35 : memref<160x128xf32, #tpu.memory_space<vmem_shared>>) target_semaphore(%run_scoped3A : memref<!tpu.dma_semaphore, #tpu.memory_space<semaphore_mem>>)
      %dma_wait3A = arith.constant 0 : i32
      %dma_wait3A_36 = tpu.memref_slice %arg10[%add3A_16, %dma_wait3A] : memref<2560x128xf32, #tpu.memory_space<vmem_shared>> -> memref<160x128xf32, #tpu.memory_space<vmem_shared>>
      %dma_wait3A_37 = arith.constant 0 : i32
      %dma_wait3A_38 = tpu.memref_slice %arg10[%add3A_16, %dma_wait3A_37] : memref<2560x128xf32, #tpu.memory_space<vmem_shared>> -> memref<160x128xf32, #tpu.memory_space<vmem_shared>>
      tpu.wait_dma2 semaphore(%run_scoped3A : memref<!tpu.dma_semaphore, #tpu.memory_space<semaphore_mem>>) src(%arg9 : memref<160x128xf32, #tpu.memory_space<vmem>>) dst(%dma_wait3A_38 : memref<160x128xf32, #tpu.memory_space<vmem_shared>>)
      tpu.yield
    }) : () -> ()
    %barrier3A = arith.constant 0 : index
    tpu.barrier barrier_id(%barrier3A)
    %scan3A_17 = arith.constant 0 : i32
    %scan3A_18 = arith.constant 0 : i32
    %scan3A_19 = arith.constant 50 : i32
    %scan3A_20 = arith.addi %scan3A_18, %scan3A_19 : i32
    %scan3A_21 = arith.constant 1 : i32
    %scan3A_22 = scf.for %scan3A_33 = %scan3A_18 to %scan3A_20 step %scan3A_21 iter_args(%scan3A_34 = %scan3A_17) -> (i32)  : i32 {
      %mul3A_35 = arith.constant 20000 : i32
      %mul3A_36 = arith.muli %arg1, %mul3A_35 : i32
      %mul3A_37 = arith.constant 400 : i32
      %mul3A_38 = arith.muli %scan3A_33, %mul3A_37 : i32
      %add3A_39 = arith.addi %mul3A_36, %mul3A_38 : i32
      "tpu.region"() ({
        %run_scoped3A = tpu.sem_alloc : memref<!tpu.dma_semaphore, #tpu.memory_space<semaphore_mem>>
        %dma_start3A_52 = tpu.memref_slice %arg3[%add3A_39] : memref<320000xi32, #tpu.memory_space<hbm>> -> memref<400xi32, #tpu.memory_space<hbm>>
        %dma_start3A_53 = tpu.memref_slice %arg3[%add3A_39] : memref<320000xi32, #tpu.memory_space<hbm>> -> memref<400xi32, #tpu.memory_space<hbm>>
        tpu.enqueue_dma source(%dma_start3A_53 : memref<400xi32, #tpu.memory_space<hbm>>) target(%arg6 : memref<400xi32, #tpu.memory_space<vmem>>) target_semaphore(%run_scoped3A : memref<!tpu.dma_semaphore, #tpu.memory_space<semaphore_mem>>)
        %dma_wait3A_54 = tpu.memref_slice %arg3[%add3A_39] : memref<320000xi32, #tpu.memory_space<hbm>> -> memref<400xi32, #tpu.memory_space<hbm>>
        %dma_wait3A_55 = tpu.memref_slice %arg3[%add3A_39] : memref<320000xi32, #tpu.memory_space<hbm>> -> memref<400xi32, #tpu.memory_space<hbm>>
        tpu.wait_dma2 semaphore(%run_scoped3A : memref<!tpu.dma_semaphore, #tpu.memory_space<semaphore_mem>>) src(%dma_wait3A_55 : memref<400xi32, #tpu.memory_space<hbm>>) dst(%arg6 : memref<400xi32, #tpu.memory_space<vmem>>)
        tpu.yield
      }) : () -> ()
      "tpu.region"() ({
        %run_scoped3A = tpu.sem_alloc : memref<!tpu.dma_semaphore, #tpu.memory_space<semaphore_mem>>
        %dma_start3A_52 = tpu.memref_slice %arg4[%add3A_39] : memref<320000xi32, #tpu.memory_space<hbm>> -> memref<400xi32, #tpu.memory_space<hbm>>
        %dma_start3A_53 = tpu.memref_slice %arg4[%add3A_39] : memref<320000xi32, #tpu.memory_space<hbm>> -> memref<400xi32, #tpu.memory_space<hbm>>
        tpu.enqueue_dma source(%dma_start3A_53 : memref<400xi32, #tpu.memory_space<hbm>>) target(%arg7 : memref<400xi32, #tpu.memory_space<vmem>>) target_semaphore(%run_scoped3A : memref<!tpu.dma_semaphore, #tpu.memory_space<semaphore_mem>>)
        %dma_wait3A_54 = tpu.memref_slice %arg4[%add3A_39] : memref<320000xi32, #tpu.memory_space<hbm>> -> memref<400xi32, #tpu.memory_space<hbm>>
        %dma_wait3A_55 = tpu.memref_slice %arg4[%add3A_39] : memref<320000xi32, #tpu.memory_space<hbm>> -> memref<400xi32, #tpu.memory_space<hbm>>
        tpu.wait_dma2 semaphore(%run_scoped3A : memref<!tpu.dma_semaphore, #tpu.memory_space<semaphore_mem>>) src(%dma_wait3A_55 : memref<400xi32, #tpu.memory_space<hbm>>) dst(%arg7 : memref<400xi32, #tpu.memory_space<vmem>>)
        tpu.yield
      }) : () -> ()
      %scan3A_40 = arith.constant 0 : i32
      %scan3A_41 = arith.constant 0 : i32
      %scan3A_42 = arith.constant 25 : i32
      %scan3A_43 = arith.addi %scan3A_41, %scan3A_42 : i32
      %scan3A_44 = arith.constant 1 : i32
      %scan3A_45 = scf.for %scan3A_52 = %scan3A_41 to %scan3A_43 step %scan3A_44 iter_args(%scan3A_53 = %scan3A_40) -> (i32)  : i32 {
        %mul3A_54 = arith.constant 16 : i32
        %mul3A_55 = arith.muli %scan3A_52, %mul3A_54 : i32
        %get3A = arith.index_cast %mul3A_55 : i32 to index
        %get3A_56 = tpu.vector_load %arg7[%get3A] {strides = array<i32>} : memref<400xi32, #tpu.memory_space<vmem>>, vector<16xi32>,
        %get3A_57 = vector.shape_cast %get3A_56 : vector<16xi32> to vector<16xi32>
        %sub3A = vector.broadcast %mul3A_0 : i32 to vector<16xi32>
        %sub3A_58 = arith.subi %get3A_57, %sub3A : vector<16xi32>
        %ge3A = arith.constant 0 : i32
        %ge3A_59 = vector.broadcast %ge3A : i32 to vector<16xi32>
        %ge3A_60 = arith.cmpi sge, %sub3A_58, %ge3A_59 : vector<16xi32>
        %lt3A = arith.constant 2500 : i32
        %lt3A_61 = vector.broadcast %lt3A : i32 to vector<16xi32>
        %lt3A_62 = arith.cmpi slt, %sub3A_58, %lt3A_61 : vector<16xi32>
        %and3A = arith.andi %ge3A_60, %lt3A_62 : vector<16xi1>
        %select_n3A = arith.select %and3A, %sub3A_58, %broadcast_in_dim3A_1 : vector<16xi1>, vector<16xi32>
        %mul3A_63 = arith.constant 16 : i32
        %mul3A_64 = arith.muli %scan3A_52, %mul3A_63 : i32
        %swap3A = arith.index_cast %mul3A_64 : i32 to index
        %swap3A_65 = tpu.vector_load %arg7[%swap3A] {strides = array<i32>} : memref<400xi32, #tpu.memory_space<vmem>>, vector<16xi32>,
        %swap3A_66 = vector.shape_cast %swap3A_65 : vector<16xi32> to vector<16xi32>
        %swap3A_67 = vector.shape_cast %select_n3A : vector<16xi32> to vector<16xi32>
        tpu.vector_store %arg7[%swap3A], %swap3A_67 {strides = array<i32>} : memref<400xi32, #tpu.memory_space<vmem>>, vector<16xi32>,
        %scan3A_68 = arith.constant 0 : i32
        scf.yield %scan3A_68 : i32
      }
      %scan3A_46 = arith.constant 25 : i32
      %dma_start3A = arith.constant 0 : i32
      %dma_start3A_47 = arith.constant 0 : i32
      %dma_start3A_48 = tpu.memref_slice %arg2[%dma_start3A, %dma_start3A_47] : memref<10000x128xf32, #tpu.memory_space<hbm>> -> memref<10000x128xf32, #tpu.memory_space<hbm>>
      tpu.enqueue_indirect_dma source(%dma_start3A_48 : memref<10000x128xf32, #tpu.memory_space<hbm>>) target(%arg8 : memref<400x128xf32, #tpu.memory_space<vmem>>) offsets(%arg6 : memref<400xi32, #tpu.memory_space<vmem>>) semaphore(%arg11 : memref<!tpu.dma_semaphore, #tpu.memory_space<semaphore_mem>>)
      %dma_wait3A = arith.constant 0 : i32
      %dma_wait3A_49 = arith.constant 0 : i32
      %dma_wait3A_50 = tpu.memref_slice %arg2[%dma_wait3A, %dma_wait3A_49] : memref<10000x128xf32, #tpu.memory_space<hbm>> -> memref<10000x128xf32, #tpu.memory_space<hbm>>
      tpu.wait_indirect_dma semaphore(%arg11 : memref<!tpu.dma_semaphore, #tpu.memory_space<semaphore_mem>>) src(%dma_wait3A_50 : memref<10000x128xf32, #tpu.memory_space<hbm>>) dst(%arg8 : memref<400x128xf32, #tpu.memory_space<vmem>>)
      "tpu.region"() ({
        %run_scoped3A = tpu.sem_alloc : memref<!tpu.dma_semaphore, #tpu.memory_space<semaphore_mem>>
        %dma_start3A_52 = arith.constant 0 : i32
        %dma_start3A_53 = arith.constant 0 : i32
        %dma_start3A_54 = tpu.memref_slice %arg10[%dma_start3A_52, %dma_start3A_53] : memref<2560x128xf32, #tpu.memory_space<vmem_shared>> -> memref<2560x128xf32, #tpu.memory_space<vmem_shared>>
        tpu.enqueue_indirect_dma source(%arg8 : memref<400x128xf32, #tpu.memory_space<vmem>>) target(%dma_start3A_54 : memref<2560x128xf32, #tpu.memory_space<vmem_shared>>) offsets(%arg7 : memref<400xi32, #tpu.memory_space<vmem>>) semaphore(%run_scoped3A : memref<!tpu.dma_semaphore, #tpu.memory_space<semaphore_mem>>) {add = true}
        %dma_wait3A_55 = arith.constant 0 : i32
        %dma_wait3A_56 = arith.constant 0 : i32
        %dma_wait3A_57 = tpu.memref_slice %arg10[%dma_wait3A_55, %dma_wait3A_56] : memref<2560x128xf32, #tpu.memory_space<vmem_shared>> -> memref<2560x128xf32, #tpu.memory_space<vmem_shared>>
        tpu.wait_indirect_dma semaphore(%run_scoped3A : memref<!tpu.dma_semaphore, #tpu.memory_space<semaphore_mem>>) src(%arg8 : memref<400x128xf32, #tpu.memory_space<vmem>>) dst(%dma_wait3A_57 : memref<2560x128xf32, #tpu.memory_space<vmem_shared>>)
        tpu.yield
      }) : () -> ()
      %scan3A_51 = arith.constant 0 : i32
      scf.yield %scan3A_51 : i32
    }
    %scan3A_23 = arith.constant 50 : i32
    %barrier3A_24 = arith.constant 0 : index
    tpu.barrier barrier_id(%barrier3A_24)
    %mul3A_25 = arith.constant 160 : i32
    %mul3A_26 = arith.muli %arg1, %mul3A_25 : i32
    %add3A_27 = arith.constant 0 : i32
    %add3A_28 = arith.addi %mul3A_26, %add3A_27 : i32
    "tpu.region"() ({
      %run_scoped3A = tpu.sem_alloc : memref<!tpu.dma_semaphore, #tpu.memory_space<semaphore_mem>>
      %dma_start3A = arith.constant 0 : i32
      %dma_start3A_33 = tpu.memref_slice %arg10[%add3A_28, %dma_start3A] : memref<2560x128xf32, #tpu.memory_space<vmem_shared>> -> memref<160x128xf32, #tpu.memory_space<vmem_shared>>
      %dma_start3A_34 = arith.constant 0 : i32
      %dma_start3A_35 = tpu.memref_slice %arg10[%add3A_28, %dma_start3A_34] : memref<2560x128xf32, #tpu.memory_space<vmem_shared>> -> memref<160x128xf32, #tpu.memory_space<vmem_shared>>
      tpu.enqueue_dma source(%dma_start3A_35 : memref<160x128xf32, #tpu.memory_space<vmem_shared>>) target(%arg9 : memref<160x128xf32, #tpu.memory_space<vmem>>) target_semaphore(%run_scoped3A : memref<!tpu.dma_semaphore, #tpu.memory_space<semaphore_mem>>)
      %dma_wait3A = arith.constant 0 : i32
      %dma_wait3A_36 = tpu.memref_slice %arg10[%add3A_28, %dma_wait3A] : memref<2560x128xf32, #tpu.memory_space<vmem_shared>> -> memref<160x128xf32, #tpu.memory_space<vmem_shared>>
      %dma_wait3A_37 = arith.constant 0 : i32
      %dma_wait3A_38 = tpu.memref_slice %arg10[%add3A_28, %dma_wait3A_37] : memref<2560x128xf32, #tpu.memory_space<vmem_shared>> -> memref<160x128xf32, #tpu.memory_space<vmem_shared>>
      tpu.wait_dma2 semaphore(%run_scoped3A : memref<!tpu.dma_semaphore, #tpu.memory_space<semaphore_mem>>) src(%dma_wait3A_38 : memref<160x128xf32, #tpu.memory_space<vmem_shared>>) dst(%arg9 : memref<160x128xf32, #tpu.memory_space<vmem>>)
      tpu.yield
    }) : () -> ()
    %mul3A_29 = arith.constant 160 : i32
    %mul3A_30 = arith.muli %arg1, %mul3A_29 : i32
    %add3A_31 = arith.constant 0 : i32
    %add3A_32 = arith.addi %mul3A_30, %add3A_31 : i32
    "tpu.region"() ({
      %run_scoped3A = tpu.sem_alloc : memref<!tpu.dma_semaphore, #tpu.memory_space<semaphore_mem>>
      %dma_start3A = arith.constant 0 : i32
      %dma_start3A_33 = tpu.memref_slice %arg5[%arg0, %add3A_32, %dma_start3A] : memref<2x2560x128xf32, #tpu.memory_space<hbm>> -> memref<1x160x128xf32, #tpu.memory_space<hbm>>
      %dma_start3A_34 = tpu.memref_squeeze %dma_start3A_33 : memref<1x160x128xf32, #tpu.memory_space<hbm>> -> memref<160x128xf32, #tpu.memory_space<hbm>>
      %dma_start3A_35 = arith.constant 0 : i32
      %dma_start3A_36 = tpu.memref_slice %arg5[%arg0, %add3A_32, %dma_start3A_35] : memref<2x2560x128xf32, #tpu.memory_space<hbm>> -> memref<1x160x128xf32, #tpu.memory_space<hbm>>
      %dma_start3A_37 = tpu.memref_squeeze %dma_start3A_36 : memref<1x160x128xf32, #tpu.memory_space<hbm>> -> memref<160x128xf32, #tpu.memory_space<hbm>>
      tpu.enqueue_dma source(%arg9 : memref<160x128xf32, #tpu.memory_space<vmem>>) target(%dma_start3A_37 : memref<160x128xf32, #tpu.memory_space<hbm>>) target_semaphore(%run_scoped3A : memref<!tpu.dma_semaphore, #tpu.memory_space<semaphore_mem>>)
      %dma_wait3A = arith.constant 0 : i32
      %dma_wait3A_38 = tpu.memref_slice %arg5[%arg0, %add3A_32, %dma_wait3A] : memref<2x2560x128xf32, #tpu.memory_space<hbm>> -> memref<1x160x128xf32, #tpu.memory_space<hbm>>
      %dma_wait3A_39 = tpu.memref_squeeze %dma_wait3A_38 : memref<1x160x128xf32, #tpu.memory_space<hbm>> -> memref<160x128xf32, #tpu.memory_space<hbm>>
      %dma_wait3A_40 = arith.constant 0 : i32
      %dma_wait3A_41 = tpu.memref_slice %arg5[%arg0, %add3A_32, %dma_wait3A_40] : memref<2x2560x128xf32, #tpu.memory_space<hbm>> -> memref<1x160x128xf32, #tpu.memory_space<hbm>>
      %dma_wait3A_42 = tpu.memref_squeeze %dma_wait3A_41 : memref<1x160x128xf32, #tpu.memory_space<hbm>> -> memref<160x128xf32, #tpu.memory_space<hbm>>
      tpu.wait_dma2 semaphore(%run_scoped3A : memref<!tpu.dma_semaphore, #tpu.memory_space<semaphore_mem>>) src(%arg9 : memref<160x128xf32, #tpu.memory_space<vmem>>) dst(%dma_wait3A_42 : memref<160x128xf32, #tpu.memory_space<hbm>>)
      tpu.yield
    }) : () -> ()
    return
  }
}

module attributes {stable_mosaic.version = 14 : i64} {
  func.func @_xw_body(%arg0: i32, %arg1: memref<1x5120x128xf32, #tpu.memory_space<vmem>>, %arg2: memref<1x5120x128xf32, #tpu.memory_space<vmem>>, %arg3: memref<128x128xf32, #tpu.memory_space<vmem>>, %arg4: memref<1x128xf32, #tpu.memory_space<vmem>>, %arg5: memref<5000x128xf32, #tpu.memory_space<vmem>>) attributes {dimension_semantics = [#tpu.dimension_semantics<arbitrary>], iteration_bounds = array<i64: 2>, scalar_prefetch = 0 : i64, scratch_operands = 0 : i64, tpu.core_type = #tpu.core_type<tc>, window_params = [{transform_indices = @transform_0, window_bounds = array<i64: 1, 5120, 128>}, {transform_indices = @transform_1, window_bounds = array<i64: 1, 5120, 128>}, {pipeline_mode = #tpu.pipeline_mode<synchronous>, transform_indices = @transform_2, window_bounds = array<i64: 128, 128>}, {pipeline_mode = #tpu.pipeline_mode<synchronous>, transform_indices = @transform_3, window_bounds = array<i64: 1, 128>}, {transform_indices = @transform_4, window_bounds = array<i64: 5000, 128>}]} {
    %get3A = arith.constant 0 : index
    %get3A_0 = arith.constant 0 : index
    %get3A_1 = arith.constant 0 : index
    %get3A_2 = vector.load %arg1[%get3A, %get3A_0, %get3A_1] : memref<1x5120x128xf32, #tpu.memory_space<vmem>>, vector<1x5120x128xf32>
    %get3A_3 = vector.shape_cast %get3A_2 : vector<1x5120x128xf32> to vector<5120x128xf32>
    %get3A_4 = arith.constant 0 : index
    %get3A_5 = arith.constant 0 : index
    %get3A_6 = arith.constant 0 : index
    %get3A_7 = vector.load %arg2[%get3A_4, %get3A_5, %get3A_6] : memref<1x5120x128xf32, #tpu.memory_space<vmem>>, vector<1x5120x1xf32>
    %get3A_8 = vector.shape_cast %get3A_7 : vector<1x5120x1xf32> to vector<5120x1xf32>
    %max3A = arith.constant 1.000000e+00 : f32
    %max3A_9 = vector.broadcast %max3A : f32 to vector<5120x1xf32>
    %max3A_10 = arith.maximumf %get3A_8, %max3A_9 : vector<5120x1xf32>
    %div3A = vector.broadcast %max3A_10 : vector<5120x1xf32> to vector<5120x128xf32>
    %div3A_11 = arith.divf %get3A_3, %div3A : vector<5120x128xf32>
    %max3A_12 = arith.constant 0.000000e+00 : f32
    %max3A_13 = vector.broadcast %max3A_12 : f32 to vector<5120x128xf32>
    %max3A_14 = arith.maximumf %div3A_11, %max3A_13 : vector<5120x128xf32>
    %slice3A = vector.extract_strided_slice %max3A_14 {offsets = [0, 0], sizes = [5000, 128], strides = [1, 1]} : vector<5120x128xf32> to vector<5000x128xf32>
    %get3A_15 = arith.constant 0 : index
    %get3A_16 = arith.constant 0 : index
    %get3A_17 = vector.load %arg3[%get3A_15, %get3A_16] : memref<128x128xf32, #tpu.memory_space<vmem>>, vector<128x128xf32>
    %dot_general3A = arith.constant dense<0.000000e+00> : vector<5000x128xf32>
    %dot_general3A_18 = tpu.matmul %slice3A, %get3A_17, %dot_general3A {dimension_numbers = #tpu.dot_dimension_numbers<[1], [0], [0], [1], [0, 0, 1, 1], [], []>, transpose_lhs_hint = false} : vector<5000x128xf32>, vector<128x128xf32>, vector<5000x128xf32> -> vector<5000x128xf32>
    %get3A_19 = arith.constant 0 : index
    %get3A_20 = arith.constant 0 : index
    %get3A_21 = vector.load %arg4[%get3A_19, %get3A_20] : memref<1x128xf32, #tpu.memory_space<vmem>>, vector<1x128xf32>
    %add3A = vector.broadcast %get3A_21 : vector<1x128xf32> to vector<5000x128xf32>
    %add3A_22 = arith.addf %dot_general3A_18, %add3A : vector<5000x128xf32>
    %max3A_23 = arith.constant 0.000000e+00 : f32
    %max3A_24 = vector.broadcast %max3A_23 : f32 to vector<5000x128xf32>
    %max3A_25 = arith.maximumf %add3A_22, %max3A_24 : vector<5000x128xf32>
    %swap3A = arith.constant 0 : index
    %swap3A_26 = arith.constant 0 : index
    %swap3A_27 = vector.load %arg5[%swap3A, %swap3A_26] : memref<5000x128xf32, #tpu.memory_space<vmem>>, vector<5000x128xf32>
    tpu.vector_store %arg5[%swap3A, %swap3A_26], %max3A_25 {strides = array<i32>} : memref<5000x128xf32, #tpu.memory_space<vmem>>, vector<5000x128xf32>,
    return
  }
  func.func @transform_0(%arg0: i32) -> (i32, i32, i32) {
    %c0_i32 = arith.constant 0 : i32
    %c0_i32_0 = arith.constant 0 : i32
    %c0_i32_1 = arith.constant 0 : i32
    return %arg0, %c0_i32, %c0_i32_0 : i32, i32, i32
  }
  func.func @transform_1(%arg0: i32) -> (i32, i32, i32) {
    %c0_i32 = arith.constant 0 : i32
    %c0_i32_0 = arith.constant 0 : i32
    %c0_i32_1 = arith.constant 0 : i32
    return %arg0, %c0_i32, %c0_i32_0 : i32, i32, i32
  }
  func.func @transform_2(%arg0: i32) -> (i32, i32) {
    %c0_i32 = arith.constant 0 : i32
    %c0_i32_0 = arith.constant 0 : i32
    %c0_i32_1 = arith.constant 0 : i32
    return %c0_i32, %c0_i32_0 : i32, i32
  }
  func.func @transform_3(%arg0: i32) -> (i32, i32) {
    %c0_i32 = arith.constant 0 : i32
    %c0_i32_0 = arith.constant 0 : i32
    %c0_i32_1 = arith.constant 0 : i32
    return %c0_i32, %c0_i32_0 : i32, i32
  }
  func.func @transform_4(%arg0: i32) -> (i32, i32) {
    %c0_i32 = arith.constant 0 : i32
    %c0_i32_0 = arith.constant 0 : i32
    return %arg0, %c0_i32 : i32, i32
  }
}

module attributes {stable_mosaic.version = 14 : i64} {
  func.func @_mm_relu_body(%arg0: i32, %arg1: memref<1000x128xf32, #tpu.memory_space<vmem>>, %arg2: memref<128x128xf32, #tpu.memory_space<vmem>>, %arg3: memref<1x128xf32, #tpu.memory_space<vmem>>, %arg4: memref<1000x128xf32, #tpu.memory_space<vmem>>) attributes {dimension_semantics = [#tpu.dimension_semantics<arbitrary>], iteration_bounds = array<i64: 10>, scalar_prefetch = 0 : i64, scratch_operands = 0 : i64, tpu.core_type = #tpu.core_type<tc>, window_params = [{transform_indices = @transform_0, window_bounds = array<i64: 1000, 128>}, {pipeline_mode = #tpu.pipeline_mode<synchronous>, transform_indices = @transform_1, window_bounds = array<i64: 128, 128>}, {pipeline_mode = #tpu.pipeline_mode<synchronous>, transform_indices = @transform_2, window_bounds = array<i64: 1, 128>}, {transform_indices = @transform_3, window_bounds = array<i64: 1000, 128>}]} {
    %get3A = arith.constant 0 : index
    %get3A_0 = arith.constant 0 : index
    %get3A_1 = vector.load %arg1[%get3A, %get3A_0] : memref<1000x128xf32, #tpu.memory_space<vmem>>, vector<1000x128xf32>
    %get3A_2 = arith.constant 0 : index
    %get3A_3 = arith.constant 0 : index
    %get3A_4 = vector.load %arg2[%get3A_2, %get3A_3] : memref<128x128xf32, #tpu.memory_space<vmem>>, vector<128x128xf32>
    %dot_general3A = arith.constant dense<0.000000e+00> : vector<1000x128xf32>
    %dot_general3A_5 = tpu.matmul %get3A_1, %get3A_4, %dot_general3A {dimension_numbers = #tpu.dot_dimension_numbers<[1], [0], [0], [1], [0, 0, 1, 1], [], []>, transpose_lhs_hint = false} : vector<1000x128xf32>, vector<128x128xf32>, vector<1000x128xf32> -> vector<1000x128xf32>
    %get3A_6 = arith.constant 0 : index
    %get3A_7 = arith.constant 0 : index
    %get3A_8 = vector.load %arg3[%get3A_6, %get3A_7] : memref<1x128xf32, #tpu.memory_space<vmem>>, vector<1x128xf32>
    %add3A = vector.broadcast %get3A_8 : vector<1x128xf32> to vector<1000x128xf32>
    %add3A_9 = arith.addf %dot_general3A_5, %add3A : vector<1000x128xf32>
    %max3A = arith.constant 0.000000e+00 : f32
    %max3A_10 = vector.broadcast %max3A : f32 to vector<1000x128xf32>
    %max3A_11 = arith.maximumf %add3A_9, %max3A_10 : vector<1000x128xf32>
    %swap3A = arith.constant 0 : index
    %swap3A_12 = arith.constant 0 : index
    %swap3A_13 = vector.load %arg4[%swap3A, %swap3A_12] : memref<1000x128xf32, #tpu.memory_space<vmem>>, vector<1000x128xf32>
    tpu.vector_store %arg4[%swap3A, %swap3A_12], %max3A_11 {strides = array<i32>} : memref<1000x128xf32, #tpu.memory_space<vmem>>, vector<1000x128xf32>,
    return
  }
  func.func @transform_0(%arg0: i32) -> (i32, i32) {
    %c0_i32 = arith.constant 0 : i32
    %c0_i32_0 = arith.constant 0 : i32
    return %arg0, %c0_i32 : i32, i32
  }
  func.func @transform_1(%arg0: i32) -> (i32, i32) {
    %c0_i32 = arith.constant 0 : i32
    %c0_i32_0 = arith.constant 0 : i32
    %c0_i32_1 = arith.constant 0 : i32
    return %c0_i32, %c0_i32_0 : i32, i32
  }
  func.func @transform_2(%arg0: i32) -> (i32, i32) {
    %c0_i32 = arith.constant 0 : i32
    %c0_i32_0 = arith.constant 0 : i32
    %c0_i32_1 = arith.constant 0 : i32
    return %c0_i32, %c0_i32_0 : i32, i32
  }
  func.func @transform_3(%arg0: i32) -> (i32, i32) {
    %c0_i32 = arith.constant 0 : i32
    %c0_i32_0 = arith.constant 0 : i32
    return %arg0, %c0_i32 : i32, i32
  }
}

module attributes {stable_mosaic.version = 14 : i64} {
  func.func @_div_e_body(%arg0: i32, %arg1: memref<1x2560x128xf32, #tpu.memory_space<vmem>>, %arg2: memref<1x2560x128xf32, #tpu.memory_space<vmem>>, %arg3: memref<2560x128xf32, #tpu.memory_space<vmem>>) attributes {dimension_semantics = [#tpu.dimension_semantics<arbitrary>], iteration_bounds = array<i64: 2>, scalar_prefetch = 0 : i64, scratch_operands = 0 : i64, tpu.core_type = #tpu.core_type<tc>, window_params = [{transform_indices = @transform_0, window_bounds = array<i64: 1, 2560, 128>}, {transform_indices = @transform_1, window_bounds = array<i64: 1, 2560, 128>}, {transform_indices = @transform_2, window_bounds = array<i64: 2560, 128>}]} {
    %get3A = arith.constant 0 : index
    %get3A_0 = arith.constant 0 : index
    %get3A_1 = arith.constant 0 : index
    %get3A_2 = vector.load %arg1[%get3A, %get3A_0, %get3A_1] : memref<1x2560x128xf32, #tpu.memory_space<vmem>>, vector<1x2560x128xf32>
    %get3A_3 = vector.shape_cast %get3A_2 : vector<1x2560x128xf32> to vector<2560x128xf32>
    %get3A_4 = arith.constant 0 : index
    %get3A_5 = arith.constant 0 : index
    %get3A_6 = arith.constant 0 : index
    %get3A_7 = vector.load %arg2[%get3A_4, %get3A_5, %get3A_6] : memref<1x2560x128xf32, #tpu.memory_space<vmem>>, vector<1x2560x1xf32>
    %get3A_8 = vector.shape_cast %get3A_7 : vector<1x2560x1xf32> to vector<2560x1xf32>
    %max3A = arith.constant 1.000000e+00 : f32
    %max3A_9 = vector.broadcast %max3A : f32 to vector<2560x1xf32>
    %max3A_10 = arith.maximumf %get3A_8, %max3A_9 : vector<2560x1xf32>
    %div3A = vector.broadcast %max3A_10 : vector<2560x1xf32> to vector<2560x128xf32>
    %div3A_11 = arith.divf %get3A_3, %div3A : vector<2560x128xf32>
    %swap3A = arith.constant 0 : index
    %swap3A_12 = arith.constant 0 : index
    %swap3A_13 = vector.load %arg3[%swap3A, %swap3A_12] : memref<2560x128xf32, #tpu.memory_space<vmem>>, vector<2560x128xf32>
    tpu.vector_store %arg3[%swap3A, %swap3A_12], %div3A_11 {strides = array<i32>} : memref<2560x128xf32, #tpu.memory_space<vmem>>, vector<2560x128xf32>,
    return
  }
  func.func @transform_0(%arg0: i32) -> (i32, i32, i32) {
    %c0_i32 = arith.constant 0 : i32
    %c0_i32_0 = arith.constant 0 : i32
    %c0_i32_1 = arith.constant 0 : i32
    return %arg0, %c0_i32, %c0_i32_0 : i32, i32, i32
  }
  func.func @transform_1(%arg0: i32) -> (i32, i32, i32) {
    %c0_i32 = arith.constant 0 : i32
    %c0_i32_0 = arith.constant 0 : i32
    %c0_i32_1 = arith.constant 0 : i32
    return %arg0, %c0_i32, %c0_i32_0 : i32, i32, i32
  }
  func.func @transform_2(%arg0: i32) -> (i32, i32) {
    %c0_i32 = arith.constant 0 : i32
    %c0_i32_0 = arith.constant 0 : i32
    return %arg0, %c0_i32 : i32, i32
  }
}

module attributes {stable_mosaic.version = 14 : i64} {
  func.func @_feat_body(%arg0: i32, %arg1: memref<1x5120x128xf32, #tpu.memory_space<vmem>>, %arg2: memref<1x5120x128xf32, #tpu.memory_space<vmem>>, %arg3: memref<5000x128xf32, #tpu.memory_space<vmem>>, %arg4: memref<5000x128xf32, #tpu.memory_space<vmem>>) attributes {dimension_semantics = [#tpu.dimension_semantics<arbitrary>], iteration_bounds = array<i64: 2>, scalar_prefetch = 0 : i64, scratch_operands = 0 : i64, tpu.core_type = #tpu.core_type<tc>, window_params = [{transform_indices = @transform_0, window_bounds = array<i64: 1, 5120, 128>}, {transform_indices = @transform_1, window_bounds = array<i64: 1, 5120, 128>}, {transform_indices = @transform_2, window_bounds = array<i64: 5000, 128>}, {transform_indices = @transform_3, window_bounds = array<i64: 5000, 128>}]} {
    %get3A = arith.constant 0 : index
    %get3A_0 = arith.constant 0 : index
    %get3A_1 = arith.constant 0 : index
    %get3A_2 = vector.load %arg1[%get3A, %get3A_0, %get3A_1] : memref<1x5120x128xf32, #tpu.memory_space<vmem>>, vector<1x5120x128xf32>
    %get3A_3 = vector.shape_cast %get3A_2 : vector<1x5120x128xf32> to vector<5120x128xf32>
    %get3A_4 = arith.constant 0 : index
    %get3A_5 = arith.constant 0 : index
    %get3A_6 = arith.constant 0 : index
    %get3A_7 = vector.load %arg2[%get3A_4, %get3A_5, %get3A_6] : memref<1x5120x128xf32, #tpu.memory_space<vmem>>, vector<1x5120x1xf32>
    %get3A_8 = vector.shape_cast %get3A_7 : vector<1x5120x1xf32> to vector<5120x1xf32>
    %max3A = arith.constant 1.000000e+00 : f32
    %max3A_9 = vector.broadcast %max3A : f32 to vector<5120x1xf32>
    %max3A_10 = arith.maximumf %get3A_8, %max3A_9 : vector<5120x1xf32>
    %div3A = vector.broadcast %max3A_10 : vector<5120x1xf32> to vector<5120x128xf32>
    %div3A_11 = arith.divf %get3A_3, %div3A : vector<5120x128xf32>
    %slice3A = vector.extract_strided_slice %div3A_11 {offsets = [0, 0], sizes = [5000, 128], strides = [1, 1]} : vector<5120x128xf32> to vector<5000x128xf32>
    %get3A_12 = arith.constant 0 : index
    %get3A_13 = arith.constant 0 : index
    %get3A_14 = vector.load %arg3[%get3A_12, %get3A_13] : memref<5000x128xf32, #tpu.memory_space<vmem>>, vector<5000x128xf32>
    %add3A = arith.addf %slice3A, %get3A_14 : vector<5000x128xf32>
    %swap3A = arith.constant 0 : index
    %swap3A_15 = arith.constant 0 : index
    %swap3A_16 = vector.load %arg4[%swap3A, %swap3A_15] : memref<5000x128xf32, #tpu.memory_space<vmem>>, vector<5000x128xf32>
    tpu.vector_store %arg4[%swap3A, %swap3A_15], %add3A {strides = array<i32>} : memref<5000x128xf32, #tpu.memory_space<vmem>>, vector<5000x128xf32>,
    return
  }
  func.func @transform_0(%arg0: i32) -> (i32, i32, i32) {
    %c0_i32 = arith.constant 0 : i32
    %c0_i32_0 = arith.constant 0 : i32
    %c0_i32_1 = arith.constant 0 : i32
    return %arg0, %c0_i32, %c0_i32_0 : i32, i32, i32
  }
  func.func @transform_1(%arg0: i32) -> (i32, i32, i32) {
    %c0_i32 = arith.constant 0 : i32
    %c0_i32_0 = arith.constant 0 : i32
    %c0_i32_1 = arith.constant 0 : i32
    return %arg0, %c0_i32, %c0_i32_0 : i32, i32, i32
  }
  func.func @transform_2(%arg0: i32) -> (i32, i32) {
    %c0_i32 = arith.constant 0 : i32
    %c0_i32_0 = arith.constant 0 : i32
    return %arg0, %c0_i32 : i32, i32
  }
  func.func @transform_3(%arg0: i32) -> (i32, i32) {
    %c0_i32 = arith.constant 0 : i32
    %c0_i32_0 = arith.constant 0 : i32
    return %arg0, %c0_i32 : i32, i32
  }
}

module attributes {stable_mosaic.version = 14 : i64} {
  func.func @_tail_body(%arg0: i32, %arg1: memref<1000x128xf32, #tpu.memory_space<vmem>>, %arg2: memref<1000x3xf32, #tpu.memory_space<vmem>>, %arg3: memref<128x64xf32, #tpu.memory_space<vmem>>, %arg4: memref<3x64xf32, #tpu.memory_space<vmem>>, %arg5: memref<1x64xf32, #tpu.memory_space<vmem>>, %arg6: memref<128x64xf32, #tpu.memory_space<vmem>>, %arg7: memref<3x64xf32, #tpu.memory_space<vmem>>, %arg8: memref<1x64xf32, #tpu.memory_space<vmem>>, %arg9: memref<64x64xf32, #tpu.memory_space<vmem>>, %arg10: memref<1x64xf32, #tpu.memory_space<vmem>>, %arg11: memref<1x64xf32, #tpu.memory_space<vmem>>, %arg12: memref<1x64xf32, #tpu.memory_space<vmem>>, %arg13: memref<64x3xf32, #tpu.memory_space<vmem>>, %arg14: memref<1x3xf32, #tpu.memory_space<vmem>>, %arg15: memref<64x128xf32, #tpu.memory_space<vmem>>, %arg16: memref<3x128xf32, #tpu.memory_space<vmem>>, %arg17: memref<1x128xf32, #tpu.memory_space<vmem>>, %arg18: memref<1000x64xf32, #tpu.memory_space<vmem>>, %arg19: memref<1000x64xf32, #tpu.memory_space<vmem>>, %arg20: memref<1000x3xf32, #tpu.memory_space<vmem>>, %arg21: memref<1000x128xf32, #tpu.memory_space<vmem>>) attributes {dimension_semantics = [#tpu.dimension_semantics<arbitrary>], iteration_bounds = array<i64: 5>, scalar_prefetch = 0 : i64, scratch_operands = 0 : i64, tpu.core_type = #tpu.core_type<tc>, window_params = [{transform_indices = @transform_0, window_bounds = array<i64: 1000, 128>}, {transform_indices = @transform_1, window_bounds = array<i64: 1000, 3>}, {pipeline_mode = #tpu.pipeline_mode<synchronous>, transform_indices = @transform_2, window_bounds = array<i64: 128, 64>}, {pipeline_mode = #tpu.pipeline_mode<synchronous>, transform_indices = @transform_3, window_bounds = array<i64: 3, 64>}, {pipeline_mode = #tpu.pipeline_mode<synchronous>, transform_indices = @transform_4, window_bounds = array<i64: 1, 64>}, {pipeline_mode = #tpu.pipeline_mode<synchronous>, transform_indices = @transform_5, window_bounds = array<i64: 128, 64>}, {pipeline_mode = #tpu.pipeline_mode<synchronous>, transform_indices = @transform_6, window_bounds = array<i64: 3, 64>}, {pipeline_mode = #tpu.pipeline_mode<synchronous>, transform_indices = @transform_7, window_bounds = array<i64: 1, 64>}, {pipeline_mode = #tpu.pipeline_mode<synchronous>, transform_indices = @transform_8, window_bounds = array<i64: 64, 64>}, {pipeline_mode = #tpu.pipeline_mode<synchronous>, transform_indices = @transform_9, window_bounds = array<i64: 1, 64>}, {pipeline_mode = #tpu.pipeline_mode<synchronous>, transform_indices = @transform_10, window_bounds = array<i64: 1, 64>}, {pipeline_mode = #tpu.pipeline_mode<synchronous>, transform_indices = @transform_11, window_bounds = array<i64: 1, 64>}, {pipeline_mode = #tpu.pipeline_mode<synchronous>, transform_indices = @transform_12, window_bounds = array<i64: 64, 3>}, {pipeline_mode = #tpu.pipeline_mode<synchronous>, transform_indices = @transform_13, window_bounds = array<i64: 1, 3>}, {pipeline_mode = #tpu.pipeline_mode<synchronous>, transform_indices = @transform_14, window_bounds = array<i64: 64, 128>}, {pipeline_mode = #tpu.pipeline_mode<synchronous>, transform_indices = @transform_15, window_bounds = array<i64: 3, 128>}, {pipeline_mode = #tpu.pipeline_mode<synchronous>, transform_indices = @transform_16, window_bounds = array<i64: 1, 128>}, {transform_indices = @transform_17, window_bounds = array<i64: 1000, 64>}, {transform_indices = @transform_18, window_bounds = array<i64: 1000, 64>}, {transform_indices = @transform_19, window_bounds = array<i64: 1000, 3>}, {transform_indices = @transform_20, window_bounds = array<i64: 1000, 128>}]} {
    %get3A = arith.constant 0 : index
    %get3A_0 = arith.constant 0 : index
    %get3A_1 = vector.load %arg1[%get3A, %get3A_0] : memref<1000x128xf32, #tpu.memory_space<vmem>>, vector<1000x128xf32>
    %get3A_2 = arith.constant 0 : index
    %get3A_3 = arith.constant 0 : index
    %get3A_4 = vector.load %arg2[%get3A_2, %get3A_3] : memref<1000x3xf32, #tpu.memory_space<vmem>>, vector<1000x3xf32>
    %get3A_5 = arith.constant 0 : index
    %get3A_6 = arith.constant 0 : index
    %get3A_7 = vector.load %arg3[%get3A_5, %get3A_6] : memref<128x64xf32, #tpu.memory_space<vmem>>, vector<128x64xf32>
    %dot_general3A = arith.constant dense<0.000000e+00> : vector<1000x64xf32>
    %dot_general3A_8 = tpu.matmul %get3A_1, %get3A_7, %dot_general3A {dimension_numbers = #tpu.dot_dimension_numbers<[1], [0], [0], [1], [0, 0, 1, 1], [], []>, transpose_lhs_hint = false} : vector<1000x128xf32>, vector<128x64xf32>, vector<1000x64xf32> -> vector<1000x64xf32>
    %get3A_9 = arith.constant 0 : index
    %get3A_10 = arith.constant 0 : index
    %get3A_11 = vector.load %arg4[%get3A_9, %get3A_10] : memref<3x64xf32, #tpu.memory_space<vmem>>, vector<3x64xf32>
    %dot_general3A_12 = arith.constant dense<0.000000e+00> : vector<1000x64xf32>
    %dot_general3A_13 = tpu.matmul %get3A_4, %get3A_11, %dot_general3A_12 {dimension_numbers = #tpu.dot_dimension_numbers<[1], [0], [0], [1], [0, 0, 1, 1], [], []>, transpose_lhs_hint = false} : vector<1000x3xf32>, vector<3x64xf32>, vector<1000x64xf32> -> vector<1000x64xf32>
    %add3A = arith.addf %dot_general3A_8, %dot_general3A_13 : vector<1000x64xf32>
    %get3A_14 = arith.constant 0 : index
    %get3A_15 = arith.constant 0 : index
    %get3A_16 = vector.load %arg5[%get3A_14, %get3A_15] : memref<1x64xf32, #tpu.memory_space<vmem>>, vector<1x64xf32>
    %add3A_17 = vector.broadcast %get3A_16 : vector<1x64xf32> to vector<1000x64xf32>
    %add3A_18 = arith.addf %add3A, %add3A_17 : vector<1000x64xf32>
    %get3A_19 = arith.constant 0 : index
    %get3A_20 = arith.constant 0 : index
    %get3A_21 = vector.load %arg6[%get3A_19, %get3A_20] : memref<128x64xf32, #tpu.memory_space<vmem>>, vector<128x64xf32>
    %dot_general3A_22 = arith.constant dense<0.000000e+00> : vector<1000x64xf32>
    %dot_general3A_23 = tpu.matmul %get3A_1, %get3A_21, %dot_general3A_22 {dimension_numbers = #tpu.dot_dimension_numbers<[1], [0], [0], [1], [0, 0, 1, 1], [], []>, transpose_lhs_hint = false} : vector<1000x128xf32>, vector<128x64xf32>, vector<1000x64xf32> -> vector<1000x64xf32>
    %get3A_24 = arith.constant 0 : index
    %get3A_25 = arith.constant 0 : index
    %get3A_26 = vector.load %arg7[%get3A_24, %get3A_25] : memref<3x64xf32, #tpu.memory_space<vmem>>, vector<3x64xf32>
    %dot_general3A_27 = arith.constant dense<0.000000e+00> : vector<1000x64xf32>
    %dot_general3A_28 = tpu.matmul %get3A_4, %get3A_26, %dot_general3A_27 {dimension_numbers = #tpu.dot_dimension_numbers<[1], [0], [0], [1], [0, 0, 1, 1], [], []>, transpose_lhs_hint = false} : vector<1000x3xf32>, vector<3x64xf32>, vector<1000x64xf32> -> vector<1000x64xf32>
    %add3A_29 = arith.addf %dot_general3A_23, %dot_general3A_28 : vector<1000x64xf32>
    %get3A_30 = arith.constant 0 : index
    %get3A_31 = arith.constant 0 : index
    %get3A_32 = vector.load %arg8[%get3A_30, %get3A_31] : memref<1x64xf32, #tpu.memory_space<vmem>>, vector<1x64xf32>
    %add3A_33 = vector.broadcast %get3A_32 : vector<1x64xf32> to vector<1000x64xf32>
    %add3A_34 = arith.addf %add3A_29, %add3A_33 : vector<1000x64xf32>
    %get3A_35 = arith.constant 0 : index
    %get3A_36 = arith.constant 0 : index
    %get3A_37 = vector.load %arg9[%get3A_35, %get3A_36] : memref<64x64xf32, #tpu.memory_space<vmem>>, vector<64x64xf32>
    %dot_general3A_38 = arith.constant dense<0.000000e+00> : vector<1000x64xf32>
    %dot_general3A_39 = tpu.matmul %add3A_18, %get3A_37, %dot_general3A_38 {dimension_numbers = #tpu.dot_dimension_numbers<[1], [0], [0], [1], [0, 0, 1, 1], [], []>, transpose_lhs_hint = false} : vector<1000x64xf32>, vector<64x64xf32>, vector<1000x64xf32> -> vector<1000x64xf32>
    %get3A_40 = arith.constant 0 : index
    %get3A_41 = arith.constant 0 : index
    %get3A_42 = vector.load %arg10[%get3A_40, %get3A_41] : memref<1x64xf32, #tpu.memory_space<vmem>>, vector<1x64xf32>
    %add3A_43 = vector.broadcast %get3A_42 : vector<1x64xf32> to vector<1000x64xf32>
    %add3A_44 = arith.addf %dot_general3A_39, %add3A_43 : vector<1000x64xf32>
    %get3A_45 = arith.constant 0 : index
    %get3A_46 = arith.constant 0 : index
    %get3A_47 = vector.load %arg11[%get3A_45, %get3A_46] : memref<1x64xf32, #tpu.memory_space<vmem>>, vector<1x64xf32>
    %mul3A = vector.broadcast %get3A_47 : vector<1x64xf32> to vector<1000x64xf32>
    %mul3A_48 = arith.mulf %mul3A, %add3A_44 : vector<1000x64xf32>
    %get3A_49 = arith.constant 0 : index
    %get3A_50 = arith.constant 0 : index
    %get3A_51 = vector.load %arg12[%get3A_49, %get3A_50] : memref<1x64xf32, #tpu.memory_space<vmem>>, vector<1x64xf32>
    %add3A_52 = vector.broadcast %get3A_51 : vector<1x64xf32> to vector<1000x64xf32>
    %add3A_53 = arith.addf %mul3A_48, %add3A_52 : vector<1000x64xf32>
    %max3A = arith.constant 0.000000e+00 : f32
    %max3A_54 = vector.broadcast %max3A : f32 to vector<1000x64xf32>
    %max3A_55 = arith.maximumf %add3A_53, %max3A_54 : vector<1000x64xf32>
    %get3A_56 = arith.constant 0 : index
    %get3A_57 = arith.constant 0 : index
    %get3A_58 = vector.load %arg13[%get3A_56, %get3A_57] : memref<64x3xf32, #tpu.memory_space<vmem>>, vector<64x3xf32>
    %dot_general3A_59 = arith.constant dense<0.000000e+00> : vector<1000x3xf32>
    %dot_general3A_60 = tpu.matmul %max3A_55, %get3A_58, %dot_general3A_59 {dimension_numbers = #tpu.dot_dimension_numbers<[1], [0], [0], [1], [0, 0, 1, 1], [], []>, transpose_lhs_hint = false} : vector<1000x64xf32>, vector<64x3xf32>, vector<1000x3xf32> -> vector<1000x3xf32>
    %get3A_61 = arith.constant 0 : index
    %get3A_62 = arith.constant 0 : index
    %get3A_63 = vector.load %arg14[%get3A_61, %get3A_62] : memref<1x3xf32, #tpu.memory_space<vmem>>, vector<1x3xf32>
    %add3A_64 = vector.broadcast %get3A_63 : vector<1x3xf32> to vector<1000x3xf32>
    %add3A_65 = arith.addf %dot_general3A_60, %add3A_64 : vector<1000x3xf32>
    %get3A_66 = arith.constant 0 : index
    %get3A_67 = arith.constant 0 : index
    %get3A_68 = vector.load %arg15[%get3A_66, %get3A_67] : memref<64x128xf32, #tpu.memory_space<vmem>>, vector<64x128xf32>
    %dot_general3A_69 = arith.constant dense<0.000000e+00> : vector<1000x128xf32>
    %dot_general3A_70 = tpu.matmul %add3A_18, %get3A_68, %dot_general3A_69 {dimension_numbers = #tpu.dot_dimension_numbers<[1], [0], [0], [1], [0, 0, 1, 1], [], []>, transpose_lhs_hint = false} : vector<1000x64xf32>, vector<64x128xf32>, vector<1000x128xf32> -> vector<1000x128xf32>
    %get3A_71 = arith.constant 0 : index
    %get3A_72 = arith.constant 0 : index
    %get3A_73 = vector.load %arg16[%get3A_71, %get3A_72] : memref<3x128xf32, #tpu.memory_space<vmem>>, vector<3x128xf32>
    %dot_general3A_74 = arith.constant dense<0.000000e+00> : vector<1000x128xf32>
    %dot_general3A_75 = tpu.matmul %get3A_4, %get3A_73, %dot_general3A_74 {dimension_numbers = #tpu.dot_dimension_numbers<[1], [0], [0], [1], [0, 0, 1, 1], [], []>, transpose_lhs_hint = false} : vector<1000x3xf32>, vector<3x128xf32>, vector<1000x128xf32> -> vector<1000x128xf32>
    %add3A_76 = arith.addf %dot_general3A_70, %dot_general3A_75 : vector<1000x128xf32>
    %get3A_77 = arith.constant 0 : index
    %get3A_78 = arith.constant 0 : index
    %get3A_79 = vector.load %arg17[%get3A_77, %get3A_78] : memref<1x128xf32, #tpu.memory_space<vmem>>, vector<1x128xf32>
    %add3A_80 = vector.broadcast %get3A_79 : vector<1x128xf32> to vector<1000x128xf32>
    %add3A_81 = arith.addf %add3A_76, %add3A_80 : vector<1000x128xf32>
    %swap3A = arith.constant 0 : index
    %swap3A_82 = arith.constant 0 : index
    %swap3A_83 = vector.load %arg18[%swap3A, %swap3A_82] : memref<1000x64xf32, #tpu.memory_space<vmem>>, vector<1000x64xf32>
    tpu.vector_store %arg18[%swap3A, %swap3A_82], %add3A_18 {strides = array<i32>} : memref<1000x64xf32, #tpu.memory_space<vmem>>, vector<1000x64xf32>,
    %swap3A_84 = arith.constant 0 : index
    %swap3A_85 = arith.constant 0 : index
    %swap3A_86 = vector.load %arg19[%swap3A_84, %swap3A_85] : memref<1000x64xf32, #tpu.memory_space<vmem>>, vector<1000x64xf32>
    tpu.vector_store %arg19[%swap3A_84, %swap3A_85], %add3A_34 {strides = array<i32>} : memref<1000x64xf32, #tpu.memory_space<vmem>>, vector<1000x64xf32>,
    %swap3A_87 = arith.constant 0 : index
    %swap3A_88 = arith.constant 0 : index
    %swap3A_89 = vector.load %arg20[%swap3A_87, %swap3A_88] : memref<1000x3xf32, #tpu.memory_space<vmem>>, vector<1000x3xf32>
    tpu.vector_store %arg20[%swap3A_87, %swap3A_88], %add3A_65 {strides = array<i32>} : memref<1000x3xf32, #tpu.memory_space<vmem>>, vector<1000x3xf32>,
    %swap3A_90 = arith.constant 0 : index
    %swap3A_91 = arith.constant 0 : index
    %swap3A_92 = vector.load %arg21[%swap3A_90, %swap3A_91] : memref<1000x128xf32, #tpu.memory_space<vmem>>, vector<1000x128xf32>
    tpu.vector_store %arg21[%swap3A_90, %swap3A_91], %add3A_81 {strides = array<i32>} : memref<1000x128xf32, #tpu.memory_space<vmem>>, vector<1000x128xf32>,
    return
  }
  func.func @transform_0(%arg0: i32) -> (i32, i32) {
    %add3A = arith.constant 5 : i32
    %add3A_0 = arith.addi %arg0, %add3A : i32
    %c0_i32 = arith.constant 0 : i32
    %c0_i32_1 = arith.constant 0 : i32
    return %add3A_0, %c0_i32 : i32, i32
  }
  func.func @transform_1(%arg0: i32) -> (i32, i32) {
    %c0_i32 = arith.constant 0 : i32
    %c0_i32_0 = arith.constant 0 : i32
    return %arg0, %c0_i32 : i32, i32
  }
  func.func @transform_2(%arg0: i32) -> (i32, i32) {
    %c0_i32 = arith.constant 0 : i32
    %c0_i32_0 = arith.constant 0 : i32
    %c0_i32_1 = arith.constant 0 : i32
    return %c0_i32, %c0_i32_0 : i32, i32
  }
  func.func @transform_3(%arg0: i32) -> (i32, i32) {
    %c0_i32 = arith.constant 0 : i32
    %c0_i32_0 = arith.constant 0 : i32
    %c0_i32_1 = arith.constant 0 : i32
    return %c0_i32, %c0_i32_0 : i32, i32
  }
  func.func @transform_4(%arg0: i32) -> (i32, i32) {
    %c0_i32 = arith.constant 0 : i32
    %c0_i32_0 = arith.constant 0 : i32
    %c0_i32_1 = arith.constant 0 : i32
    return %c0_i32, %c0_i32_0 : i32, i32
  }
  func.func @transform_5(%arg0: i32) -> (i32, i32) {
    %c0_i32 = arith.constant 0 : i32
    %c0_i32_0 = arith.constant 0 : i32
    %c0_i32_1 = arith.constant 0 : i32
    return %c0_i32, %c0_i32_0 : i32, i32
  }
  func.func @transform_6(%arg0: i32) -> (i32, i32) {
    %c0_i32 = arith.constant 0 : i32
    %c0_i32_0 = arith.constant 0 : i32
    %c0_i32_1 = arith.constant 0 : i32
    return %c0_i32, %c0_i32_0 : i32, i32
  }
  func.func @transform_7(%arg0: i32) -> (i32, i32) {
    %c0_i32 = arith.constant 0 : i32
    %c0_i32_0 = arith.constant 0 : i32
    %c0_i32_1 = arith.constant 0 : i32
    return %c0_i32, %c0_i32_0 : i32, i32
  }
  func.func @transform_8(%arg0: i32) -> (i32, i32) {
    %c0_i32 = arith.constant 0 : i32
    %c0_i32_0 = arith.constant 0 : i32
    %c0_i32_1 = arith.constant 0 : i32
    return %c0_i32, %c0_i32_0 : i32, i32
  }
  func.func @transform_9(%arg0: i32) -> (i32, i32) {
    %c0_i32 = arith.constant 0 : i32
    %c0_i32_0 = arith.constant 0 : i32
    %c0_i32_1 = arith.constant 0 : i32
    return %c0_i32, %c0_i32_0 : i32, i32
  }
  func.func @transform_10(%arg0: i32) -> (i32, i32) {
    %c0_i32 = arith.constant 0 : i32
    %c0_i32_0 = arith.constant 0 : i32
    %c0_i32_1 = arith.constant 0 : i32
    return %c0_i32, %c0_i32_0 : i32, i32
  }
  func.func @transform_11(%arg0: i32) -> (i32, i32) {
    %c0_i32 = arith.constant 0 : i32
    %c0_i32_0 = arith.constant 0 : i32
    %c0_i32_1 = arith.constant 0 : i32
    return %c0_i32, %c0_i32_0 : i32, i32
  }
  func.func @transform_12(%arg0: i32) -> (i32, i32) {
    %c0_i32 = arith.constant 0 : i32
    %c0_i32_0 = arith.constant 0 : i32
    %c0_i32_1 = arith.constant 0 : i32
    return %c0_i32, %c0_i32_0 : i32, i32
  }
  func.func @transform_13(%arg0: i32) -> (i32, i32) {
    %c0_i32 = arith.constant 0 : i32
    %c0_i32_0 = arith.constant 0 : i32
    %c0_i32_1 = arith.constant 0 : i32
    return %c0_i32, %c0_i32_0 : i32, i32
  }
  func.func @transform_14(%arg0: i32) -> (i32, i32) {
    %c0_i32 = arith.constant 0 : i32
    %c0_i32_0 = arith.constant 0 : i32
    %c0_i32_1 = arith.constant 0 : i32
    return %c0_i32, %c0_i32_0 : i32, i32
  }
  func.func @transform_15(%arg0: i32) -> (i32, i32) {
    %c0_i32 = arith.constant 0 : i32
    %c0_i32_0 = arith.constant 0 : i32
    %c0_i32_1 = arith.constant 0 : i32
    return %c0_i32, %c0_i32_0 : i32, i32
  }
  func.func @transform_16(%arg0: i32) -> (i32, i32) {
    %c0_i32 = arith.constant 0 : i32
    %c0_i32_0 = arith.constant 0 : i32
    %c0_i32_1 = arith.constant 0 : i32
    return %c0_i32, %c0_i32_0 : i32, i32
  }
  func.func @transform_17(%arg0: i32) -> (i32, i32) {
    %c0_i32 = arith.constant 0 : i32
    %c0_i32_0 = arith.constant 0 : i32
    return %arg0, %c0_i32 : i32, i32
  }
  func.func @transform_18(%arg0: i32) -> (i32, i32) {
    %c0_i32 = arith.constant 0 : i32
    %c0_i32_0 = arith.constant 0 : i32
    return %arg0, %c0_i32 : i32, i32
  }
  func.func @transform_19(%arg0: i32) -> (i32, i32) {
    %c0_i32 = arith.constant 0 : i32
    %c0_i32_0 = arith.constant 0 : i32
    return %arg0, %c0_i32 : i32, i32
  }
  func.func @transform_20(%arg0: i32) -> (i32, i32) {
    %c0_i32 = arith.constant 0 : i32
    %c0_i32_0 = arith.constant 0 : i32
    return %arg0, %c0_i32 : i32, i32
  }
}

</mosaic_0001>

<sc_bundles>
// kernel: kernel.12.cloned.1.call-start
scs
__scs_entry_jumppad:
0x0: {  	(pc) =	sbr.rel $0x88, $3  }
0x1: {  	(tag) =	ssettag $0x0;
	lr =	simm.s32 $0x1  }
0x2: {  	[smem:$0x3F8A] =	sst lr;
	_ =	strace $0xD0000000  }
0x3: {  	_ = 	snop  }
0x4: {  	_ = 	snop  }
0x5: {  	_ = 	snop  }
0x6: {  	_ = 	snop  }
0x7: {  	_ = 	snop  }
__scs_overlays_trampoline_lowered:
0x8: {  	[smem:$0x3F99] =	sst s0  }
0x9: {  	[smem:$0x3F9A] =	sst s1  }
0xa: {  	[smem:$0x3F9B] =	sst s2  }
0xb: {  	[smem:$0x3F9C] =	sst s3  }
0xc: {  	[smem:$0x3F9D] =	sst s4  }
0xd: {  	[smem:$0x3F9E] =	sst s5  }
0xe: {  	[smem:$0x3F9F] =	sst s6  }
0xf: {  	[smem:$0x3FA0] =	sst s7  }
0x10: {  	[smem:$0x3FA1] =	sst s8  }
0x11: {  	[smem:$0x3FA2] =	sst s9;
	s0 =	simm.s32 @!p0 $0x0  }
0x12: {  	s1 =	sld [smem:$0x3F88];
	s0 =	simm.s32 @p0 $0x1  }
0x13: {  	[smem:$0x3FA3] =	sst s0;
	s0 =	simm.s32 @!p1 $0x0  }
0x14: {  	s2 =	sld [smem:$0x3F87];
	s0 =	simm.s32 @p1 $0x1  }
0x15: {  	[smem:$0x3FA4] =	sst s0;
	s0 =	simm.s32 @!p2 $0x0  }
0x16: {  	s3 =	sld [smem:$0x3FDB];
	s0 =	simm.s32 @p2 $0x1  }
0x17: {  	s4 =	simm.s32 $0x1BF5;
	[smem:$0x3FA6] =	sst s0  }
0x18: {  	s0 =	sld [smem:$0x3F89];
	_ =	swait.ge [sflag:s4], $0x0  }
0x19: {  	s7 =	sld [smem:$0x3F8A]  }
0x1a: {  	s8 =	sadd.s32 $0xFFFFE003, lr  }
0x1b: {  	s9 =	sadd.s32 $0xFFFFFEF7, lr;
	s5 =	simm.s32 $0xFFFFFFFF;
	p2 =	slt.u32 s8, $0xFFFFF086  }
0x1c: {  	p1 =	slt.u32 s9, $0xF7A;
	s5 =	simm.s32 @!p2 $0x0  }
0x1d: {  	s5 =	simm.s32 @p1 $0x1;
	p0 =	seq.s32 s7, s2  }
0x1e: {  	s7 =	smul.u32 @!p0 $0xF7A, s2;
	p2 =	seq.s32 @!p0 s5, $0x0  }
0x1f: {  	s9 =	smul.u32 $0xF7A, s1;
	s8 =	simm.s32 @!p0 $0x1BF5;
	p2 =	por !p2, p0  }
0x20: {  	[sflag:s8] =	ssyncset.s32 @!p0 $0xFFFFF086;
	s6 =	sadd.s32 @!p0 s3, s7;
	s7 =	simm.s32 @!p0 $0x108  }
0x21: {  	s3 =	sadd.s32 s3, s9;
	s6 =	sadd.s32 @!p0 $0x88, s6;
	s7 =	simm.s32 @p2 $0x1082  }
0x22: {  	[simem:s7], [sflag:s8] =	dma.local @!p0 [hbm:s6], $0xF7A  }
0x23: {  	s9 =	sor.u32 $0xD0000000, s2;
	s6 =	simm.s32 $0x108;
	_ =	swait.ge @!p0 [sflag:s8], $0x0  }
0x24: {  	s3 =	sadd.s32 $0x88, s3;
	s6 =	simm.s32 @!p1 $0x1082;
	[sflag:s4] =	ssyncset.s32 $0xFFFFF086  }
0x25: {  	[simem:s6], [sflag:s4] =	dma.local [hbm:s3], $0xF7A  }
0x26: {  	[smem:$0x3F8A] =	sst s1;
	(tag) =	ssettag s2;
	_ =	strace s9  }
0x27: {  	s1 =	sld [smem:$0x3F9A]  }
0x28: {  	s2 =	sld [smem:$0x3F9B]  }
0x29: {  	s4 =	sld [smem:$0x3F9D]  }
0x2a: {  	p0 =	seq.s32 s5, $0x0;
	s5 =	sld [smem:$0x3F9E]  }
0x2b: {  	s6 =	sld [smem:$0x3F9F]  }
0x2c: {  	s7 =	sld [smem:$0x3FA0]  }
0x2d: {  	s3 =	simm.s32 $0x108;
	s8 =	sld [smem:$0x3FA1]  }
0x2e: {  	s3 =	simm.s32 @!p0 $0x1082;
	s9 =	sld [smem:$0x3FA2]  }
0x2f: {  	lr =	sadd.s32 s0, s3;
	s0 =	sld [smem:$0x3F99]  }
0x30: {  	s3 =	sld [smem:$0x3F9C]  }
0x31: {  	[smem:$0x3FA5] =	sst s10  }
0x32: {  	s10 =	sld [smem:$0x3FA3];
	_ =	sdelay $0x3  }
0x33: {  	p0 =	seq.s32 s10, $0x1;
	s10 =	sld [smem:$0x3FA5];
	_ =	sdelay $0x3  }
0x34: {  	[smem:$0x3FA5] =	sst s10  }
0x35: {  	s10 =	sld [smem:$0x3FA4];
	_ =	sdelay $0x3  }
0x36: {  	p1 =	seq.s32 s10, $0x1;
	s10 =	sld [smem:$0x3FA5];
	_ =	sdelay $0x3  }
0x37: {  	[smem:$0x3FA5] =	sst s10  }
0x38: {  	s10 =	sld [smem:$0x3FA6]  }
0x39: {  	_ = 	snop;
	(pc) =	sbr.ind lr, $3  }
0x3a: {  	_ = 	snop  }
0x3b: {  	_ = 	snop  }
0x3c: {  	p2 =	seq.s32 s10, $0x1;
	s10 =	sld [smem:$0x3FA5]  }
0x3d: {  	_ =	shalt  }
0x3e: {  	_ =	shalt  }
0x3f: {  	_ =	shalt  }
0x40: {  	_ =	shalt  }
0x41: {  	_ =	shalt  }
0x42: {  	_ =	shalt  }
0x43: {  	_ =	shalt  }
0x44: {  	_ =	shalt  }
0x45: {  	_ =	shalt  }
0x46: {  	_ =	shalt  }
0x47: {  	_ =	shalt  }
0x48: {  	_ =	shalt  }
0x49: {  	_ =	shalt  }
0x4a: {  	_ =	shalt  }
0x4b: {  	_ =	shalt  }
0x4c: {  	_ =	shalt  }
0x4d: {  	_ =	shalt  }
0x4e: {  	_ =	shalt  }
0x4f: {  	_ =	shalt  }
0x50: {  	_ =	shalt  }
0x51: {  	_ =	shalt  }
0x52: {  	_ =	shalt  }
0x53: {  	_ =	shalt  }
0x54: {  	_ =	shalt  }
0x55: {  	_ =	shalt  }
0x56: {  	_ =	shalt  }
0x57: {  	_ =	shalt  }
0x58: {  	_ =	shalt  }
0x59: {  	_ =	shalt  }
0x5a: {  	_ =	shalt  }
0x5b: {  	_ =	shalt  }
0x5c: {  	_ =	shalt  }
0x5d: {  	_ =	shalt  }
0x5e: {  	_ =	shalt  }
0x5f: {  	_ =	shalt  }
0x60: {  	_ =	shalt  }
0x61: {  	_ =	shalt  }
0x62: {  	_ =	shalt  }
0x63: {  	_ =	shalt  }
0x64: {  	_ =	shalt  }
0x65: {  	_ =	shalt  }
0x66: {  	_ =	shalt  }
0x67: {  	_ =	shalt  }
0x68: {  	_ =	shalt  }
0x69: {  	_ =	shalt  }
0x6a: {  	_ =	shalt  }
0x6b: {  	_ =	shalt  }
0x6c: {  	_ =	shalt  }
0x6d: {  	_ =	shalt  }
0x6e: {  	_ =	shalt  }
0x6f: {  	_ =	shalt  }
0x70: {  	_ =	shalt  }
0x71: {  	_ =	shalt  }
0x72: {  	_ =	shalt  }
0x73: {  	_ =	shalt  }
0x74: {  	_ =	shalt  }
0x75: {  	_ =	shalt  }
0x76: {  	_ =	shalt  }
0x77: {  	_ =	shalt  }
0x78: {  	_ =	shalt  }
0x79: {  	_ =	shalt  }
0x7a: {  	_ =	shalt  }
0x7b: {  	_ =	shalt  }
0x7c: {  	_ =	shalt  }
0x7d: {  	_ =	shalt  }
0x7e: {  	_ =	shalt  }
0x7f: {  	_ =	shalt  }
0x80: {  	_ =	shalt  }
0x81: {  	_ =	shalt  }
0x82: {  	_ =	shalt  }
0x83: {  	_ =	shalt  }
0x84: {  	_ =	shalt  }
0x85: {  	_ =	shalt  }
0x86: {  	_ =	shalt  }
0x87: {  	_ =	shalt  }
.Lfunc_end0:
.L_simem_size_0:
called_computation_lowered:
.L_overlay_start_0:
0x88: {  	s2 =	sld [smem:$0x3FD9]  }
0x89: {  	s3 =	sld [smem:$0x3FFE];
	_ =	sdelay $0x1  }
0x8a: {  	s1 =	srdreg.scid  }
0x8b: {  	s0 =	sand.u32 $0x1, s1  }
0x8c: {  	s14 =	sshll.u32 s0, $0xA;
	s2 =	sadd.s32 s3, s2  }
0x8d: {  	s2 =	sadd.s32 s2, s14  }
0x8e: {  	[smem:$0x3FB1] =	sst s2  }
0x8f: {  	_ = 	snop  }
0x90: {  	s2 =	sld [smem:$0x3FD0]  }
0x91: {  	s15 =	sld [smem:$0x3FC8]  }
0x92: {  	s4 =	sld [smem:$0x3FC7]  }
0x93: {  	s6 =	simm.s32 $0xA;
	s7 =	simm.s32 $0x10;
	s5 =	sld [smem:$0x3FC4]  }
0x94: {  	[smem:s7], [sflag:s6] =	dma.local [hbm:s2], $0x1  }
0x95: {  	_ =	swait.eq [sflag:s6], $0x1  }
0x96: {  	[sflag:s6] =	ssyncset.done $0x0  }
0x97: {  	s16 =	sld [smem:$0x13];
	[sflag:s6] =	ssyncadd.s32 $0xFFFFFFFF  }
0x98: {  	s17 =	sld [smem:$0x16];
	(tm) =	ssettm $0x1  }
0x99: {  	s18 =	sld [smem:$0x3FFB];
	_ =	sdelay $0x3  }
0x9a: {  	_ =	strace s18  }
0x9b: {  	s7 =	sld [smem:$0x3FFC];
	_ =	sdelay $0x3  }
0x9c: {  	_ =	strace s7  }
0x9d: {  	s7 =	sld [smem:$0x3FFD];
	_ =	sdelay $0x3  }
0x9e: {  	_ =	strace s7  }
0x9f: {  	_ =	strace $0x8FFFFFFF  }
0xa0: {  	s19 =	sld [smem:$0x3FDB];
	_ =	sdelay $0x1  }
0xa1: {  	s8 =	simm.s32 $_scs_section_size  }
0xa2: {  	s9 =	simm.s32 $_size__tile_overlayer_lowered;
	s10 =	simm.s32 $_tile_overlayer_lowered  }
0xa3: {  	s22 =	simm.s32 $0x1BFF;
	s21 =	sshll.u32 s10, $0x1;
	s7 =	sadd.s32 s8, s19  }
0xa4: {  	s11 =	simm.s32 $0x0;
	s20 =	sshll.u32 s9, $0x1;
	s9 =	sadd.s32 s21, s7  }
0xa5: {  	[timem:s11], [sflag:s22] =	dma.local [hbm:s9], s20  }
0xa6: {  	_ =	swait.ge [sflag:s22], s20  }
0xa7: {  	s8 =	ssub.s32 $0x0, s20;
	[sflag:s22] =	ssyncset.done $0x0  }
0xa8: {  	[sflag:s22] =	ssyncadd.s32 s8;
	_ =	sdelay $0x1  }
0xa9: {  	s23 =	simm.s32 $0x1B8B  }
0xaa: {  	_ =	swait.ge [sflag:s23], $0x1  }
0xab: {  	[sflag:s23] =	ssyncset.done $0x0  }
0xac: {  	s25 =	simm.s32 $0x1B8E;
	s24 =	sld [smem:$0x3FFE];
	[sflag:s23] =	ssyncadd.s32 $0xFFFFFFFF  }
0xad: {  	s26 =	simm.s32 $execute0_lowered;
	[smem:$0x3FD2] =	sst s25  }
0xae: {  	s9 =	sshll.u32 s26, $0x1;
	_ =	strace $0x80000046;
	[dreg:$0x1] =	wrdreg $0xFFFFFFFF  }
0xaf: {  	s28 =	simm.s32 $_size_execute0_lowered;
	s7 =	sadd.s32 s7, s9;
	[dreg:$0x0] =	wrdreg $0x0  }
0xb0: {  	s9 =	sshll.u32 s28, $0x1;
	[dreg:$0x2] =	wrdreg s7  }
0xb1: {  	[dreg:$0x3] =	wrdreg s9  }
0xb2: {  	[dreg:$0x4] =	wrdreg $0xC0  }
0xb3: {  	_ =	task [dreg:s11], $0x5FFFF  }
0xb4: {  	[dreg:$0x1] =	wrdreg $0xFFFFFFFF  }
0xb5: {  	[dreg:$0x0] =	wrdreg $0x60  }
0xb6: {  	[dreg:$0x2] =	wrdreg s17  }
0xb7: {  	[dreg:$0x3] =	wrdreg s15  }
0xb8: {  	[dreg:$0x4] =	wrdreg s4  }
0xb9: {  	[dreg:$0x5] =	wrdreg s5  }
0xba: {  	[dreg:$0x6] =	wrdreg s16  }
0xbb: {  	[dreg:$0x7] =	wrdreg s24  }
0xbc: {  	[dreg:$0x8] =	wrdreg $0x11C000  }
0xbd: {  	[dreg:$0x9] =	wrdreg $0x9  }
0xbe: {  	_ =	task.clear_ibuf [dreg:s11], $0xAFFFF;
	_ =	strace $0x90000046  }
0xbf: {  	s29 =	simm.s32 $0x9;
	_ =	strace $0x80000048  }
0xc0: {  	_ =	swait.ge [sflag:s29], $0x1  }
0xc1: {  	[sflag:s29] =	ssyncadd.s32 $0xFFFFFFFF  }
0xc2: {  	_ =	strace $0x90000048  }
0xc3: {  	_ =	sfence  }
0xc4: {  	s30 =	sld [smem:$0x0];
	_ =	sdelay $0x2  }
0xc5: {  	s31 =	sshll.u32 s1, $0xD;
	s1 =	sshrl.u32 s1, $0x2  }
0xc6: {  	s3 =	sand.u32 $0x4000, s31;
	s1 =	sadd.s32 s1, s30  }
0xc7: {  	s0 =	sor.u32 s3, s0;
	s1 =	sshll.u32 s1, $0x11  }
0xc8: {  	s0 =	sor.u32 s1, s0  }
0xc9: {  	s0 =	sadd.s32 $0x8F2B, s0  }
0xca: {  	[sflag:s0] =	ssyncadd.remote.s32 $0x1  }
0xcb: {  	_ =	sfence.sel $0xFFFF  }
0xcc: {  	[dreg:$0x0] =	wrdreg $0xFFFFFFFF;
	(pc) =	sbr.abs _section_cstart, $3  }
0xcd: {  	[dreg:$0x1] =	wrdreg $0xFFFFFFFF  }
0xce: {  	_ =	task.clear_ibuf [dreg:s11], $0x2FFFF;
	_ =	strace $0x9FFFFFFF  }
0xcf: {  	(tm) =	ssettm $0x7FFFFFFF  }
tec
execute0_lowered:
.L_overlay_start_1:
0x0: {  	(tag) =	ssettag $0x1  }
0x1: {  	s0 =	rddreg [dreg:$0x0]  }
0x2: {  	s1 =	rddreg [dreg:$0x1]  }
0x3: {  	s2 =	rddreg [dreg:$0x2]  }
0x4: {  	s4 =	rddreg [dreg:$0x3]  }
0x5: {  	s12 =	rddreg [dreg:$0x4]  }
0x6: {  	s10 =	rddreg [dreg:$0x5]  }
0x7: {  	s6 =	rddreg [dreg:$0x6]  }
0x8: {  	s3 =	srdreg.scid;
	s5 =	rddreg [dreg:$0x7];
	s7 =	simm.s32 $0x0  }
0x9: {  	s19 =	simm.s32 $0x200;
	s20 =	simm.s32 $0x190;
	s8 =	sand.u32 $0x1, s3  }
0xa: {  	s21 =	simm.s32 $0x400;
	s3 =	stileid.u32;
	s9 =	smul.u32 $0x50000, s8  }
0xb: {  	s22 =	simm.s32 $0x1;
	s24 =	simm.s32 $0xA0;
	s11 =	smul.u32 $0x5000, s3  }
0xc: {  	s25 =	simm.s32 $0x0;
	[smem:$0x7FF] =	sst s7;
	s13 =	sadd.s32 $0x2F600, s10  }
0xd: {  	s26 =	smul.u32 $0x14000, s3;
	s28 =	sshll.u32 s3, $0x1;
	s9 =	sadd.s32 s11, s9  }
0xe: {  	s29 =	ssub.s32 $0x2, s8;
	s23 =	smul.u32 $0x9C4, s8;
	s9 =	sshrl.u32 s9, $0x3  }
0xf: {  	s30 =	sshrl.u32 s29, $0x1;
	s15 =	sadd.s32 s9, s10;
	s10 =	sor.u32 s8, s28  }
0x10: {  	_ =	strace $0x80000047;
	s16 =	ssub.s32 s29, s30;
	s14 =	smul.u32 $0x140, s10  }
0x11: {  	v0 =	vmov s23;
	s23 =	simm.s32 $0x16C00;
	s9 =	sshrl.u32 s26, $0x2;
	s17 =	smul.u32 $0x1400, s10  }
0x12: {  	s16 =	smax.u32 s16, $0x1;
	s8 =	sadd.s32 s9, s6;
	s9 =	smul.u32 $0x4E20, s3  }
0x13: {  	s31 =	sshrl.u32 s14, $0x3;
	s14 =	sadd.s32 $0xA0, s14;
	s11 =	sadd.s32 s13, s17  }
0x14: {  	s17 =	simm.s32 $0xCC00;
	s18 =	sshrl.u32 s14, $0x3;
	s14 =	sshll.u32 s14, $0x4  }
0x15: {  	s10 =	sadd.s32 s12, s31;
	s12 =	sadd.s32 s12, s18;
	s13 =	sadd.s32 s13, s14  }
0x16: {  	v1 =	vimm.f32 $0.0e+00;
	v2 =	vimm.f32 $1.000000000e+00;
	s14 =	sadd.s32 $0x7600, s15;
	s15 =	sadd.s32 $0x1B600, s15;
	s18 =	simm.s32 $0x2  }
.LBB2_1:
0x17: {  	s26 =	simm.s32 $0x0;
	s28 =	simm.s32 $0x200  }
.LBB2_2:
0x18: {  	p0 =	sne.s32 s28, $0x13E00;
	[tilespmem:s26+$0xCC70] =	vst v1  }
0x19: {  	[tilespmem:s26+$0xCC00] =	vst v1  }
0x1a: {  	[tilespmem:s26+$0xCC10] =	vst v1  }
.Ltmp0:
0x1b: {  	[tilespmem:s26+$0xCC20] =	vst v1;
	(pc) =	sbr.rel @p0 .LBB2_2-.Ltmp0, $4  }
0x1c: {  	[tilespmem:s26+$0xCC30] =	vst v1  }
0x1d: {  	[tilespmem:s26+$0xCC40] =	vst v1  }
0x1e: {  	[tilespmem:s26+$0xCC50] =	vst v1  }
0x1f: {  	[tilespmem:s26+$0xCC60] =	vst v1;
	s26 =	sshra.s32 s28, $0x2;
	s28 =	sadd.s32 $0x200, s28  }
0x20: {  	[tilespmem:s26+$0xCC70] =	vst v1  }
0x21: {  	[tilespmem:s26+$0xCC00] =	vst v1  }
0x22: {  	[tilespmem:s26+$0xCC10] =	vst v1  }
0x23: {  	[tilespmem:s26+$0xCC20] =	vst v1  }
0x24: {  	[tilespmem:s26+$0xCC30] =	vst v1  }
0x25: {  	[tilespmem:s26+$0xCC40] =	vst v1  }
0x26: {  	[tilespmem:s26+$0xCC50] =	vst v1  }
0x27: {  	[tilespmem:s26+$0xCC60] =	vst v1  }
0x28: {  	[spmem:s8] =	stream.linear.scatter [tilespmem:s17], [sflag:$0x2], $0x5000, $0x38;
	[tilespmem:$0x16D00] =	vst v63  }
0x29: {  	_ =	swait.ge [sflag:s18], $0x5000  }
0x2a: {  	[sflag:s18] =	ssyncset.done $0x0  }
0x2b: {  	[sflag:s18] =	ssyncadd.s32 $0xFFFFB000  }
0x2c: {  	s26 =	simm.s32 $0x0;
	s28 =	simm.s32 $0x0;
	[bflag:$0x0] =	sbarrier.arrive $0xFFFF  }
.LBB2_4:
0x2d: {  	s29 =	smul.u32 $0x190, s28;
	_ =	sdelay $0x1  }
0x2e: {  	s29 =	sadd.s32 s9, s29  }
0x2f: {  	s29 =	sshrl.u32 s29, $0x3  }
0x30: {  	s30 =	sadd.s32 s1, s29  }
0x31: {  	[tilespmem:s26], [sflag:$0x2] =	stream.linear.gather [hbm4b:s30+s26], $0x190, $0x38;
	[tilespmem:$0x16D00] =	vst v63  }
0x32: {  	_ =	swait.ge [sflag:s18], $0x190  }
0x33: {  	[sflag:s18] =	ssyncset.done $0x0  }
0x34: {  	s29 =	sadd.s32 s2, s29;
	[sflag:s18] =	ssyncadd.s32 $0xFFFFFE70  }
0x35: {  	[tilespmem:s19], [sflag:$0x2] =	stream.linear.gather [hbm4b:s29+s26], $0x190, $0x38;
	[tilespmem:$0x16D00] =	vst v63  }
0x36: {  	_ =	swait.ge [sflag:s18], $0x190  }
0x37: {  	[sflag:s18] =	ssyncset.done $0x0  }
0x38: {  	s30 =	simm.s32 $0x40;
	s29 =	simm.s32 $0x0;
	[sflag:s18] =	ssyncadd.s32 $0xFFFFFE70  }
.LBB2_5:
0x39: {  	p0 =	sne.s32 s30, $0x600;
	v3 =	vld [tilespmem:s29+$0x200];
	_ =	sdelay $0x3  }
.Ltmp1:
0x3a: {  	(pc) =	sbr.rel @p0 .LBB2_5-.Ltmp1, $4  }
0x3b: {  	v3 =	vsub.s32 v3, v0  }
0x3c: {  	vm0 =	vlt.u32 v3, $0x9C4  }
0x3d: {  	v3 =	vnsel vm0, $0x9FF, v3  }
0x3e: {  	[tilespmem:s29+$0x200] =	vst v3;
	s29 =	sshra.s32 s30, $0x2;
	s30 =	sadd.s32 $0x40, s30  }
0x3f: {  	v3 =	vld [tilespmem:s29+$0x200];
	_ =	sdelay $0x4  }
0x40: {  	v3 =	vsub.s32 v3, v0  }
0x41: {  	vm0 =	vlt.u32 v3, $0x9C4  }
0x42: {  	v3 =	vnsel vm0, $0x9FF, v3  }
0x43: {  	[tilespmem:s29+$0x200] =	vst v3  }
0x44: {  	[tilespmem:s21], [sflag:$0x1] =	stream.indirect.gather [hbm4b:s0+s20], $0x80, s7, s20, $0xb8;
	[tilespmem:$0x16D00] =	vst v63  }
0x45: {  	s28 =	sadd.s32 $0x1, s28;
	_ =	swait.ge [sflag:s22], $0xC800  }
0x46: {  	p0 =	sne.s32 s28, $0x32;
	[sflag:s22] =	ssyncset.done $0x0  }
.Ltmp2:
0x47: {  	[sflag:s22] =	ssyncadd.s32 $0xFFFF3800;
	(pc) =	sbr.rel @p0 .LBB2_4-.Ltmp2, $4  }
0x48: {  	[spmem:s6] =	stream.indirect.scatter.add.f32 [tilespmem:s21], [sflag:$0x2], $0x80, s19, s20, $0xb8;
	[tilespmem:$0x16D00] =	vst v63  }
0x49: {  	_ =	swait.ge [sflag:s18], $0xC800  }
0x4a: {  	[sflag:s18] =	ssyncset.done $0x0  }
0x4b: {  	[sflag:s18] =	ssyncadd.s32 $0xFFFF3800  }
0x4c: {  	s26 =	simm.s32 $0x0  }
0x4d: {  	[tilespmem:s23], [sflag:$0x2] =	stream.linear.gather [hbm4b:s10+s26], $0xA0, $0x38;
	[tilespmem:$0x16D00] =	vst v63  }
0x4e: {  	_ =	swait.ge [sflag:s18], $0xA0  }
0x4f: {  	[sflag:s18] =	ssyncset.done $0x0  }
0x50: {  	[sflag:s18] =	ssyncadd.s32 $0xFFFFFF60  }
0x51: {  	[tilespmem:s17], [sflag:$0x1] =	stream.indirect.gather [hbm4b:s4+s24], $0x80, s23, s24, $0xb8;
	[tilespmem:$0x16D00] =	vst v63  }
0x52: {  	_ =	swait.ge [sflag:s22], $0x5000  }
0x53: {  	[sflag:s22] =	ssyncset.done $0x0  }
0x54: {  	[sflag:s22] =	ssyncadd.s32 $0xFFFFB000  }
0x55: {  	[hbm4b:s11+s26] =	stream.linear.scatter [tilespmem:s17], [sflag:$0x2], $0x5000, $0x38;
	[tilespmem:$0x16D00] =	vst v63  }
0x56: {  	_ =	swait.ge [sflag:s18], $0x5000  }
0x57: {  	[sflag:s18] =	ssyncset.done $0x0  }
0x58: {  	[sflag:s18] =	ssyncadd.s32 $0xFFFFB000  }
0x59: {  	[tilespmem:s23], [sflag:$0x2] =	stream.linear.gather [hbm4b:s12+s26], $0xA0, $0x38;
	[tilespmem:$0x16D00] =	vst v63  }
0x5a: {  	_ =	swait.ge [sflag:s18], $0xA0  }
0x5b: {  	[sflag:s18] =	ssyncset.done $0x0  }
0x5c: {  	[sflag:s18] =	ssyncadd.s32 $0xFFFFFF60  }
0x5d: {  	[tilespmem:s17], [sflag:$0x1] =	stream.indirect.gather [hbm4b:s4+s24], $0x80, s23, s24, $0xb8;
	[tilespmem:$0x16D00] =	vst v63  }
0x5e: {  	_ =	swait.ge [sflag:s22], $0x5000  }
0x5f: {  	[sflag:s22] =	ssyncset.done $0x0  }
0x60: {  	[sflag:s22] =	ssyncadd.s32 $0xFFFFB000  }
0x61: {  	[hbm4b:s13+s26] =	stream.linear.scatter [tilespmem:s17], [sflag:$0x2], $0x5000, $0x38;
	[tilespmem:$0x16D00] =	vst v63  }
0x62: {  	_ =	swait.ge [sflag:s18], $0x5000  }
0x63: {  	[sflag:s18] =	ssyncset.done $0x0  }
0x64: {  	[sflag:s18] =	ssyncadd.s32 $0xFFFFB000  }
0x65: {  	[bflag:$0x0] =	sbarrier.arrive $0xFFFF  }
0x66: {  	[tilespmem:s17], [sflag:$0x2] =	stream.linear.gather [spmem:s8], $0x5000, $0x38;
	[tilespmem:$0x16D00] =	vst v63  }
0x67: {  	_ =	swait.ge [sflag:s18], $0x5000  }
0x68: {  	[sflag:s18] =	ssyncset.done $0x0  }
0x69: {  	[sflag:s18] =	ssyncadd.s32 $0xFFFFB000  }
0x6a: {  	[hbm4b:s14+s26] =	stream.linear.scatter [tilespmem:s17], [sflag:$0x2], $0x5000, $0x38;
	[tilespmem:$0x16D00] =	vst v63  }
0x6b: {  	_ =	swait.ge [sflag:s18], $0x5000  }
0x6c: {  	[sflag:s18] =	ssyncset.done $0x0  }
0x6d: {  	[sflag:s18] =	ssyncadd.s32 $0xFFFFB000  }
0x6e: {  	s28 =	simm.s32 $0x200;
	s26 =	simm.s32 $0x0;
	[bflag:$0x0] =	sbarrier.arrive $0xFFFF  }
.LBB2_8:
0x6f: {  	p0 =	sne.s32 s28, $0x13E00;
	[tilespmem:s26+$0xCC70] =	vst v1  }
0x70: {  	[tilespmem:s26+$0xCC00] =	vst v1  }
0x71: {  	[tilespmem:s26+$0xCC10] =	vst v1  }
.Ltmp3:
0x72: {  	[tilespmem:s26+$0xCC20] =	vst v1;
	(pc) =	sbr.rel @p0 .LBB2_8-.Ltmp3, $4  }
0x73: {  	[tilespmem:s26+$0xCC30] =	vst v1  }
0x74: {  	[tilespmem:s26+$0xCC40] =	vst v1  }
0x75: {  	[tilespmem:s26+$0xCC50] =	vst v1  }
0x76: {  	[tilespmem:s26+$0xCC60] =	vst v1;
	s26 =	sshra.s32 s28, $0x2;
	s28 =	sadd.s32 $0x200, s28  }
0x77: {  	[tilespmem:s26+$0xCC70] =	vst v1  }
0x78: {  	[tilespmem:s26+$0xCC00] =	vst v1  }
0x79: {  	[tilespmem:s26+$0xCC10] =	vst v1  }
0x7a: {  	[tilespmem:s26+$0xCC20] =	vst v1  }
0x7b: {  	[tilespmem:s26+$0xCC30] =	vst v1  }
0x7c: {  	[tilespmem:s26+$0xCC40] =	vst v1  }
0x7d: {  	[tilespmem:s26+$0xCC50] =	vst v1  }
0x7e: {  	[tilespmem:s26+$0xCC60] =	vst v1  }
0x7f: {  	[spmem:s8] =	stream.linear.scatter [tilespmem:s17], [sflag:$0x2], $0x5000, $0x38;
	[tilespmem:$0x16D00] =	vst v63  }
0x80: {  	_ =	swait.ge [sflag:s18], $0x5000  }
0x81: {  	[sflag:s18] =	ssyncset.done $0x0  }
0x82: {  	s26 =	simm.s32 $0x0;
	s28 =	simm.s32 $0x200;
	[sflag:s18] =	ssyncadd.s32 $0xFFFFB000  }
.LBB2_10:
0x83: {  	p0 =	sne.s32 s28, $0x31E00;
	[tilespmem:s26+$0x470] =	vst v2  }
0x84: {  	[tilespmem:s26+$0x400] =	vst v2  }
0x85: {  	[tilespmem:s26+$0x410] =	vst v2  }
.Ltmp4:
0x86: {  	[tilespmem:s26+$0x420] =	vst v2;
	(pc) =	sbr.rel @p0 .LBB2_10-.Ltmp4, $4  }
0x87: {  	[tilespmem:s26+$0x430] =	vst v2  }
0x88: {  	[tilespmem:s26+$0x440] =	vst v2  }
0x89: {  	[tilespmem:s26+$0x450] =	vst v2  }
0x8a: {  	[tilespmem:s26+$0x460] =	vst v2;
	s26 =	sshra.s32 s28, $0x2;
	s28 =	sadd.s32 $0x200, s28  }
0x8b: {  	[tilespmem:s26+$0x470] =	vst v2  }
0x8c: {  	[tilespmem:s26+$0x400] =	vst v2  }
0x8d: {  	[tilespmem:s26+$0x410] =	vst v2  }
0x8e: {  	[tilespmem:s26+$0x420] =	vst v2  }
0x8f: {  	[tilespmem:s26+$0x430] =	vst v2  }
0x90: {  	[tilespmem:s26+$0x440] =	vst v2  }
0x91: {  	[tilespmem:s26+$0x450] =	vst v2  }
0x92: {  	[tilespmem:s26+$0x460] =	vst v2  }
0x93: {  	s26 =	simm.s32 $0x0;
	s28 =	simm.s32 $0x0;
	[bflag:$0x0] =	sbarrier.arrive $0xFFFF  }
.LBB2_12:
0x94: {  	s29 =	smul.u32 $0x190, s28;
	_ =	sdelay $0x1  }
0x95: {  	s29 =	sadd.s32 s9, s29  }
0x96: {  	s29 =	sshrl.u32 s29, $0x3  }
0x97: {  	s29 =	sadd.s32 s2, s29  }
0x98: {  	[tilespmem:s19], [sflag:$0x2] =	stream.linear.gather [hbm4b:s29+s26], $0x190, $0x38;
	[tilespmem:$0x16D00] =	vst v63  }
0x99: {  	_ =	swait.ge [sflag:s18], $0x190  }
0x9a: {  	[sflag:s18] =	ssyncset.done $0x0  }
0x9b: {  	s30 =	simm.s32 $0x40;
	s29 =	simm.s32 $0x0;
	[sflag:s18] =	ssyncadd.s32 $0xFFFFFE70  }
.LBB2_13:
0x9c: {  	p0 =	sne.s32 s30, $0x600;
	v3 =	vld [tilespmem:s29+$0x200];
	_ =	sdelay $0x3  }
.Ltmp5:
0x9d: {  	(pc) =	sbr.rel @p0 .LBB2_13-.Ltmp5, $4  }
0x9e: {  	v3 =	vsub.s32 v3, v0  }
0x9f: {  	vm0 =	vlt.u32 v3, $0x9C4  }
0xa0: {  	v3 =	vnsel vm0, $0x9FF, v3  }
0xa1: {  	[tilespmem:s29+$0x200] =	vst v3;
	s29 =	sshra.s32 s30, $0x2;
	s30 =	sadd.s32 $0x40, s30  }
0xa2: {  	v3 =	vld [tilespmem:s29+$0x200];
	_ =	sdelay $0x4  }
0xa3: {  	v3 =	vsub.s32 v3, v0  }
0xa4: {  	s28 =	sadd.s32 $0x1, s28;
	vm0 =	vlt.u32 v3, $0x9C4  }
0xa5: {  	p0 =	sne.s32 s28, $0x32;
	v3 =	vnsel vm0, $0x9FF, v3  }
.Ltmp6:
0xa6: {  	[tilespmem:s29+$0x200] =	vst v3;
	(pc) =	sbr.rel @p0 .LBB2_12-.Ltmp6, $4  }
0xa7: {  	[spmem:s6] =	stream.indirect.scatter.add.f32 [tilespmem:s21], [sflag:$0x2], $0x80, s19, s20, $0xb8;
	[tilespmem:$0x16D00] =	vst v63  }
0xa8: {  	_ =	swait.ge [sflag:s18], $0xC800  }
0xa9: {  	[sflag:s18] =	ssyncset.done $0x0  }
0xaa: {  	[sflag:s18] =	ssyncadd.s32 $0xFFFF3800  }
0xab: {  	[bflag:$0x0] =	sbarrier.arrive $0xFFFF  }
0xac: {  	[tilespmem:s17], [sflag:$0x2] =	stream.linear.gather [spmem:s8], $0x5000, $0x38;
	[tilespmem:$0x16D00] =	vst v63  }
0xad: {  	s25 =	sadd.s32 $0x1, s25;
	_ =	swait.ge [sflag:s18], $0x5000  }
0xae: {  	p0 =	sne.s32 s25, s16;
	[sflag:s18] =	ssyncset.done $0x0  }
.Ltmp7:
0xaf: {  	[sflag:s18] =	ssyncadd.s32 $0xFFFFB000;
	(pc) =	sbr.rel @p0 .LBB2_1-.Ltmp7, $4  }
0xb0: {  	[hbm4b:s15+s7] =	stream.linear.scatter [tilespmem:s17], [sflag:$0x2], $0x5000, $0x38;
	[tilespmem:$0x16D00] =	vst v63  }
0xb1: {  	_ =	swait.ge [sflag:s18], $0x5000  }
0xb2: {  	[sflag:s18] =	ssyncset.done $0x0  }
0xb3: {  	[sflag:s18] =	ssyncadd.s32 $0xFFFFB000  }
0xb4: {  	_ =	sfence.sel $0x180000  }
0xb5: {  	[bflag:$0x0] =	sbarrier.arrive $0xFFFF  }
0xb6: {  	p0 =	sne.s32 s3, $0x0;
	_ =	strace $0x90000047  }
0xb7: {  	s0 =	sadd.s32 @!p0 $0x100000, s5;
	[bflag:$0x2] =	sbarrier.arrive $0xFFFF  }
0xb8: {  	[sflag:s0] =	ssyncadd.tile.s32 @!p0 $0x1;
	_ =	shalt  }
.Lfunc_end2:
_tile_overlayer_lowered:
.L_overlay_start_2:
0xb9: {  	(tag) =	ssettag $0x2  }
0xba: {  	s0 =	rddreg [dreg:$0x0];
	s2 =	stileid.u32  }
0xbb: {  	s1 =	rddreg [dreg:$0x1];
	p0 =	sne.s32 s2, $0x0  }
0xbc: {  	s3 =	rddreg [dreg:$0x2];
	[bflag:$0x3] =	sbarrier.arrive $0xFFFF;
	s2 =	simm.s32 @!p0 $0x1C02  }
0xbd: {  	[timem:s3], [sflag:s2] =	dma.local @!p0 [hbm:s0], s1  }
0xbe: {  	s0 =	simm.s32 @!p0 $0x2  }
0xbf: {  	_ =	swait.ge @!p0 [sflag:s0], s1  }
0xc0: {  	s1 =	ssub.s32 @!p0 $0x0, s1;
	[sflag:s0] =	ssyncset.done @!p0 $0x0  }
0xc1: {  	[sflag:s0] =	ssyncadd.s32 @!p0 s1  }
0xc2: {  	[bflag:$0x3] =	sbarrier.arrive $0xFFFF  }
0xc3: {  	_ =	shalt  }

// kernel: kernel.15.cloned.1.call-start
scs
__scs_entry_jumppad:
0x0: {  	(pc) =	sbr.rel $0x88, $3  }
0x1: {  	(tag) =	ssettag $0x0;
	lr =	simm.s32 $0x1  }
0x2: {  	[smem:$0x3F8A] =	sst lr;
	_ =	strace $0xD0000000  }
0x3: {  	_ = 	snop  }
0x4: {  	_ = 	snop  }
0x5: {  	_ = 	snop  }
0x6: {  	_ = 	snop  }
0x7: {  	_ = 	snop  }
__scs_overlays_trampoline_lowered:
0x8: {  	[smem:$0x3F99] =	sst s0  }
0x9: {  	[smem:$0x3F9A] =	sst s1  }
0xa: {  	[smem:$0x3F9B] =	sst s2  }
0xb: {  	[smem:$0x3F9C] =	sst s3  }
0xc: {  	[smem:$0x3F9D] =	sst s4  }
0xd: {  	[smem:$0x3F9E] =	sst s5  }
0xe: {  	[smem:$0x3F9F] =	sst s6  }
0xf: {  	[smem:$0x3FA0] =	sst s7  }
0x10: {  	[smem:$0x3FA1] =	sst s8  }
0x11: {  	[smem:$0x3FA2] =	sst s9;
	s0 =	simm.s32 @!p0 $0x0  }
0x12: {  	s1 =	sld [smem:$0x3F88];
	s0 =	simm.s32 @p0 $0x1  }
0x13: {  	[smem:$0x3FA3] =	sst s0;
	s0 =	simm.s32 @!p1 $0x0  }
0x14: {  	s2 =	sld [smem:$0x3F87];
	s0 =	simm.s32 @p1 $0x1  }
0x15: {  	[smem:$0x3FA4] =	sst s0;
	s0 =	simm.s32 @!p2 $0x0  }
0x16: {  	s3 =	sld [smem:$0x3FDB];
	s0 =	simm.s32 @p2 $0x1  }
0x17: {  	s4 =	simm.s32 $0x1BF5;
	[smem:$0x3FA6] =	sst s0  }
0x18: {  	s0 =	sld [smem:$0x3F89];
	_ =	swait.ge [sflag:s4], $0x0  }
0x19: {  	s7 =	sld [smem:$0x3F8A]  }
0x1a: {  	s8 =	sadd.s32 $0xFFFFE003, lr  }
0x1b: {  	s9 =	sadd.s32 $0xFFFFFEF7, lr;
	s5 =	simm.s32 $0xFFFFFFFF;
	p2 =	slt.u32 s8, $0xFFFFF086  }
0x1c: {  	p1 =	slt.u32 s9, $0xF7A;
	s5 =	simm.s32 @!p2 $0x0  }
0x1d: {  	s5 =	simm.s32 @p1 $0x1;
	p0 =	seq.s32 s7, s2  }
0x1e: {  	s7 =	smul.u32 @!p0 $0xF7A, s2;
	p2 =	seq.s32 @!p0 s5, $0x0  }
0x1f: {  	s9 =	smul.u32 $0xF7A, s1;
	s8 =	simm.s32 @!p0 $0x1BF5;
	p2 =	por !p2, p0  }
0x20: {  	[sflag:s8] =	ssyncset.s32 @!p0 $0xFFFFF086;
	s6 =	sadd.s32 @!p0 s3, s7;
	s7 =	simm.s32 @!p0 $0x108  }
0x21: {  	s3 =	sadd.s32 s3, s9;
	s6 =	sadd.s32 @!p0 $0x88, s6;
	s7 =	simm.s32 @p2 $0x1082  }
0x22: {  	[simem:s7], [sflag:s8] =	dma.local @!p0 [hbm:s6], $0xF7A  }
0x23: {  	s9 =	sor.u32 $0xD0000000, s2;
	s6 =	simm.s32 $0x108;
	_ =	swait.ge @!p0 [sflag:s8], $0x0  }
0x24: {  	s3 =	sadd.s32 $0x88, s3;
	s6 =	simm.s32 @!p1 $0x1082;
	[sflag:s4] =	ssyncset.s32 $0xFFFFF086  }
0x25: {  	[simem:s6], [sflag:s4] =	dma.local [hbm:s3], $0xF7A  }
0x26: {  	[smem:$0x3F8A] =	sst s1;
	(tag) =	ssettag s2;
	_ =	strace s9  }
0x27: {  	s1 =	sld [smem:$0x3F9A]  }
0x28: {  	s2 =	sld [smem:$0x3F9B]  }
0x29: {  	s4 =	sld [smem:$0x3F9D]  }
0x2a: {  	p0 =	seq.s32 s5, $0x0;
	s5 =	sld [smem:$0x3F9E]  }
0x2b: {  	s6 =	sld [smem:$0x3F9F]  }
0x2c: {  	s7 =	sld [smem:$0x3FA0]  }
0x2d: {  	s3 =	simm.s32 $0x108;
	s8 =	sld [smem:$0x3FA1]  }
0x2e: {  	s3 =	simm.s32 @!p0 $0x1082;
	s9 =	sld [smem:$0x3FA2]  }
0x2f: {  	lr =	sadd.s32 s0, s3;
	s0 =	sld [smem:$0x3F99]  }
0x30: {  	s3 =	sld [smem:$0x3F9C]  }
0x31: {  	[smem:$0x3FA5] =	sst s10  }
0x32: {  	s10 =	sld [smem:$0x3FA3];
	_ =	sdelay $0x3  }
0x33: {  	p0 =	seq.s32 s10, $0x1;
	s10 =	sld [smem:$0x3FA5];
	_ =	sdelay $0x3  }
0x34: {  	[smem:$0x3FA5] =	sst s10  }
0x35: {  	s10 =	sld [smem:$0x3FA4];
	_ =	sdelay $0x3  }
0x36: {  	p1 =	seq.s32 s10, $0x1;
	s10 =	sld [smem:$0x3FA5];
	_ =	sdelay $0x3  }
0x37: {  	[smem:$0x3FA5] =	sst s10  }
0x38: {  	s10 =	sld [smem:$0x3FA6]  }
0x39: {  	_ = 	snop;
	(pc) =	sbr.ind lr, $3  }
0x3a: {  	_ = 	snop  }
0x3b: {  	_ = 	snop  }
0x3c: {  	p2 =	seq.s32 s10, $0x1;
	s10 =	sld [smem:$0x3FA5]  }
0x3d: {  	_ =	shalt  }
0x3e: {  	_ =	shalt  }
0x3f: {  	_ =	shalt  }
0x40: {  	_ =	shalt  }
0x41: {  	_ =	shalt  }
0x42: {  	_ =	shalt  }
0x43: {  	_ =	shalt  }
0x44: {  	_ =	shalt  }
0x45: {  	_ =	shalt  }
0x46: {  	_ =	shalt  }
0x47: {  	_ =	shalt  }
0x48: {  	_ =	shalt  }
0x49: {  	_ =	shalt  }
0x4a: {  	_ =	shalt  }
0x4b: {  	_ =	shalt  }
0x4c: {  	_ =	shalt  }
0x4d: {  	_ =	shalt  }
0x4e: {  	_ =	shalt  }
0x4f: {  	_ =	shalt  }
0x50: {  	_ =	shalt  }
0x51: {  	_ =	shalt  }
0x52: {  	_ =	shalt  }
0x53: {  	_ =	shalt  }
0x54: {  	_ =	shalt  }
0x55: {  	_ =	shalt  }
0x56: {  	_ =	shalt  }
0x57: {  	_ =	shalt  }
0x58: {  	_ =	shalt  }
0x59: {  	_ =	shalt  }
0x5a: {  	_ =	shalt  }
0x5b: {  	_ =	shalt  }
0x5c: {  	_ =	shalt  }
0x5d: {  	_ =	shalt  }
0x5e: {  	_ =	shalt  }
0x5f: {  	_ =	shalt  }
0x60: {  	_ =	shalt  }
0x61: {  	_ =	shalt  }
0x62: {  	_ =	shalt  }
0x63: {  	_ =	shalt  }
0x64: {  	_ =	shalt  }
0x65: {  	_ =	shalt  }
0x66: {  	_ =	shalt  }
0x67: {  	_ =	shalt  }
0x68: {  	_ =	shalt  }
0x69: {  	_ =	shalt  }
0x6a: {  	_ =	shalt  }
0x6b: {  	_ =	shalt  }
0x6c: {  	_ =	shalt  }
0x6d: {  	_ =	shalt  }
0x6e: {  	_ =	shalt  }
0x6f: {  	_ =	shalt  }
0x70: {  	_ =	shalt  }
0x71: {  	_ =	shalt  }
0x72: {  	_ =	shalt  }
0x73: {  	_ =	shalt  }
0x74: {  	_ =	shalt  }
0x75: {  	_ =	shalt  }
0x76: {  	_ =	shalt  }
0x77: {  	_ =	shalt  }
0x78: {  	_ =	shalt  }
0x79: {  	_ =	shalt  }
0x7a: {  	_ =	shalt  }
0x7b: {  	_ =	shalt  }
0x7c: {  	_ =	shalt  }
0x7d: {  	_ =	shalt  }
0x7e: {  	_ =	shalt  }
0x7f: {  	_ =	shalt  }
0x80: {  	_ =	shalt  }
0x81: {  	_ =	shalt  }
0x82: {  	_ =	shalt  }
0x83: {  	_ =	shalt  }
0x84: {  	_ =	shalt  }
0x85: {  	_ =	shalt  }
0x86: {  	_ =	shalt  }
0x87: {  	_ =	shalt  }
.Lfunc_end0:
.L_simem_size_0:
called_computation.1_lowered:
.L_overlay_start_0:
0x88: {  	s2 =	sld [smem:$0x3FD9]  }
0x89: {  	s3 =	sld [smem:$0x3FFE];
	_ =	sdelay $0x1  }
0x8a: {  	s1 =	srdreg.scid  }
0x8b: {  	s0 =	sand.u32 $0x1, s1  }
0x8c: {  	s14 =	sshll.u32 s0, $0xA;
	s2 =	sadd.s32 s3, s2  }
0x8d: {  	s2 =	sadd.s32 s2, s14  }
0x8e: {  	[smem:$0x3FB1] =	sst s2  }
0x8f: {  	_ = 	snop  }
0x90: {  	s2 =	sld [smem:$0x3FD0];
	_ =	sdelay $0x1  }
0x91: {  	s15 =	sld [smem:$0x3FC8]  }
0x92: {  	s5 =	simm.s32 $0xA;
	s6 =	simm.s32 $0x10;
	s4 =	sld [smem:$0x3FC7]  }
0x93: {  	[smem:s6], [sflag:s5] =	dma.local [hbm:s2], $0x1  }
0x94: {  	_ =	swait.eq [sflag:s5], $0x1  }
0x95: {  	[sflag:s5] =	ssyncset.done $0x0  }
0x96: {  	[sflag:s5] =	ssyncadd.s32 $0xFFFFFFFF  }
0x97: {  	s16 =	sld [smem:$0x16];
	(tm) =	ssettm $0x1  }
0x98: {  	s17 =	sld [smem:$0x3FFB];
	_ =	sdelay $0x3  }
0x99: {  	_ =	strace s17  }
0x9a: {  	s5 =	sld [smem:$0x3FFC];
	_ =	sdelay $0x3  }
0x9b: {  	_ =	strace s5  }
0x9c: {  	s5 =	sld [smem:$0x3FFD];
	_ =	sdelay $0x3  }
0x9d: {  	_ =	strace s5  }
0x9e: {  	_ =	strace $0x8FFFFFFF  }
0x9f: {  	s18 =	sld [smem:$0x3FDB];
	_ =	sdelay $0x1  }
0xa0: {  	s19 =	simm.s32 $_scs_section_size  }
0xa1: {  	s7 =	simm.s32 $_size__tile_overlayer_lowered;
	s8 =	simm.s32 $_tile_overlayer_lowered  }
0xa2: {  	s22 =	simm.s32 $0x1BFF;
	s21 =	sshll.u32 s8, $0x1;
	s5 =	sadd.s32 s19, s18  }
0xa3: {  	s9 =	simm.s32 $0x0;
	s20 =	sshll.u32 s7, $0x1;
	s7 =	sadd.s32 s21, s5  }
0xa4: {  	[timem:s9], [sflag:s22] =	dma.local [hbm:s7], s20  }
0xa5: {  	_ =	swait.ge [sflag:s22], s20  }
0xa6: {  	s6 =	ssub.s32 $0x0, s20;
	[sflag:s22] =	ssyncset.done $0x0  }
0xa7: {  	[sflag:s22] =	ssyncadd.s32 s6;
	_ =	sdelay $0x1  }
0xa8: {  	s23 =	simm.s32 $0x1B8B  }
0xa9: {  	_ =	swait.ge [sflag:s23], $0x1  }
0xaa: {  	[sflag:s23] =	ssyncset.done $0x0  }
0xab: {  	s25 =	simm.s32 $0x1B8E;
	s24 =	sld [smem:$0x3FFE];
	[sflag:s23] =	ssyncadd.s32 $0xFFFFFFFF  }
0xac: {  	s26 =	simm.s32 $execute0_lowered;
	[smem:$0x3FD2] =	sst s25  }
0xad: {  	s7 =	sshll.u32 s26, $0x1;
	_ =	strace $0x80000049;
	[dreg:$0x1] =	wrdreg $0xFFFFFFFF  }
0xae: {  	s28 =	simm.s32 $_size_execute0_lowered;
	s5 =	sadd.s32 s5, s7;
	[dreg:$0x0] =	wrdreg $0x0  }
0xaf: {  	s7 =	sshll.u32 s28, $0x1;
	[dreg:$0x2] =	wrdreg s5  }
0xb0: {  	[dreg:$0x3] =	wrdreg s7  }
0xb1: {  	[dreg:$0x4] =	wrdreg $0xC0  }
0xb2: {  	_ =	task [dreg:s9], $0x5FFFF  }
0xb3: {  	[dreg:$0x1] =	wrdreg $0xFFFFFFFF  }
0xb4: {  	[dreg:$0x0] =	wrdreg $0x60  }
0xb5: {  	[dreg:$0x2] =	wrdreg s16  }
0xb6: {  	[dreg:$0x3] =	wrdreg s4  }
0xb7: {  	[dreg:$0x4] =	wrdreg s15  }
0xb8: {  	[dreg:$0x5] =	wrdreg s24  }
0xb9: {  	[dreg:$0x6] =	wrdreg $0x11C000  }
0xba: {  	[dreg:$0x7] =	wrdreg $0x9  }
0xbb: {  	_ =	task.clear_ibuf [dreg:s9], $0x8FFFF;
	_ =	strace $0x90000049  }
0xbc: {  	s29 =	simm.s32 $0x9;
	_ =	strace $0x8000004B  }
0xbd: {  	_ =	swait.ge [sflag:s29], $0x1  }
0xbe: {  	[sflag:s29] =	ssyncadd.s32 $0xFFFFFFFF  }
0xbf: {  	_ =	strace $0x9000004B  }
0xc0: {  	_ =	sfence  }
0xc1: {  	s30 =	sld [smem:$0x0];
	_ =	sdelay $0x2  }
0xc2: {  	s31 =	sshll.u32 s1, $0xD;
	s1 =	sshrl.u32 s1, $0x2  }
0xc3: {  	s3 =	sand.u32 $0x4000, s31;
	s1 =	sadd.s32 s1, s30  }
0xc4: {  	s0 =	sor.u32 s3, s0;
	s1 =	sshll.u32 s1, $0x11  }
0xc5: {  	s0 =	sor.u32 s1, s0  }
0xc6: {  	s0 =	sadd.s32 $0x8F2B, s0  }
0xc7: {  	[sflag:s0] =	ssyncadd.remote.s32 $0x1  }
0xc8: {  	_ =	sfence.sel $0xFFFF  }
0xc9: {  	[dreg:$0x0] =	wrdreg $0xFFFFFFFF;
	(pc) =	sbr.abs _section_cstart, $3  }
0xca: {  	[dreg:$0x1] =	wrdreg $0xFFFFFFFF  }
0xcb: {  	_ =	task.clear_ibuf [dreg:s9], $0x2FFFF;
	_ =	strace $0x9FFFFFFF  }
0xcc: {  	(tm) =	ssettm $0x7FFFFFFF  }
0xcd: {  	_ =	shalt  }
tec
execute0_lowered:
.L_overlay_start_1:
0x0: {  	(tag) =	ssettag $0x1  }
0x1: {  	s1 =	rddreg [dreg:$0x0]  }
0x2: {  	s2 =	rddreg [dreg:$0x1]  }
0x3: {  	s3 =	rddreg [dreg:$0x2]  }
0x4: {  	s7 =	rddreg [dreg:$0x3]  }
0x5: {  	s4 =	rddreg [dreg:$0x4]  }
0x6: {  	s0 =	rddreg [dreg:$0x5]  }
0x7: {  	s6 =	simm.s32 $0x0;
	s8 =	srdreg.scid;
	s5 =	stileid.u32  }
0x8: {  	s16 =	simm.s32 $0x2;
	s17 =	simm.s32 $0x200;
	s18 =	simm.s32 $0x190  }
0x9: {  	s20 =	simm.s32 $0x1;
	s21 =	simm.s32 $0x0;
	s10 =	smul.u32 $0x28000, s5  }
0xa: {  	[smem:$0x7FF] =	sst s6;
	s8 =	sand.u32 $0x1, s8;
	s12 =	smul.u32 $0xA000, s5  }
0xb: {  	s11 =	sadd.s32 $0x57600, s7;
	s13 =	sadd.s32 $0x7F600, s7;
	s30 =	smul.u32 $0xA0000, s8  }
0xc: {  	_ =	strace $0x8000004A;
	s9 =	ssub.s32 $0x2, s8;
	s19 =	smul.u32 $0x1388, s8  }
0xd: {  	s28 =	sshrl.u32 s9, $0x1;
	s29 =	sshrl.u32 s10, $0x2;
	s31 =	sadd.s32 $0x5000, s12  }
0xe: {  	s14 =	ssub.s32 s9, s28;
	s7 =	sadd.s32 s29, s4;
	s8 =	sadd.s32 s31, s4  }
0xf: {  	s12 =	sadd.s32 s12, s30;
	s10 =	sadd.s32 s30, s31;
	s9 =	smul.u32 $0x4E20, s5  }
0x10: {  	v0 =	vmov s19;
	s19 =	simm.s32 $0x400;
	s12 =	sshrl.u32 s12, $0x3;
	s15 =	sshrl.u32 s10, $0x3  }
0x11: {  	s14 =	smax.u32 s14, $0x1;
	s10 =	sadd.s32 s11, s12;
	s11 =	sadd.s32 s11, s15  }
0x12: {  	v1 =	vimm.f32 $0.0e+00;
	v2 =	vimm.f32 $1.000000000e+00;
	s12 =	sadd.s32 s13, s12;
	s13 =	sadd.s32 s13, s15;
	s15 =	simm.s32 $0xCC00  }
.LBB2_1:
0x13: {  	s22 =	simm.s32 $0x0;
	s23 =	simm.s32 $0x200  }
.LBB2_2:
0x14: {  	p0 =	sne.s32 s23, $0x13E00;
	[tilespmem:s22+$0xCC70] =	vst v1  }
0x15: {  	[tilespmem:s22+$0xCC00] =	vst v1  }
0x16: {  	[tilespmem:s22+$0xCC10] =	vst v1  }
.Ltmp0:
0x17: {  	[tilespmem:s22+$0xCC20] =	vst v1;
	(pc) =	sbr.rel @p0 .LBB2_2-.Ltmp0, $4  }
0x18: {  	[tilespmem:s22+$0xCC30] =	vst v1  }
0x19: {  	[tilespmem:s22+$0xCC40] =	vst v1  }
0x1a: {  	[tilespmem:s22+$0xCC50] =	vst v1  }
0x1b: {  	[tilespmem:s22+$0xCC60] =	vst v1;
	s22 =	sshra.s32 s23, $0x2;
	s23 =	sadd.s32 $0x200, s23  }
0x1c: {  	[tilespmem:s22+$0xCC70] =	vst v1  }
0x1d: {  	[tilespmem:s22+$0xCC00] =	vst v1  }
0x1e: {  	[tilespmem:s22+$0xCC10] =	vst v1  }
0x1f: {  	[tilespmem:s22+$0xCC20] =	vst v1  }
0x20: {  	[tilespmem:s22+$0xCC30] =	vst v1  }
0x21: {  	[tilespmem:s22+$0xCC40] =	vst v1  }
0x22: {  	[tilespmem:s22+$0xCC50] =	vst v1  }
0x23: {  	[tilespmem:s22+$0xCC60] =	vst v1  }
0x24: {  	[spmem:s7] =	stream.linear.scatter [tilespmem:s15], [sflag:$0x2], $0x5000, $0x38;
	[tilespmem:$0x1BC00] =	vst v63  }
0x25: {  	_ =	swait.ge [sflag:s16], $0x5000  }
0x26: {  	[sflag:s16] =	ssyncset.done $0x0  }
0x27: {  	[sflag:s16] =	ssyncadd.s32 $0xFFFFB000  }
0x28: {  	[spmem:s8] =	stream.linear.scatter [tilespmem:s15], [sflag:$0x2], $0x5000, $0x38;
	[tilespmem:$0x1BC00] =	vst v63  }
0x29: {  	_ =	swait.ge [sflag:s16], $0x5000  }
0x2a: {  	[sflag:s16] =	ssyncset.done $0x0  }
0x2b: {  	[sflag:s16] =	ssyncadd.s32 $0xFFFFB000  }
0x2c: {  	s22 =	simm.s32 $0x0;
	s23 =	simm.s32 $0x0;
	[bflag:$0x0] =	sbarrier.arrive $0xFFFF  }
.LBB2_4:
0x2d: {  	s24 =	smul.u32 $0x190, s23;
	_ =	sdelay $0x1  }
0x2e: {  	s24 =	sadd.s32 s9, s24  }
0x2f: {  	s24 =	sshrl.u32 s24, $0x3  }
0x30: {  	s25 =	sadd.s32 s2, s24  }
0x31: {  	[tilespmem:s22], [sflag:$0x2] =	stream.linear.gather [hbm4b:s25+s22], $0x190, $0x38;
	[tilespmem:$0x1BC00] =	vst v63  }
0x32: {  	_ =	swait.ge [sflag:s16], $0x190  }
0x33: {  	[sflag:s16] =	ssyncset.done $0x0  }
0x34: {  	s24 =	sadd.s32 s3, s24;
	[sflag:s16] =	ssyncadd.s32 $0xFFFFFE70  }
0x35: {  	[tilespmem:s17], [sflag:$0x2] =	stream.linear.gather [hbm4b:s24+s22], $0x190, $0x38;
	[tilespmem:$0x1BC00] =	vst v63  }
0x36: {  	_ =	swait.ge [sflag:s16], $0x190  }
0x37: {  	[sflag:s16] =	ssyncset.done $0x0  }
0x38: {  	s24 =	simm.s32 $0x0;
	[sflag:s16] =	ssyncadd.s32 $0xFFFFFE70  }
0x39: {  	s25 =	simm.s32 $0x40;
	v3 =	vld [tilespmem:s24+$0x200]  }
.LBB2_5:
0x3a: {  	p0 =	sne.s32 s25, $0x600  }
0x3b: {  	v4 =	vld [tilespmem:s24+$0x0];
	_ =	sdelay $0x2  }
.Ltmp1:
0x3c: {  	v3 =	vsub.s32 v3, v0;
	(pc) =	sbr.rel @p0 .LBB2_5-.Ltmp1, $4  }
0x3d: {  	vm0 =	vlt.u32 v3, $0x1388  }
0x3e: {  	v3 =	vnsel vm0, $0x13FF, v3;
	vm0 =	vgt.s32 v4, $0x9C3;
	v5 =	vadd.s32 $0x3C, v4  }
0x3f: {  	s26 =	sshra.s32 s25, $0x2;
	[tilespmem:s24+$0x200] =	vst v3;
	v4 =	vsel vm0, v5, v4  }
0x40: {  	s25 =	sadd.s32 $0x40, s25;
	v3 =	vld [tilespmem:s26+$0x200];
	[tilespmem:s24+$0x0] =	vst v4;
	s24 =	smov.u32 s26  }
0x41: {  	_ = 	snop  }
0x42: {  	v4 =	vld [tilespmem:s24+$0x0];
	_ =	sdelay $0x2  }
0x43: {  	v3 =	vsub.s32 v3, v0  }
0x44: {  	vm0 =	vlt.u32 v3, $0x1388  }
0x45: {  	vm15 =	vgt.s32 v4, $0x9C3;
	v5 =	vadd.s32 $0x3C, v4;
	v3 =	vnsel vm0, $0x13FF, v3  }
0x46: {  	[tilespmem:s24+$0x200] =	vst v3;
	v3 =	vsel vm15, v5, v4  }
0x47: {  	[tilespmem:s24+$0x0] =	vst v3  }
0x48: {  	[tilespmem:s19], [sflag:$0x1] =	stream.indirect.gather [hbm4b:s1+s18], $0x80, s6, s18, $0xb8;
	[tilespmem:$0x1BC00] =	vst v63  }
0x49: {  	s23 =	sadd.s32 $0x1, s23;
	_ =	swait.ge [sflag:s20], $0xC800  }
0x4a: {  	p0 =	sne.s32 s23, $0x32;
	[sflag:s20] =	ssyncset.done $0x0  }
.Ltmp2:
0x4b: {  	[sflag:s20] =	ssyncadd.s32 $0xFFFF3800;
	(pc) =	sbr.rel @p0 .LBB2_4-.Ltmp2, $4  }
0x4c: {  	[spmem:s4] =	stream.indirect.scatter.add.f32 [tilespmem:s19], [sflag:$0x2], $0x80, s17, s18, $0xb8;
	[tilespmem:$0x1BC00] =	vst v63  }
0x4d: {  	_ =	swait.ge [sflag:s16], $0xC800  }
0x4e: {  	[sflag:s16] =	ssyncset.done $0x0  }
0x4f: {  	[sflag:s16] =	ssyncadd.s32 $0xFFFF3800  }
0x50: {  	[bflag:$0x0] =	sbarrier.arrive $0xFFFF  }
0x51: {  	[tilespmem:s15], [sflag:$0x2] =	stream.linear.gather [spmem:s7], $0x5000, $0x38;
	[tilespmem:$0x1BC00] =	vst v63  }
0x52: {  	_ =	swait.ge [sflag:s16], $0x5000  }
0x53: {  	[sflag:s16] =	ssyncset.done $0x0  }
0x54: {  	s22 =	simm.s32 $0x0;
	[sflag:s16] =	ssyncadd.s32 $0xFFFFB000  }
0x55: {  	[hbm4b:s10+s22] =	stream.linear.scatter [tilespmem:s15], [sflag:$0x2], $0x5000, $0x38;
	[tilespmem:$0x1BC00] =	vst v63  }
0x56: {  	_ =	swait.ge [sflag:s16], $0x5000  }
0x57: {  	[sflag:s16] =	ssyncset.done $0x0  }
0x58: {  	[sflag:s16] =	ssyncadd.s32 $0xFFFFB000  }
0x59: {  	[tilespmem:s15], [sflag:$0x2] =	stream.linear.gather [spmem:s8], $0x5000, $0x38;
	[tilespmem:$0x1BC00] =	vst v63  }
0x5a: {  	_ =	swait.ge [sflag:s16], $0x5000  }
0x5b: {  	[sflag:s16] =	ssyncset.done $0x0  }
0x5c: {  	[sflag:s16] =	ssyncadd.s32 $0xFFFFB000  }
0x5d: {  	[hbm4b:s11+s22] =	stream.linear.scatter [tilespmem:s15], [sflag:$0x2], $0x5000, $0x38;
	[tilespmem:$0x1BC00] =	vst v63  }
0x5e: {  	_ =	swait.ge [sflag:s16], $0x5000  }
0x5f: {  	[sflag:s16] =	ssyncset.done $0x0  }
0x60: {  	[sflag:s16] =	ssyncadd.s32 $0xFFFFB000  }
0x61: {  	s23 =	simm.s32 $0x200;
	s22 =	simm.s32 $0x0;
	[bflag:$0x0] =	sbarrier.arrive $0xFFFF  }
.LBB2_8:
0x62: {  	p0 =	sne.s32 s23, $0x13E00;
	[tilespmem:s22+$0xCC70] =	vst v1  }
0x63: {  	[tilespmem:s22+$0xCC00] =	vst v1  }
0x64: {  	[tilespmem:s22+$0xCC10] =	vst v1  }
.Ltmp3:
0x65: {  	[tilespmem:s22+$0xCC20] =	vst v1;
	(pc) =	sbr.rel @p0 .LBB2_8-.Ltmp3, $4  }
0x66: {  	[tilespmem:s22+$0xCC30] =	vst v1  }
0x67: {  	[tilespmem:s22+$0xCC40] =	vst v1  }
0x68: {  	[tilespmem:s22+$0xCC50] =	vst v1  }
0x69: {  	[tilespmem:s22+$0xCC60] =	vst v1;
	s22 =	sshra.s32 s23, $0x2;
	s23 =	sadd.s32 $0x200, s23  }
0x6a: {  	[tilespmem:s22+$0xCC70] =	vst v1  }
0x6b: {  	[tilespmem:s22+$0xCC00] =	vst v1  }
0x6c: {  	[tilespmem:s22+$0xCC10] =	vst v1  }
0x6d: {  	[tilespmem:s22+$0xCC20] =	vst v1  }
0x6e: {  	[tilespmem:s22+$0xCC30] =	vst v1  }
0x6f: {  	[tilespmem:s22+$0xCC40] =	vst v1  }
0x70: {  	[tilespmem:s22+$0xCC50] =	vst v1  }
0x71: {  	[tilespmem:s22+$0xCC60] =	vst v1  }
0x72: {  	[spmem:s7] =	stream.linear.scatter [tilespmem:s15], [sflag:$0x2], $0x5000, $0x38;
	[tilespmem:$0x1BC00] =	vst v63  }
0x73: {  	_ =	swait.ge [sflag:s16], $0x5000  }
0x74: {  	[sflag:s16] =	ssyncset.done $0x0  }
0x75: {  	[sflag:s16] =	ssyncadd.s32 $0xFFFFB000  }
0x76: {  	[spmem:s8] =	stream.linear.scatter [tilespmem:s15], [sflag:$0x2], $0x5000, $0x38;
	[tilespmem:$0x1BC00] =	vst v63  }
0x77: {  	_ =	swait.ge [sflag:s16], $0x5000  }
0x78: {  	[sflag:s16] =	ssyncset.done $0x0  }
0x79: {  	s22 =	simm.s32 $0x0;
	s23 =	simm.s32 $0x200;
	[sflag:s16] =	ssyncadd.s32 $0xFFFFB000  }
.LBB2_10:
0x7a: {  	p0 =	sne.s32 s23, $0x31E00;
	[tilespmem:s22+$0x470] =	vst v2  }
0x7b: {  	[tilespmem:s22+$0x400] =	vst v2  }
0x7c: {  	[tilespmem:s22+$0x410] =	vst v2  }
.Ltmp4:
0x7d: {  	[tilespmem:s22+$0x420] =	vst v2;
	(pc) =	sbr.rel @p0 .LBB2_10-.Ltmp4, $4  }
0x7e: {  	[tilespmem:s22+$0x430] =	vst v2  }
0x7f: {  	[tilespmem:s22+$0x440] =	vst v2  }
0x80: {  	[tilespmem:s22+$0x450] =	vst v2  }
0x81: {  	[tilespmem:s22+$0x460] =	vst v2;
	s22 =	sshra.s32 s23, $0x2;
	s23 =	sadd.s32 $0x200, s23  }
0x82: {  	[tilespmem:s22+$0x470] =	vst v2  }
0x83: {  	[tilespmem:s22+$0x400] =	vst v2  }
0x84: {  	[tilespmem:s22+$0x410] =	vst v2  }
0x85: {  	[tilespmem:s22+$0x420] =	vst v2  }
0x86: {  	[tilespmem:s22+$0x430] =	vst v2  }
0x87: {  	[tilespmem:s22+$0x440] =	vst v2  }
0x88: {  	[tilespmem:s22+$0x450] =	vst v2  }
0x89: {  	[tilespmem:s22+$0x460] =	vst v2  }
0x8a: {  	s22 =	simm.s32 $0x0;
	s23 =	simm.s32 $0x0;
	[bflag:$0x0] =	sbarrier.arrive $0xFFFF  }
.LBB2_12:
0x8b: {  	s24 =	smul.u32 $0x190, s23;
	_ =	sdelay $0x1  }
0x8c: {  	s24 =	sadd.s32 s9, s24  }
0x8d: {  	s24 =	sshrl.u32 s24, $0x3  }
0x8e: {  	s24 =	sadd.s32 s3, s24  }
0x8f: {  	[tilespmem:s17], [sflag:$0x2] =	stream.linear.gather [hbm4b:s24+s22], $0x190, $0x38;
	[tilespmem:$0x1BC00] =	vst v63  }
0x90: {  	_ =	swait.ge [sflag:s16], $0x190  }
0x91: {  	[sflag:s16] =	ssyncset.done $0x0  }
0x92: {  	s25 =	simm.s32 $0x40;
	s24 =	simm.s32 $0x0;
	[sflag:s16] =	ssyncadd.s32 $0xFFFFFE70  }
.LBB2_13:
0x93: {  	p0 =	sne.s32 s25, $0x600;
	v3 =	vld [tilespmem:s24+$0x200];
	_ =	sdelay $0x3  }
.Ltmp5:
0x94: {  	(pc) =	sbr.rel @p0 .LBB2_13-.Ltmp5, $4  }
0x95: {  	v3 =	vsub.s32 v3, v0  }
0x96: {  	vm0 =	vlt.u32 v3, $0x1388  }
0x97: {  	v3 =	vnsel vm0, $0x13FF, v3  }
0x98: {  	[tilespmem:s24+$0x200] =	vst v3;
	s24 =	sshra.s32 s25, $0x2;
	s25 =	sadd.s32 $0x40, s25  }
0x99: {  	v3 =	vld [tilespmem:s24+$0x200];
	_ =	sdelay $0x4  }
0x9a: {  	v3 =	vsub.s32 v3, v0  }
0x9b: {  	s23 =	sadd.s32 $0x1, s23;
	vm0 =	vlt.u32 v3, $0x1388  }
0x9c: {  	p0 =	sne.s32 s23, $0x32;
	v3 =	vnsel vm0, $0x13FF, v3  }
.Ltmp6:
0x9d: {  	[tilespmem:s24+$0x200] =	vst v3;
	(pc) =	sbr.rel @p0 .LBB2_12-.Ltmp6, $4  }
0x9e: {  	[spmem:s4] =	stream.indirect.scatter.add.f32 [tilespmem:s19], [sflag:$0x2], $0x80, s17, s18, $0xb8;
	[tilespmem:$0x1BC00] =	vst v63  }
0x9f: {  	_ =	swait.ge [sflag:s16], $0xC800  }
0xa0: {  	[sflag:s16] =	ssyncset.done $0x0  }
0xa1: {  	[sflag:s16] =	ssyncadd.s32 $0xFFFF3800  }
0xa2: {  	[bflag:$0x0] =	sbarrier.arrive $0xFFFF  }
0xa3: {  	[tilespmem:s15], [sflag:$0x2] =	stream.linear.gather [spmem:s7], $0x5000, $0x38;
	[tilespmem:$0x1BC00] =	vst v63  }
0xa4: {  	_ =	swait.ge [sflag:s16], $0x5000  }
0xa5: {  	[sflag:s16] =	ssyncset.done $0x0  }
0xa6: {  	[sflag:s16] =	ssyncadd.s32 $0xFFFFB000  }
0xa7: {  	[hbm4b:s12+s6] =	stream.linear.scatter [tilespmem:s15], [sflag:$0x2], $0x5000, $0x38;
	[tilespmem:$0x1BC00] =	vst v63  }
0xa8: {  	_ =	swait.ge [sflag:s16], $0x5000  }
0xa9: {  	[sflag:s16] =	ssyncset.done $0x0  }
0xaa: {  	[sflag:s16] =	ssyncadd.s32 $0xFFFFB000  }
0xab: {  	[tilespmem:s15], [sflag:$0x2] =	stream.linear.gather [spmem:s8], $0x5000, $0x38;
	[tilespmem:$0x1BC00] =	vst v63  }
0xac: {  	s21 =	sadd.s32 $0x1, s21;
	_ =	swait.ge [sflag:s16], $0x5000  }
0xad: {  	p0 =	sne.s32 s21, s14;
	[sflag:s16] =	ssyncset.done $0x0  }
.Ltmp7:
0xae: {  	[sflag:s16] =	ssyncadd.s32 $0xFFFFB000;
	(pc) =	sbr.rel @p0 .LBB2_1-.Ltmp7, $4  }
0xaf: {  	[hbm4b:s13+s6] =	stream.linear.scatter [tilespmem:s15], [sflag:$0x2], $0x5000, $0x38;
	[tilespmem:$0x1BC00] =	vst v63  }
0xb0: {  	_ =	swait.ge [sflag:s16], $0x5000  }
0xb1: {  	[sflag:s16] =	ssyncset.done $0x0  }
0xb2: {  	[sflag:s16] =	ssyncadd.s32 $0xFFFFB000  }
0xb3: {  	_ =	sfence.sel $0x180000  }
0xb4: {  	[bflag:$0x0] =	sbarrier.arrive $0xFFFF  }
0xb5: {  	p0 =	sne.s32 s5, $0x0;
	_ =	strace $0x9000004A  }
0xb6: {  	s0 =	sadd.s32 @!p0 $0x100000, s0;
	[bflag:$0x2] =	sbarrier.arrive $0xFFFF  }
0xb7: {  	[sflag:s0] =	ssyncadd.tile.s32 @!p0 $0x1;
	_ =	shalt  }
.Lfunc_end2:
_tile_overlayer_lowered:
.L_overlay_start_2:
0xb8: {  	(tag) =	ssettag $0x2  }
0xb9: {  	s0 =	rddreg [dreg:$0x0];
	s2 =	stileid.u32  }
0xba: {  	s1 =	rddreg [dreg:$0x1];
	p0 =	sne.s32 s2, $0x0  }
0xbb: {  	s3 =	rddreg [dreg:$0x2];
	[bflag:$0x3] =	sbarrier.arrive $0xFFFF;
	s2 =	simm.s32 @!p0 $0x1C02  }
0xbc: {  	[timem:s3], [sflag:s2] =	dma.local @!p0 [hbm:s0], s1  }
0xbd: {  	s0 =	simm.s32 @!p0 $0x2  }
0xbe: {  	_ =	swait.ge @!p0 [sflag:s0], s1  }
0xbf: {  	s1 =	ssub.s32 @!p0 $0x0, s1;
	[sflag:s0] =	ssyncset.done @!p0 $0x0  }
0xc0: {  	[sflag:s0] =	ssyncadd.s32 @!p0 s1  }
0xc1: {  	[bflag:$0x3] =	sbarrier.arrive $0xFFFF  }
0xc2: {  	_ =	shalt  }

// kernel: kernel.18.cloned.1.call-start
scs
__scs_entry_jumppad:
0x0: {  	(pc) =	sbr.rel $0x88, $3  }
0x1: {  	(tag) =	ssettag $0x0;
	lr =	simm.s32 $0x1  }
0x2: {  	[smem:$0x3F8A] =	sst lr;
	_ =	strace $0xD0000000  }
0x3: {  	_ = 	snop  }
0x4: {  	_ = 	snop  }
0x5: {  	_ = 	snop  }
0x6: {  	_ = 	snop  }
0x7: {  	_ = 	snop  }
__scs_overlays_trampoline_lowered:
0x8: {  	[smem:$0x3F99] =	sst s0  }
0x9: {  	[smem:$0x3F9A] =	sst s1  }
0xa: {  	[smem:$0x3F9B] =	sst s2  }
0xb: {  	[smem:$0x3F9C] =	sst s3  }
0xc: {  	[smem:$0x3F9D] =	sst s4  }
0xd: {  	[smem:$0x3F9E] =	sst s5  }
0xe: {  	[smem:$0x3F9F] =	sst s6  }
0xf: {  	[smem:$0x3FA0] =	sst s7  }
0x10: {  	[smem:$0x3FA1] =	sst s8  }
0x11: {  	[smem:$0x3FA2] =	sst s9;
	s0 =	simm.s32 @!p0 $0x0  }
0x12: {  	s1 =	sld [smem:$0x3F88];
	s0 =	simm.s32 @p0 $0x1  }
0x13: {  	[smem:$0x3FA3] =	sst s0;
	s0 =	simm.s32 @!p1 $0x0  }
0x14: {  	s2 =	sld [smem:$0x3F87];
	s0 =	simm.s32 @p1 $0x1  }
0x15: {  	[smem:$0x3FA4] =	sst s0;
	s0 =	simm.s32 @!p2 $0x0  }
0x16: {  	s3 =	sld [smem:$0x3FDB];
	s0 =	simm.s32 @p2 $0x1  }
0x17: {  	s4 =	simm.s32 $0x1BF5;
	[smem:$0x3FA6] =	sst s0  }
0x18: {  	s0 =	sld [smem:$0x3F89];
	_ =	swait.ge [sflag:s4], $0x0  }
0x19: {  	s7 =	sld [smem:$0x3F8A]  }
0x1a: {  	s8 =	sadd.s32 $0xFFFFE003, lr  }
0x1b: {  	s9 =	sadd.s32 $0xFFFFFEF7, lr;
	s5 =	simm.s32 $0xFFFFFFFF;
	p2 =	slt.u32 s8, $0xFFFFF086  }
0x1c: {  	p1 =	slt.u32 s9, $0xF7A;
	s5 =	simm.s32 @!p2 $0x0  }
0x1d: {  	s5 =	simm.s32 @p1 $0x1;
	p0 =	seq.s32 s7, s2  }
0x1e: {  	s7 =	smul.u32 @!p0 $0xF7A, s2;
	p2 =	seq.s32 @!p0 s5, $0x0  }
0x1f: {  	s9 =	smul.u32 $0xF7A, s1;
	s8 =	simm.s32 @!p0 $0x1BF5;
	p2 =	por !p2, p0  }
0x20: {  	[sflag:s8] =	ssyncset.s32 @!p0 $0xFFFFF086;
	s6 =	sadd.s32 @!p0 s3, s7;
	s7 =	simm.s32 @!p0 $0x108  }
0x21: {  	s3 =	sadd.s32 s3, s9;
	s6 =	sadd.s32 @!p0 $0x88, s6;
	s7 =	simm.s32 @p2 $0x1082  }
0x22: {  	[simem:s7], [sflag:s8] =	dma.local @!p0 [hbm:s6], $0xF7A  }
0x23: {  	s9 =	sor.u32 $0xD0000000, s2;
	s6 =	simm.s32 $0x108;
	_ =	swait.ge @!p0 [sflag:s8], $0x0  }
0x24: {  	s3 =	sadd.s32 $0x88, s3;
	s6 =	simm.s32 @!p1 $0x1082;
	[sflag:s4] =	ssyncset.s32 $0xFFFFF086  }
0x25: {  	[simem:s6], [sflag:s4] =	dma.local [hbm:s3], $0xF7A  }
0x26: {  	[smem:$0x3F8A] =	sst s1;
	(tag) =	ssettag s2;
	_ =	strace s9  }
0x27: {  	s1 =	sld [smem:$0x3F9A]  }
0x28: {  	s2 =	sld [smem:$0x3F9B]  }
0x29: {  	s4 =	sld [smem:$0x3F9D]  }
0x2a: {  	p0 =	seq.s32 s5, $0x0;
	s5 =	sld [smem:$0x3F9E]  }
0x2b: {  	s6 =	sld [smem:$0x3F9F]  }
0x2c: {  	s7 =	sld [smem:$0x3FA0]  }
0x2d: {  	s3 =	simm.s32 $0x108;
	s8 =	sld [smem:$0x3FA1]  }
0x2e: {  	s3 =	simm.s32 @!p0 $0x1082;
	s9 =	sld [smem:$0x3FA2]  }
0x2f: {  	lr =	sadd.s32 s0, s3;
	s0 =	sld [smem:$0x3F99]  }
0x30: {  	s3 =	sld [smem:$0x3F9C]  }
0x31: {  	[smem:$0x3FA5] =	sst s10  }
0x32: {  	s10 =	sld [smem:$0x3FA3];
	_ =	sdelay $0x3  }
0x33: {  	p0 =	seq.s32 s10, $0x1;
	s10 =	sld [smem:$0x3FA5];
	_ =	sdelay $0x3  }
0x34: {  	[smem:$0x3FA5] =	sst s10  }
0x35: {  	s10 =	sld [smem:$0x3FA4];
	_ =	sdelay $0x3  }
0x36: {  	p1 =	seq.s32 s10, $0x1;
	s10 =	sld [smem:$0x3FA5];
	_ =	sdelay $0x3  }
0x37: {  	[smem:$0x3FA5] =	sst s10  }
0x38: {  	s10 =	sld [smem:$0x3FA6]  }
0x39: {  	_ = 	snop;
	(pc) =	sbr.ind lr, $3  }
0x3a: {  	_ = 	snop  }
0x3b: {  	_ = 	snop  }
0x3c: {  	p2 =	seq.s32 s10, $0x1;
	s10 =	sld [smem:$0x3FA5]  }
0x3d: {  	_ =	shalt  }
0x3e: {  	_ =	shalt  }
0x3f: {  	_ =	shalt  }
0x40: {  	_ =	shalt  }
0x41: {  	_ =	shalt  }
0x42: {  	_ =	shalt  }
0x43: {  	_ =	shalt  }
0x44: {  	_ =	shalt  }
0x45: {  	_ =	shalt  }
0x46: {  	_ =	shalt  }
0x47: {  	_ =	shalt  }
0x48: {  	_ =	shalt  }
0x49: {  	_ =	shalt  }
0x4a: {  	_ =	shalt  }
0x4b: {  	_ =	shalt  }
0x4c: {  	_ =	shalt  }
0x4d: {  	_ =	shalt  }
0x4e: {  	_ =	shalt  }
0x4f: {  	_ =	shalt  }
0x50: {  	_ =	shalt  }
0x51: {  	_ =	shalt  }
0x52: {  	_ =	shalt  }
0x53: {  	_ =	shalt  }
0x54: {  	_ =	shalt  }
0x55: {  	_ =	shalt  }
0x56: {  	_ =	shalt  }
0x57: {  	_ =	shalt  }
0x58: {  	_ =	shalt  }
0x59: {  	_ =	shalt  }
0x5a: {  	_ =	shalt  }
0x5b: {  	_ =	shalt  }
0x5c: {  	_ =	shalt  }
0x5d: {  	_ =	shalt  }
0x5e: {  	_ =	shalt  }
0x5f: {  	_ =	shalt  }
0x60: {  	_ =	shalt  }
0x61: {  	_ =	shalt  }
0x62: {  	_ =	shalt  }
0x63: {  	_ =	shalt  }
0x64: {  	_ =	shalt  }
0x65: {  	_ =	shalt  }
0x66: {  	_ =	shalt  }
0x67: {  	_ =	shalt  }
0x68: {  	_ =	shalt  }
0x69: {  	_ =	shalt  }
0x6a: {  	_ =	shalt  }
0x6b: {  	_ =	shalt  }
0x6c: {  	_ =	shalt  }
0x6d: {  	_ =	shalt  }
0x6e: {  	_ =	shalt  }
0x6f: {  	_ =	shalt  }
0x70: {  	_ =	shalt  }
0x71: {  	_ =	shalt  }
0x72: {  	_ =	shalt  }
0x73: {  	_ =	shalt  }
0x74: {  	_ =	shalt  }
0x75: {  	_ =	shalt  }
0x76: {  	_ =	shalt  }
0x77: {  	_ =	shalt  }
0x78: {  	_ =	shalt  }
0x79: {  	_ =	shalt  }
0x7a: {  	_ =	shalt  }
0x7b: {  	_ =	shalt  }
0x7c: {  	_ =	shalt  }
0x7d: {  	_ =	shalt  }
0x7e: {  	_ =	shalt  }
0x7f: {  	_ =	shalt  }
0x80: {  	_ =	shalt  }
0x81: {  	_ =	shalt  }
0x82: {  	_ =	shalt  }
0x83: {  	_ =	shalt  }
0x84: {  	_ =	shalt  }
0x85: {  	_ =	shalt  }
0x86: {  	_ =	shalt  }
0x87: {  	_ =	shalt  }
.Lfunc_end0:
.L_simem_size_0:
called_computation.2_lowered:
.L_overlay_start_0:
0x88: {  	s2 =	sld [smem:$0x3FD9]  }
0x89: {  	s3 =	sld [smem:$0x3FFE];
	_ =	sdelay $0x1  }
0x8a: {  	s1 =	srdreg.scid  }
0x8b: {  	s0 =	sand.u32 $0x1, s1  }
0x8c: {  	s14 =	sshll.u32 s0, $0xA;
	s2 =	sadd.s32 s3, s2  }
0x8d: {  	s2 =	sadd.s32 s2, s14  }
0x8e: {  	[smem:$0x3FB1] =	sst s2  }
0x8f: {  	_ = 	snop  }
0x90: {  	s2 =	sld [smem:$0x3FD0];
	_ =	sdelay $0x1  }
0x91: {  	s15 =	sld [smem:$0x3FC8]  }
0x92: {  	s5 =	simm.s32 $0xA;
	s6 =	simm.s32 $0x10;
	s4 =	sld [smem:$0x3FC7]  }
0x93: {  	[smem:s6], [sflag:s5] =	dma.local [hbm:s2], $0x1  }
0x94: {  	_ =	swait.eq [sflag:s5], $0x1  }
0x95: {  	[sflag:s5] =	ssyncset.done $0x0  }
0x96: {  	[sflag:s5] =	ssyncadd.s32 $0xFFFFFFFF  }
0x97: {  	s16 =	sld [smem:$0x16];
	(tm) =	ssettm $0x1  }
0x98: {  	s17 =	sld [smem:$0x3FFB];
	_ =	sdelay $0x3  }
0x99: {  	_ =	strace s17  }
0x9a: {  	s5 =	sld [smem:$0x3FFC];
	_ =	sdelay $0x3  }
0x9b: {  	_ =	strace s5  }
0x9c: {  	s5 =	sld [smem:$0x3FFD];
	_ =	sdelay $0x3  }
0x9d: {  	_ =	strace s5  }
0x9e: {  	_ =	strace $0x8FFFFFFF  }
0x9f: {  	s18 =	sld [smem:$0x3FDB];
	_ =	sdelay $0x1  }
0xa0: {  	s19 =	simm.s32 $_scs_section_size  }
0xa1: {  	s7 =	simm.s32 $_size__tile_overlayer_lowered;
	s8 =	simm.s32 $_tile_overlayer_lowered  }
0xa2: {  	s22 =	simm.s32 $0x1BFF;
	s21 =	sshll.u32 s8, $0x1;
	s5 =	sadd.s32 s19, s18  }
0xa3: {  	s9 =	simm.s32 $0x0;
	s20 =	sshll.u32 s7, $0x1;
	s7 =	sadd.s32 s21, s5  }
0xa4: {  	[timem:s9], [sflag:s22] =	dma.local [hbm:s7], s20  }
0xa5: {  	_ =	swait.ge [sflag:s22], s20  }
0xa6: {  	s6 =	ssub.s32 $0x0, s20;
	[sflag:s22] =	ssyncset.done $0x0  }
0xa7: {  	[sflag:s22] =	ssyncadd.s32 s6;
	_ =	sdelay $0x1  }
0xa8: {  	s23 =	simm.s32 $0x1B8B  }
0xa9: {  	_ =	swait.ge [sflag:s23], $0x1  }
0xaa: {  	[sflag:s23] =	ssyncset.done $0x0  }
0xab: {  	s25 =	simm.s32 $0x1B8E;
	s24 =	sld [smem:$0x3FFE];
	[sflag:s23] =	ssyncadd.s32 $0xFFFFFFFF  }
0xac: {  	s26 =	simm.s32 $execute0_lowered;
	[smem:$0x3FD2] =	sst s25  }
0xad: {  	s7 =	sshll.u32 s26, $0x1;
	_ =	strace $0x8000004C;
	[dreg:$0x1] =	wrdreg $0xFFFFFFFF  }
0xae: {  	s28 =	simm.s32 $_size_execute0_lowered;
	s5 =	sadd.s32 s5, s7;
	[dreg:$0x0] =	wrdreg $0x0  }
0xaf: {  	s7 =	sshll.u32 s28, $0x1;
	[dreg:$0x2] =	wrdreg s5  }
0xb0: {  	[dreg:$0x3] =	wrdreg s7  }
0xb1: {  	[dreg:$0x4] =	wrdreg $0xC0  }
0xb2: {  	_ =	task [dreg:s9], $0x5FFFF  }
0xb3: {  	[dreg:$0x1] =	wrdreg $0xFFFFFFFF  }
0xb4: {  	[dreg:$0x0] =	wrdreg $0x60  }
0xb5: {  	[dreg:$0x2] =	wrdreg s16  }
0xb6: {  	[dreg:$0x3] =	wrdreg s15  }
0xb7: {  	[dreg:$0x4] =	wrdreg s4  }
0xb8: {  	[dreg:$0x5] =	wrdreg s24  }
0xb9: {  	[dreg:$0x6] =	wrdreg $0x11C000  }
0xba: {  	[dreg:$0x7] =	wrdreg $0x9  }
0xbb: {  	_ =	task.clear_ibuf [dreg:s9], $0x8FFFF;
	_ =	strace $0x9000004C  }
0xbc: {  	s29 =	simm.s32 $0x9;
	_ =	strace $0x8000004E  }
0xbd: {  	_ =	swait.ge [sflag:s29], $0x1  }
0xbe: {  	[sflag:s29] =	ssyncadd.s32 $0xFFFFFFFF  }
0xbf: {  	_ =	strace $0x9000004E  }
0xc0: {  	_ =	sfence  }
0xc1: {  	s30 =	sld [smem:$0x0];
	_ =	sdelay $0x2  }
0xc2: {  	s31 =	sshll.u32 s1, $0xD;
	s1 =	sshrl.u32 s1, $0x2  }
0xc3: {  	s3 =	sand.u32 $0x4000, s31;
	s1 =	sadd.s32 s1, s30  }
0xc4: {  	s0 =	sor.u32 s3, s0;
	s1 =	sshll.u32 s1, $0x11  }
0xc5: {  	s0 =	sor.u32 s1, s0  }
0xc6: {  	s0 =	sadd.s32 $0x8F2B, s0  }
0xc7: {  	[sflag:s0] =	ssyncadd.remote.s32 $0x1  }
0xc8: {  	_ =	sfence.sel $0xFFFF  }
0xc9: {  	[dreg:$0x0] =	wrdreg $0xFFFFFFFF;
	(pc) =	sbr.abs _section_cstart, $3  }
0xca: {  	[dreg:$0x1] =	wrdreg $0xFFFFFFFF  }
0xcb: {  	_ =	task.clear_ibuf [dreg:s9], $0x2FFFF;
	_ =	strace $0x9FFFFFFF  }
0xcc: {  	(tm) =	ssettm $0x7FFFFFFF  }
0xcd: {  	_ =	shalt  }
tec
execute0_lowered:
.L_overlay_start_1:
0x0: {  	(tag) =	ssettag $0x1  }
0x1: {  	s0 =	rddreg [dreg:$0x0]  }
0x2: {  	s2 =	rddreg [dreg:$0x1]  }
0x3: {  	s3 =	rddreg [dreg:$0x2]  }
0x4: {  	s9 =	rddreg [dreg:$0x3]  }
0x5: {  	s5 =	rddreg [dreg:$0x4]  }
0x6: {  	s1 =	srdreg.scid;
	s4 =	rddreg [dreg:$0x5]  }
0x7: {  	s6 =	simm.s32 $0x0;
	s12 =	simm.s32 $0x2;
	s7 =	sand.u32 $0x1, s1  }
0x8: {  	s13 =	simm.s32 $0x200;
	s1 =	stileid.u32;
	s8 =	smul.u32 $0x50000, s7  }
0x9: {  	s14 =	simm.s32 $0x190;
	s16 =	simm.s32 $0x1;
	s10 =	smul.u32 $0x5000, s1  }
0xa: {  	s17 =	simm.s32 $0x0;
	[smem:$0x7FF] =	sst s6;
	s28 =	smul.u32 $0x14000, s1  }
0xb: {  	_ =	strace $0x8000004D;
	s29 =	ssub.s32 $0x2, s7;
	s15 =	smul.u32 $0xFFFFF63C, s7  }
0xc: {  	s11 =	sshrl.u32 s29, $0x1;
	s8 =	sadd.s32 s10, s8;
	s30 =	sshrl.u32 s28, $0x2  }
0xd: {  	s31 =	ssub.s32 s29, s11;
	s11 =	simm.s32 $0xCC00;
	s8 =	sshrl.u32 s8, $0x3  }
0xe: {  	v0 =	vmov s15;
	s15 =	simm.s32 $0x400;
	s7 =	sadd.s32 s30, s5;
	s9 =	sadd.s32 s8, s9  }
0xf: {  	v1 =	vimm.f32 $0.0e+00;
	s10 =	smax.u32 s31, $0x1;
	s8 =	smul.u32 $0x4E20, s1;
	s9 =	sadd.s32 $0x7600, s9  }
.LBB2_1:
0x10: {  	s18 =	simm.s32 $0x0;
	s19 =	simm.s32 $0x200  }
.LBB2_2:
0x11: {  	p0 =	sne.s32 s19, $0x13E00;
	[tilespmem:s18+$0xCC70] =	vst v1  }
0x12: {  	[tilespmem:s18+$0xCC00] =	vst v1  }
0x13: {  	[tilespmem:s18+$0xCC10] =	vst v1  }
.Ltmp0:
0x14: {  	[tilespmem:s18+$0xCC20] =	vst v1;
	(pc) =	sbr.rel @p0 .LBB2_2-.Ltmp0, $4  }
0x15: {  	[tilespmem:s18+$0xCC30] =	vst v1  }
0x16: {  	[tilespmem:s18+$0xCC40] =	vst v1  }
0x17: {  	[tilespmem:s18+$0xCC50] =	vst v1  }
0x18: {  	[tilespmem:s18+$0xCC60] =	vst v1;
	s18 =	sshra.s32 s19, $0x2;
	s19 =	sadd.s32 $0x200, s19  }
0x19: {  	[tilespmem:s18+$0xCC70] =	vst v1  }
0x1a: {  	[tilespmem:s18+$0xCC00] =	vst v1  }
0x1b: {  	[tilespmem:s18+$0xCC10] =	vst v1  }
0x1c: {  	[tilespmem:s18+$0xCC20] =	vst v1  }
0x1d: {  	[tilespmem:s18+$0xCC30] =	vst v1  }
0x1e: {  	[tilespmem:s18+$0xCC40] =	vst v1  }
0x1f: {  	[tilespmem:s18+$0xCC50] =	vst v1  }
0x20: {  	[tilespmem:s18+$0xCC60] =	vst v1  }
0x21: {  	[spmem:s7] =	stream.linear.scatter [tilespmem:s11], [sflag:$0x2], $0x5000, $0x38;
	[tilespmem:$0x16C00] =	vst v63  }
0x22: {  	_ =	swait.ge [sflag:s12], $0x5000  }
0x23: {  	[sflag:s12] =	ssyncset.done $0x0  }
0x24: {  	[sflag:s12] =	ssyncadd.s32 $0xFFFFB000  }
0x25: {  	s18 =	simm.s32 $0x0;
	s19 =	simm.s32 $0x0;
	[bflag:$0x0] =	sbarrier.arrive $0xFFFF  }
.LBB2_4:
0x26: {  	s20 =	smul.u32 $0x190, s19;
	_ =	sdelay $0x1  }
0x27: {  	s20 =	sadd.s32 s8, s20  }
0x28: {  	s20 =	sshrl.u32 s20, $0x3  }
0x29: {  	s21 =	sadd.s32 s2, s20  }
0x2a: {  	[tilespmem:s18], [sflag:$0x2] =	stream.linear.gather [hbm4b:s21+s18], $0x190, $0x38;
	[tilespmem:$0x16C00] =	vst v63  }
0x2b: {  	_ =	swait.ge [sflag:s12], $0x190  }
0x2c: {  	[sflag:s12] =	ssyncset.done $0x0  }
0x2d: {  	s20 =	sadd.s32 s3, s20;
	[sflag:s12] =	ssyncadd.s32 $0xFFFFFE70  }
0x2e: {  	[tilespmem:s13], [sflag:$0x2] =	stream.linear.gather [hbm4b:s20+s18], $0x190, $0x38;
	[tilespmem:$0x16C00] =	vst v63  }
0x2f: {  	_ =	swait.ge [sflag:s12], $0x190  }
0x30: {  	[sflag:s12] =	ssyncset.done $0x0  }
0x31: {  	s21 =	simm.s32 $0x40;
	s20 =	simm.s32 $0x0;
	[sflag:s12] =	ssyncadd.s32 $0xFFFFFE70  }
.LBB2_5:
0x32: {  	p0 =	sne.s32 s21, $0x600;
	v2 =	vld [tilespmem:s20+$0x200];
	_ =	sdelay $0x3  }
.Ltmp1:
0x33: {  	(pc) =	sbr.rel @p0 .LBB2_5-.Ltmp1, $4  }
0x34: {  	v2 =	vadd.s32 v0, v2  }
0x35: {  	vm0 =	vlt.u32 v2, $0x9C4  }
0x36: {  	v2 =	vnsel vm0, $0x9FF, v2  }
0x37: {  	[tilespmem:s20+$0x200] =	vst v2;
	s20 =	sshra.s32 s21, $0x2;
	s21 =	sadd.s32 $0x40, s21  }
0x38: {  	v2 =	vld [tilespmem:s20+$0x200];
	_ =	sdelay $0x4  }
0x39: {  	v2 =	vadd.s32 v0, v2  }
0x3a: {  	vm0 =	vlt.u32 v2, $0x9C4  }
0x3b: {  	v2 =	vnsel vm0, $0x9FF, v2  }
0x3c: {  	[tilespmem:s20+$0x200] =	vst v2  }
0x3d: {  	[tilespmem:s15], [sflag:$0x1] =	stream.indirect.gather [hbm4b:s0+s14], $0x80, s6, s14, $0xb8;
	[tilespmem:$0x16C00] =	vst v63  }
0x3e: {  	s19 =	sadd.s32 $0x1, s19;
	_ =	swait.ge [sflag:s16], $0xC800  }
0x3f: {  	p0 =	sne.s32 s19, $0x32;
	[sflag:s16] =	ssyncset.done $0x0  }
.Ltmp2:
0x40: {  	[sflag:s16] =	ssyncadd.s32 $0xFFFF3800;
	(pc) =	sbr.rel @p0 .LBB2_4-.Ltmp2, $4  }
0x41: {  	[spmem:s5] =	stream.indirect.scatter.add.f32 [tilespmem:s15], [sflag:$0x2], $0x80, s13, s14, $0xb8;
	[tilespmem:$0x16C00] =	vst v63  }
0x42: {  	_ =	swait.ge [sflag:s12], $0xC800  }
0x43: {  	[sflag:s12] =	ssyncset.done $0x0  }
0x44: {  	[sflag:s12] =	ssyncadd.s32 $0xFFFF3800  }
0x45: {  	[bflag:$0x0] =	sbarrier.arrive $0xFFFF  }
0x46: {  	[tilespmem:s11], [sflag:$0x2] =	stream.linear.gather [spmem:s7], $0x5000, $0x38;
	[tilespmem:$0x16C00] =	vst v63  }
0x47: {  	s17 =	sadd.s32 $0x1, s17;
	_ =	swait.ge [sflag:s12], $0x5000  }
0x48: {  	p0 =	sne.s32 s17, s10;
	[sflag:s12] =	ssyncset.done $0x0  }
.Ltmp3:
0x49: {  	[sflag:s12] =	ssyncadd.s32 $0xFFFFB000;
	(pc) =	sbr.rel @p0 .LBB2_1-.Ltmp3, $4  }
0x4a: {  	[hbm4b:s9+s6] =	stream.linear.scatter [tilespmem:s11], [sflag:$0x2], $0x5000, $0x38;
	[tilespmem:$0x16C00] =	vst v63  }
0x4b: {  	_ =	swait.ge [sflag:s12], $0x5000  }
0x4c: {  	[sflag:s12] =	ssyncset.done $0x0  }
0x4d: {  	[sflag:s12] =	ssyncadd.s32 $0xFFFFB000  }
0x4e: {  	_ =	sfence.sel $0x180000  }
0x4f: {  	[bflag:$0x0] =	sbarrier.arrive $0xFFFF  }
0x50: {  	p0 =	sne.s32 s1, $0x0;
	_ =	strace $0x9000004D  }
0x51: {  	s0 =	sadd.s32 @!p0 $0x100000, s4;
	[bflag:$0x2] =	sbarrier.arrive $0xFFFF  }
0x52: {  	[sflag:s0] =	ssyncadd.tile.s32 @!p0 $0x1;
	_ =	shalt  }
.Lfunc_end2:
_tile_overlayer_lowered:
.L_overlay_start_2:
0x53: {  	(tag) =	ssettag $0x2  }
0x54: {  	s0 =	rddreg [dreg:$0x0];
	s2 =	stileid.u32  }
0x55: {  	s1 =	rddreg [dreg:$0x1];
	p0 =	sne.s32 s2, $0x0  }
0x56: {  	s3 =	rddreg [dreg:$0x2];
	[bflag:$0x3] =	sbarrier.arrive $0xFFFF;
	s2 =	simm.s32 @!p0 $0x1C02  }
0x57: {  	[timem:s3], [sflag:s2] =	dma.local @!p0 [hbm:s0], s1  }
0x58: {  	s0 =	simm.s32 @!p0 $0x2  }
0x59: {  	_ =	swait.ge @!p0 [sflag:s0], s1  }
0x5a: {  	s1 =	ssub.s32 @!p0 $0x0, s1;
	[sflag:s0] =	ssyncset.done @!p0 $0x0  }
0x5b: {  	[sflag:s0] =	ssyncadd.s32 @!p0 s1  }
0x5c: {  	[bflag:$0x3] =	sbarrier.arrive $0xFFFF  }
0x5d: {  	_ =	shalt  }

// kernel: kernel.21.cloned.1.call-start
scs
__scs_entry_jumppad:
0x0: {  	(pc) =	sbr.rel $0x88, $3  }
0x1: {  	(tag) =	ssettag $0x0;
	lr =	simm.s32 $0x1  }
0x2: {  	[smem:$0x3F8A] =	sst lr;
	_ =	strace $0xD0000000  }
0x3: {  	_ = 	snop  }
0x4: {  	_ = 	snop  }
0x5: {  	_ = 	snop  }
0x6: {  	_ = 	snop  }
0x7: {  	_ = 	snop  }
__scs_overlays_trampoline_lowered:
0x8: {  	[smem:$0x3F99] =	sst s0  }
0x9: {  	[smem:$0x3F9A] =	sst s1  }
0xa: {  	[smem:$0x3F9B] =	sst s2  }
0xb: {  	[smem:$0x3F9C] =	sst s3  }
0xc: {  	[smem:$0x3F9D] =	sst s4  }
0xd: {  	[smem:$0x3F9E] =	sst s5  }
0xe: {  	[smem:$0x3F9F] =	sst s6  }
0xf: {  	[smem:$0x3FA0] =	sst s7  }
0x10: {  	[smem:$0x3FA1] =	sst s8  }
0x11: {  	[smem:$0x3FA2] =	sst s9;
	s0 =	simm.s32 @!p0 $0x0  }
0x12: {  	s1 =	sld [smem:$0x3F88];
	s0 =	simm.s32 @p0 $0x1  }
0x13: {  	[smem:$0x3FA3] =	sst s0;
	s0 =	simm.s32 @!p1 $0x0  }
0x14: {  	s2 =	sld [smem:$0x3F87];
	s0 =	simm.s32 @p1 $0x1  }
0x15: {  	[smem:$0x3FA4] =	sst s0;
	s0 =	simm.s32 @!p2 $0x0  }
0x16: {  	s3 =	sld [smem:$0x3FDB];
	s0 =	simm.s32 @p2 $0x1  }
0x17: {  	s4 =	simm.s32 $0x1BF5;
	[smem:$0x3FA6] =	sst s0  }
0x18: {  	s0 =	sld [smem:$0x3F89];
	_ =	swait.ge [sflag:s4], $0x0  }
0x19: {  	s7 =	sld [smem:$0x3F8A]  }
0x1a: {  	s8 =	sadd.s32 $0xFFFFE003, lr  }
0x1b: {  	s9 =	sadd.s32 $0xFFFFFEF7, lr;
	s5 =	simm.s32 $0xFFFFFFFF;
	p2 =	slt.u32 s8, $0xFFFFF086  }
0x1c: {  	p1 =	slt.u32 s9, $0xF7A;
	s5 =	simm.s32 @!p2 $0x0  }
0x1d: {  	s5 =	simm.s32 @p1 $0x1;
	p0 =	seq.s32 s7, s2  }
0x1e: {  	s7 =	smul.u32 @!p0 $0xF7A, s2;
	p2 =	seq.s32 @!p0 s5, $0x0  }
0x1f: {  	s9 =	smul.u32 $0xF7A, s1;
	s8 =	simm.s32 @!p0 $0x1BF5;
	p2 =	por !p2, p0  }
0x20: {  	[sflag:s8] =	ssyncset.s32 @!p0 $0xFFFFF086;
	s6 =	sadd.s32 @!p0 s3, s7;
	s7 =	simm.s32 @!p0 $0x108  }
0x21: {  	s3 =	sadd.s32 s3, s9;
	s6 =	sadd.s32 @!p0 $0x88, s6;
	s7 =	simm.s32 @p2 $0x1082  }
0x22: {  	[simem:s7], [sflag:s8] =	dma.local @!p0 [hbm:s6], $0xF7A  }
0x23: {  	s9 =	sor.u32 $0xD0000000, s2;
	s6 =	simm.s32 $0x108;
	_ =	swait.ge @!p0 [sflag:s8], $0x0  }
0x24: {  	s3 =	sadd.s32 $0x88, s3;
	s6 =	simm.s32 @!p1 $0x1082;
	[sflag:s4] =	ssyncset.s32 $0xFFFFF086  }
0x25: {  	[simem:s6], [sflag:s4] =	dma.local [hbm:s3], $0xF7A  }
0x26: {  	[smem:$0x3F8A] =	sst s1;
	(tag) =	ssettag s2;
	_ =	strace s9  }
0x27: {  	s1 =	sld [smem:$0x3F9A]  }
0x28: {  	s2 =	sld [smem:$0x3F9B]  }
0x29: {  	s4 =	sld [smem:$0x3F9D]  }
0x2a: {  	p0 =	seq.s32 s5, $0x0;
	s5 =	sld [smem:$0x3F9E]  }
0x2b: {  	s6 =	sld [smem:$0x3F9F]  }
0x2c: {  	s7 =	sld [smem:$0x3FA0]  }
0x2d: {  	s3 =	simm.s32 $0x108;
	s8 =	sld [smem:$0x3FA1]  }
0x2e: {  	s3 =	simm.s32 @!p0 $0x1082;
	s9 =	sld [smem:$0x3FA2]  }
0x2f: {  	lr =	sadd.s32 s0, s3;
	s0 =	sld [smem:$0x3F99]  }
0x30: {  	s3 =	sld [smem:$0x3F9C]  }
0x31: {  	[smem:$0x3FA5] =	sst s10  }
0x32: {  	s10 =	sld [smem:$0x3FA3];
	_ =	sdelay $0x3  }
0x33: {  	p0 =	seq.s32 s10, $0x1;
	s10 =	sld [smem:$0x3FA5];
	_ =	sdelay $0x3  }
0x34: {  	[smem:$0x3FA5] =	sst s10  }
0x35: {  	s10 =	sld [smem:$0x3FA4];
	_ =	sdelay $0x3  }
0x36: {  	p1 =	seq.s32 s10, $0x1;
	s10 =	sld [smem:$0x3FA5];
	_ =	sdelay $0x3  }
0x37: {  	[smem:$0x3FA5] =	sst s10  }
0x38: {  	s10 =	sld [smem:$0x3FA6]  }
0x39: {  	_ = 	snop;
	(pc) =	sbr.ind lr, $3  }
0x3a: {  	_ = 	snop  }
0x3b: {  	_ = 	snop  }
0x3c: {  	p2 =	seq.s32 s10, $0x1;
	s10 =	sld [smem:$0x3FA5]  }
0x3d: {  	_ =	shalt  }
0x3e: {  	_ =	shalt  }
0x3f: {  	_ =	shalt  }
0x40: {  	_ =	shalt  }
0x41: {  	_ =	shalt  }
0x42: {  	_ =	shalt  }
0x43: {  	_ =	shalt  }
0x44: {  	_ =	shalt  }
0x45: {  	_ =	shalt  }
0x46: {  	_ =	shalt  }
0x47: {  	_ =	shalt  }
0x48: {  	_ =	shalt  }
0x49: {  	_ =	shalt  }
0x4a: {  	_ =	shalt  }
0x4b: {  	_ =	shalt  }
0x4c: {  	_ =	shalt  }
0x4d: {  	_ =	shalt  }
0x4e: {  	_ =	shalt  }
0x4f: {  	_ =	shalt  }
0x50: {  	_ =	shalt  }
0x51: {  	_ =	shalt  }
0x52: {  	_ =	shalt  }
0x53: {  	_ =	shalt  }
0x54: {  	_ =	shalt  }
0x55: {  	_ =	shalt  }
0x56: {  	_ =	shalt  }
0x57: {  	_ =	shalt  }
0x58: {  	_ =	shalt  }
0x59: {  	_ =	shalt  }
0x5a: {  	_ =	shalt  }
0x5b: {  	_ =	shalt  }
0x5c: {  	_ =	shalt  }
0x5d: {  	_ =	shalt  }
0x5e: {  	_ =	shalt  }
0x5f: {  	_ =	shalt  }
0x60: {  	_ =	shalt  }
0x61: {  	_ =	shalt  }
0x62: {  	_ =	shalt  }
0x63: {  	_ =	shalt  }
0x64: {  	_ =	shalt  }
0x65: {  	_ =	shalt  }
0x66: {  	_ =	shalt  }
0x67: {  	_ =	shalt  }
0x68: {  	_ =	shalt  }
0x69: {  	_ =	shalt  }
0x6a: {  	_ =	shalt  }
0x6b: {  	_ =	shalt  }
0x6c: {  	_ =	shalt  }
0x6d: {  	_ =	shalt  }
0x6e: {  	_ =	shalt  }
0x6f: {  	_ =	shalt  }
0x70: {  	_ =	shalt  }
0x71: {  	_ =	shalt  }
0x72: {  	_ =	shalt  }
0x73: {  	_ =	shalt  }
0x74: {  	_ =	shalt  }
0x75: {  	_ =	shalt  }
0x76: {  	_ =	shalt  }
0x77: {  	_ =	shalt  }
0x78: {  	_ =	shalt  }
0x79: {  	_ =	shalt  }
0x7a: {  	_ =	shalt  }
0x7b: {  	_ =	shalt  }
0x7c: {  	_ =	shalt  }
0x7d: {  	_ =	shalt  }
0x7e: {  	_ =	shalt  }
0x7f: {  	_ =	shalt  }
0x80: {  	_ =	shalt  }
0x81: {  	_ =	shalt  }
0x82: {  	_ =	shalt  }
0x83: {  	_ =	shalt  }
0x84: {  	_ =	shalt  }
0x85: {  	_ =	shalt  }
0x86: {  	_ =	shalt  }
0x87: {  	_ =	shalt  }
.Lfunc_end0:
.L_simem_size_0:
called_computation.3_lowered:
.L_overlay_start_0:
0x88: {  	s2 =	sld [smem:$0x3FD9]  }
0x89: {  	s3 =	sld [smem:$0x3FFE];
	_ =	sdelay $0x1  }
0x8a: {  	s1 =	srdreg.scid  }
0x8b: {  	s0 =	sand.u32 $0x1, s1  }
0x8c: {  	s14 =	sshll.u32 s0, $0xA;
	s2 =	sadd.s32 s3, s2  }
0x8d: {  	s2 =	sadd.s32 s2, s14  }
0x8e: {  	[smem:$0x3FB1] =	sst s2  }
0x8f: {  	_ = 	snop  }
0x90: {  	s2 =	sld [smem:$0x3FD0];
	_ =	sdelay $0x1  }
0x91: {  	s15 =	sld [smem:$0x3FC8]  }
0x92: {  	s5 =	simm.s32 $0xA;
	s6 =	simm.s32 $0x10;
	s4 =	sld [smem:$0x3FC7]  }
0x93: {  	[smem:s6], [sflag:s5] =	dma.local [hbm:s2], $0x1  }
0x94: {  	_ =	swait.eq [sflag:s5], $0x1  }
0x95: {  	[sflag:s5] =	ssyncset.done $0x0  }
0x96: {  	[sflag:s5] =	ssyncadd.s32 $0xFFFFFFFF  }
0x97: {  	s16 =	sld [smem:$0x16];
	(tm) =	ssettm $0x1  }
0x98: {  	s17 =	sld [smem:$0x3FFB];
	_ =	sdelay $0x3  }
0x99: {  	_ =	strace s17  }
0x9a: {  	s5 =	sld [smem:$0x3FFC];
	_ =	sdelay $0x3  }
0x9b: {  	_ =	strace s5  }
0x9c: {  	s5 =	sld [smem:$0x3FFD];
	_ =	sdelay $0x3  }
0x9d: {  	_ =	strace s5  }
0x9e: {  	_ =	strace $0x8FFFFFFF  }
0x9f: {  	s18 =	sld [smem:$0x3FDB];
	_ =	sdelay $0x1  }
0xa0: {  	s19 =	simm.s32 $_scs_section_size  }
0xa1: {  	s7 =	simm.s32 $_size__tile_overlayer_lowered;
	s8 =	simm.s32 $_tile_overlayer_lowered  }
0xa2: {  	s22 =	simm.s32 $0x1BFF;
	s21 =	sshll.u32 s8, $0x1;
	s5 =	sadd.s32 s19, s18  }
0xa3: {  	s9 =	simm.s32 $0x0;
	s20 =	sshll.u32 s7, $0x1;
	s7 =	sadd.s32 s21, s5  }
0xa4: {  	[timem:s9], [sflag:s22] =	dma.local [hbm:s7], s20  }
0xa5: {  	_ =	swait.ge [sflag:s22], s20  }
0xa6: {  	s6 =	ssub.s32 $0x0, s20;
	[sflag:s22] =	ssyncset.done $0x0  }
0xa7: {  	[sflag:s22] =	ssyncadd.s32 s6;
	_ =	sdelay $0x1  }
0xa8: {  	s23 =	simm.s32 $0x1B8B  }
0xa9: {  	_ =	swait.ge [sflag:s23], $0x1  }
0xaa: {  	[sflag:s23] =	ssyncset.done $0x0  }
0xab: {  	s25 =	simm.s32 $0x1B8E;
	s24 =	sld [smem:$0x3FFE];
	[sflag:s23] =	ssyncadd.s32 $0xFFFFFFFF  }
0xac: {  	s26 =	simm.s32 $execute0_lowered;
	[smem:$0x3FD2] =	sst s25  }
0xad: {  	s7 =	sshll.u32 s26, $0x1;
	_ =	strace $0x8000004F;
	[dreg:$0x1] =	wrdreg $0xFFFFFFFF  }
0xae: {  	s28 =	simm.s32 $_size_execute0_lowered;
	s5 =	sadd.s32 s5, s7;
	[dreg:$0x0] =	wrdreg $0x0  }
0xaf: {  	s7 =	sshll.u32 s28, $0x1;
	[dreg:$0x2] =	wrdreg s5  }
0xb0: {  	[dreg:$0x3] =	wrdreg s7  }
0xb1: {  	[dreg:$0x4] =	wrdreg $0xC0  }
0xb2: {  	_ =	task [dreg:s9], $0x5FFFF  }
0xb3: {  	[dreg:$0x1] =	wrdreg $0xFFFFFFFF  }
0xb4: {  	[dreg:$0x0] =	wrdreg $0x60  }
0xb5: {  	[dreg:$0x2] =	wrdreg s16  }
0xb6: {  	[dreg:$0x3] =	wrdreg s4  }
0xb7: {  	[dreg:$0x4] =	wrdreg s15  }
0xb8: {  	[dreg:$0x5] =	wrdreg s24  }
0xb9: {  	[dreg:$0x6] =	wrdreg $0x11C000  }
0xba: {  	[dreg:$0x7] =	wrdreg $0x9  }
0xbb: {  	_ =	task.clear_ibuf [dreg:s9], $0x8FFFF;
	_ =	strace $0x9000004F  }
0xbc: {  	s29 =	simm.s32 $0x9;
	_ =	strace $0x80000051  }
0xbd: {  	_ =	swait.ge [sflag:s29], $0x1  }
0xbe: {  	[sflag:s29] =	ssyncadd.s32 $0xFFFFFFFF  }
0xbf: {  	_ =	strace $0x90000051  }
0xc0: {  	_ =	sfence  }
0xc1: {  	s30 =	sld [smem:$0x0];
	_ =	sdelay $0x2  }
0xc2: {  	s31 =	sshll.u32 s1, $0xD;
	s1 =	sshrl.u32 s1, $0x2  }
0xc3: {  	s3 =	sand.u32 $0x4000, s31;
	s1 =	sadd.s32 s1, s30  }
0xc4: {  	s0 =	sor.u32 s3, s0;
	s1 =	sshll.u32 s1, $0x11  }
0xc5: {  	s0 =	sor.u32 s1, s0  }
0xc6: {  	s0 =	sadd.s32 $0x8F2B, s0  }
0xc7: {  	[sflag:s0] =	ssyncadd.remote.s32 $0x1  }
0xc8: {  	_ =	sfence.sel $0xFFFF  }
0xc9: {  	[dreg:$0x0] =	wrdreg $0xFFFFFFFF;
	(pc) =	sbr.abs _section_cstart, $3  }
0xca: {  	[dreg:$0x1] =	wrdreg $0xFFFFFFFF  }
0xcb: {  	_ =	task.clear_ibuf [dreg:s9], $0x2FFFF;
	_ =	strace $0x9FFFFFFF  }
0xcc: {  	(tm) =	ssettm $0x7FFFFFFF  }
0xcd: {  	_ =	shalt  }
tec
execute0_lowered:
.L_overlay_start_1:
0x0: {  	(tag) =	ssettag $0x1  }
0x1: {  	s1 =	rddreg [dreg:$0x0]  }
0x2: {  	s2 =	rddreg [dreg:$0x1]  }
0x3: {  	s3 =	rddreg [dreg:$0x2]  }
0x4: {  	s7 =	rddreg [dreg:$0x3]  }
0x5: {  	s5 =	rddreg [dreg:$0x4]  }
0x6: {  	s0 =	rddreg [dreg:$0x5]  }
0x7: {  	s6 =	simm.s32 $0x0;
	s8 =	srdreg.scid;
	s4 =	stileid.u32  }
0x8: {  	s15 =	simm.s32 $0x200;
	s16 =	simm.s32 $0x190;
	s18 =	simm.s32 $0x1  }
0x9: {  	s19 =	simm.s32 $0x0;
	[smem:$0x7FF] =	sst s6;
	s9 =	smul.u32 $0x28000, s4  }
0xa: {  	s8 =	sand.u32 $0x1, s8;
	s11 =	smul.u32 $0xA000, s4;
	s12 =	sadd.s32 $0x7600, s7  }
0xb: {  	_ =	strace $0x80000050;
	s10 =	ssub.s32 $0x2, s8;
	s13 =	smul.u32 $0xA0000, s8  }
0xc: {  	s17 =	smul.u32 $0xFFFFEC78, s8;
	s26 =	sshrl.u32 s10, $0x1;
	s28 =	sshrl.u32 s9, $0x2  }
0xd: {  	s29 =	sadd.s32 $0x5000, s11;
	s9 =	smul.u32 $0x4E20, s4;
	s14 =	ssub.s32 s10, s26  }
0xe: {  	s7 =	sadd.s32 s28, s5;
	s30 =	sadd.s32 s11, s13;
	s8 =	sadd.s32 s29, s5  }
0xf: {  	s31 =	sadd.s32 s13, s29;
	s13 =	simm.s32 $0xCC00;
	s10 =	sshrl.u32 s30, $0x3  }
0x10: {  	v0 =	vmov s17;
	s17 =	simm.s32 $0x400;
	s11 =	sshrl.u32 s31, $0x3;
	s10 =	sadd.s32 s12, s10  }
0x11: {  	v1 =	vimm.f32 $0.0e+00;
	s11 =	sadd.s32 s12, s11;
	s12 =	smax.u32 s14, $0x1;
	s14 =	simm.s32 $0x2  }
.LBB2_1:
0x12: {  	s20 =	simm.s32 $0x0;
	s21 =	simm.s32 $0x200  }
.LBB2_2:
0x13: {  	p0 =	sne.s32 s21, $0x13E00;
	[tilespmem:s20+$0xCC70] =	vst v1  }
0x14: {  	[tilespmem:s20+$0xCC00] =	vst v1  }
0x15: {  	[tilespmem:s20+$0xCC10] =	vst v1  }
.Ltmp0:
0x16: {  	[tilespmem:s20+$0xCC20] =	vst v1;
	(pc) =	sbr.rel @p0 .LBB2_2-.Ltmp0, $4  }
0x17: {  	[tilespmem:s20+$0xCC30] =	vst v1  }
0x18: {  	[tilespmem:s20+$0xCC40] =	vst v1  }
0x19: {  	[tilespmem:s20+$0xCC50] =	vst v1  }
0x1a: {  	[tilespmem:s20+$0xCC60] =	vst v1;
	s20 =	sshra.s32 s21, $0x2;
	s21 =	sadd.s32 $0x200, s21  }
0x1b: {  	[tilespmem:s20+$0xCC70] =	vst v1  }
0x1c: {  	[tilespmem:s20+$0xCC00] =	vst v1  }
0x1d: {  	[tilespmem:s20+$0xCC10] =	vst v1  }
0x1e: {  	[tilespmem:s20+$0xCC20] =	vst v1  }
0x1f: {  	[tilespmem:s20+$0xCC30] =	vst v1  }
0x20: {  	[tilespmem:s20+$0xCC40] =	vst v1  }
0x21: {  	[tilespmem:s20+$0xCC50] =	vst v1  }
0x22: {  	[tilespmem:s20+$0xCC60] =	vst v1  }
0x23: {  	[spmem:s7] =	stream.linear.scatter [tilespmem:s13], [sflag:$0x2], $0x5000, $0x38;
	[tilespmem:$0x1BC00] =	vst v63  }
0x24: {  	_ =	swait.ge [sflag:s14], $0x5000  }
0x25: {  	[sflag:s14] =	ssyncset.done $0x0  }
0x26: {  	[sflag:s14] =	ssyncadd.s32 $0xFFFFB000  }
0x27: {  	[spmem:s8] =	stream.linear.scatter [tilespmem:s13], [sflag:$0x2], $0x5000, $0x38;
	[tilespmem:$0x1BC00] =	vst v63  }
0x28: {  	_ =	swait.ge [sflag:s14], $0x5000  }
0x29: {  	[sflag:s14] =	ssyncset.done $0x0  }
0x2a: {  	[sflag:s14] =	ssyncadd.s32 $0xFFFFB000  }
0x2b: {  	s20 =	simm.s32 $0x0;
	s21 =	simm.s32 $0x0;
	[bflag:$0x0] =	sbarrier.arrive $0xFFFF  }
.LBB2_4:
0x2c: {  	s22 =	smul.u32 $0x190, s21;
	_ =	sdelay $0x1  }
0x2d: {  	s22 =	sadd.s32 s9, s22  }
0x2e: {  	s22 =	sshrl.u32 s22, $0x3  }
0x2f: {  	s23 =	sadd.s32 s2, s22  }
0x30: {  	[tilespmem:s20], [sflag:$0x2] =	stream.linear.gather [hbm4b:s23+s20], $0x190, $0x38;
	[tilespmem:$0x1BC00] =	vst v63  }
0x31: {  	_ =	swait.ge [sflag:s14], $0x190  }
0x32: {  	[sflag:s14] =	ssyncset.done $0x0  }
0x33: {  	s22 =	sadd.s32 s3, s22;
	[sflag:s14] =	ssyncadd.s32 $0xFFFFFE70  }
0x34: {  	[tilespmem:s15], [sflag:$0x2] =	stream.linear.gather [hbm4b:s22+s20], $0x190, $0x38;
	[tilespmem:$0x1BC00] =	vst v63  }
0x35: {  	_ =	swait.ge [sflag:s14], $0x190  }
0x36: {  	[sflag:s14] =	ssyncset.done $0x0  }
0x37: {  	s22 =	simm.s32 $0x0;
	[sflag:s14] =	ssyncadd.s32 $0xFFFFFE70  }
0x38: {  	s23 =	simm.s32 $0x40;
	v2 =	vld [tilespmem:s22+$0x200]  }
.LBB2_5:
0x39: {  	p0 =	sne.s32 s23, $0x600  }
0x3a: {  	v3 =	vld [tilespmem:s22+$0x0];
	_ =	sdelay $0x2  }
.Ltmp1:
0x3b: {  	v2 =	vadd.s32 v0, v2;
	(pc) =	sbr.rel @p0 .LBB2_5-.Ltmp1, $4  }
0x3c: {  	vm0 =	vlt.u32 v2, $0x1388  }
0x3d: {  	v2 =	vnsel vm0, $0x13FF, v2;
	vm0 =	vgt.s32 v3, $0x9C3;
	v4 =	vadd.s32 $0x3C, v3  }
0x3e: {  	s24 =	sshra.s32 s23, $0x2;
	[tilespmem:s22+$0x200] =	vst v2;
	v3 =	vsel vm0, v4, v3  }
0x3f: {  	s23 =	sadd.s32 $0x40, s23;
	v2 =	vld [tilespmem:s24+$0x200];
	[tilespmem:s22+$0x0] =	vst v3;
	s22 =	smov.u32 s24  }
0x40: {  	_ = 	snop  }
0x41: {  	v3 =	vld [tilespmem:s22+$0x0];
	_ =	sdelay $0x2  }
0x42: {  	v2 =	vadd.s32 v0, v2  }
0x43: {  	vm0 =	vlt.u32 v2, $0x1388  }
0x44: {  	vm15 =	vgt.s32 v3, $0x9C3;
	v4 =	vadd.s32 $0x3C, v3;
	v2 =	vnsel vm0, $0x13FF, v2  }
0x45: {  	[tilespmem:s22+$0x200] =	vst v2;
	v2 =	vsel vm15, v4, v3  }
0x46: {  	[tilespmem:s22+$0x0] =	vst v2  }
0x47: {  	[tilespmem:s17], [sflag:$0x1] =	stream.indirect.gather [hbm4b:s1+s16], $0x80, s6, s16, $0xb8;
	[tilespmem:$0x1BC00] =	vst v63  }
0x48: {  	s21 =	sadd.s32 $0x1, s21;
	_ =	swait.ge [sflag:s18], $0xC800  }
0x49: {  	p0 =	sne.s32 s21, $0x32;
	[sflag:s18] =	ssyncset.done $0x0  }
.Ltmp2:
0x4a: {  	[sflag:s18] =	ssyncadd.s32 $0xFFFF3800;
	(pc) =	sbr.rel @p0 .LBB2_4-.Ltmp2, $4  }
0x4b: {  	[spmem:s5] =	stream.indirect.scatter.add.f32 [tilespmem:s17], [sflag:$0x2], $0x80, s15, s16, $0xb8;
	[tilespmem:$0x1BC00] =	vst v63  }
0x4c: {  	_ =	swait.ge [sflag:s14], $0xC800  }
0x4d: {  	[sflag:s14] =	ssyncset.done $0x0  }
0x4e: {  	[sflag:s14] =	ssyncadd.s32 $0xFFFF3800  }
0x4f: {  	[bflag:$0x0] =	sbarrier.arrive $0xFFFF  }
0x50: {  	[tilespmem:s13], [sflag:$0x2] =	stream.linear.gather [spmem:s7], $0x5000, $0x38;
	[tilespmem:$0x1BC00] =	vst v63  }
0x51: {  	_ =	swait.ge [sflag:s14], $0x5000  }
0x52: {  	[sflag:s14] =	ssyncset.done $0x0  }
0x53: {  	[sflag:s14] =	ssyncadd.s32 $0xFFFFB000  }
0x54: {  	[hbm4b:s10+s6] =	stream.linear.scatter [tilespmem:s13], [sflag:$0x2], $0x5000, $0x38;
	[tilespmem:$0x1BC00] =	vst v63  }
0x55: {  	_ =	swait.ge [sflag:s14], $0x5000  }
0x56: {  	[sflag:s14] =	ssyncset.done $0x0  }
0x57: {  	[sflag:s14] =	ssyncadd.s32 $0xFFFFB000  }
0x58: {  	[tilespmem:s13], [sflag:$0x2] =	stream.linear.gather [spmem:s8], $0x5000, $0x38;
	[tilespmem:$0x1BC00] =	vst v63  }
0x59: {  	s19 =	sadd.s32 $0x1, s19;
	_ =	swait.ge [sflag:s14], $0x5000  }
0x5a: {  	p0 =	sne.s32 s19, s12;
	[sflag:s14] =	ssyncset.done $0x0  }
.Ltmp3:
0x5b: {  	[sflag:s14] =	ssyncadd.s32 $0xFFFFB000;
	(pc) =	sbr.rel @p0 .LBB2_1-.Ltmp3, $4  }
0x5c: {  	[hbm4b:s11+s6] =	stream.linear.scatter [tilespmem:s13], [sflag:$0x2], $0x5000, $0x38;
	[tilespmem:$0x1BC00] =	vst v63  }
0x5d: {  	_ =	swait.ge [sflag:s14], $0x5000  }
0x5e: {  	[sflag:s14] =	ssyncset.done $0x0  }
0x5f: {  	[sflag:s14] =	ssyncadd.s32 $0xFFFFB000  }
0x60: {  	_ =	sfence.sel $0x180000  }
0x61: {  	[bflag:$0x0] =	sbarrier.arrive $0xFFFF  }
0x62: {  	p0 =	sne.s32 s4, $0x0;
	_ =	strace $0x90000050  }
0x63: {  	s0 =	sadd.s32 @!p0 $0x100000, s0;
	[bflag:$0x2] =	sbarrier.arrive $0xFFFF  }
0x64: {  	[sflag:s0] =	ssyncadd.tile.s32 @!p0 $0x1;
	_ =	shalt  }
.Lfunc_end2:
_tile_overlayer_lowered:
.L_overlay_start_2:
0x65: {  	(tag) =	ssettag $0x2  }
0x66: {  	s0 =	rddreg [dreg:$0x0];
	s2 =	stileid.u32  }
0x67: {  	s1 =	rddreg [dreg:$0x1];
	p0 =	sne.s32 s2, $0x0  }
0x68: {  	s3 =	rddreg [dreg:$0x2];
	[bflag:$0x3] =	sbarrier.arrive $0xFFFF;
	s2 =	simm.s32 @!p0 $0x1C02  }
0x69: {  	[timem:s3], [sflag:s2] =	dma.local @!p0 [hbm:s0], s1  }
0x6a: {  	s0 =	simm.s32 @!p0 $0x2  }
0x6b: {  	_ =	swait.ge @!p0 [sflag:s0], s1  }
0x6c: {  	s1 =	ssub.s32 @!p0 $0x0, s1;
	[sflag:s0] =	ssyncset.done @!p0 $0x0  }
0x6d: {  	[sflag:s0] =	ssyncadd.s32 @!p0 s1  }
0x6e: {  	[bflag:$0x3] =	sbarrier.arrive $0xFFFF  }
0x6f: {  	_ =	shalt  }

</sc_bundles>
